<compile_context>
chip_gen: v7x
topology: tpu7x:2x2x1
jax: 0.10.2.dev20260603
libtpu: 0.0.44.dev20260713+nightly
codegen_flags: <defaults>
</compile_context>

<pallas_src>
import jax
import jax.numpy as jnp
from jax import lax
from jax.experimental import pallas as pl
from jax.experimental.pallas import tpu as pltpu
from jax.experimental.pallas import tpu_sc as plsc

D2 = 128
D12 = 128 * 128
VOL = 128 * 128 * 128
N_IN = 200000
C = 16
L = 16
NC, NS = 2, 16
NW = NC * NS
SEG = 3200
NSEG = 64
NP = SEG * NSEG
SEGS_PER_TILE = NSEG // NW
SCHUNKS = SEG // 128
K = 8192
DMAX = 16513
PAD_BASE = 2 ** 30
PAD_STEP = 40000
NOFF = 27
SEARCH_STEPS = 14
BLK = 8192
NULL_ROWS = [o * NP + N_IN for o in range(NOFF)]

DELTAS = [(k0 - 1) * D12 + (k1 - 1) * D2 + (k2 - 1)
          for k0 in range(3) for k1 in range(3) for k2 in range(3)]
CENTER_O = DELTAS.index(0)

_MESH = plsc.VectorSubcoreMesh(core_axis_name="c", subcore_axis_name="s",
                               num_cores=NC, num_subcores=NS)


def _permute_body(featsp_hbm, ordp_hbm, fs_hbm, ordv_ref, buf_ref, sem):
    wid = lax.axis_index("s") * NC + lax.axis_index("c")

    def fire(c, carry):
        pltpu.async_copy(featsp_hbm.at[ordv_ref.at[c]],
                         buf_ref.at[pl.ds(c * 128, 128)], sem)
        return carry

    def drain(c, carry):
        pltpu.make_async_copy(featsp_hbm.at[pl.ds(0, 128)],
                              buf_ref.at[pl.ds(c * 128, 128)], sem).wait()
        return carry

    for r in range(SEGS_PER_TILE):
        seg = wid * SEGS_PER_TILE + r
        pltpu.sync_copy(ordp_hbm.at[seg], ordv_ref)
        lax.fori_loop(0, SCHUNKS, fire, 0)
        lax.fori_loop(0, SCHUNKS, drain, 0)
        pltpu.sync_copy(buf_ref, fs_hbm.at[pl.ds(seg * SEG, SEG)])


def _matmul_body(fs_ref, wT_ref, bias_ref, F_ref):
    o = pl.program_id(1)
    r = jnp.dot(fs_ref[...], wT_ref[0],
                preferred_element_type=jnp.float32)
    F_ref[...] = r + jnp.where(o == CENTER_O, 1.0, 0.0) * bias_ref[...]


def _conv_body(spp_hbm, starts_hbm, ordp_hbm, zeros_hbm, dl_hbm, F_hbm,
               out_hbm, win_ref, q_ref, idx_ref, acc_ref, ordv_ref, st_ref,
               dl_ref, sem01, sem2):
    wid = lax.axis_index("s") * NC + lax.axis_index("c")
    pltpu.sync_copy(starts_hbm, st_ref)
    pltpu.sync_copy(dl_hbm, dl_ref)

    def extract(ref, i):
        vec = ref[pl.ds((i // 16) * 16, 16)]
        return jnp.sum(jnp.where(lax.iota(jnp.int32, 16) == (i % 16), vec, 0))

    for r in range(SEGS_PER_TILE):
        seg = wid * SEGS_PER_TILE + r
        start = pl.multiple_of(extract(st_ref, seg), 8)
        pltpu.sync_copy(spp_hbm.at[pl.ds(start, K)], win_ref)
        pltpu.sync_copy(spp_hbm.at[pl.ds(seg * SEG, SEG)], q_ref)
        pltpu.sync_copy(ordp_hbm.at[seg], ordv_ref)
        pltpu.sync_copy(zeros_hbm, acc_ref)

        def drain_loop():
            def drain_body(c, carry):
                pltpu.make_async_copy(F_hbm.at[pl.ds(0, 128)],
                                      acc_ref.at[pl.ds(c * 128, 128)],
                                      sem01).wait()
                return carry
            lax.fori_loop(0, SCHUNKS, drain_body, 0)

        def offset_body(o, carry):
            b = o % 2
            delta = extract(dl_ref, o)

            def search_body(v, c2):
                q = q_ref[pl.ds(v * L, L)] + delta
                lo = jnp.zeros((L,), jnp.int32)
                hi = jnp.full((L,), K, jnp.int32)
                for _ in range(SEARCH_STEPS):
                    mid = (lo + hi) >> 1
                    wv = plsc.load_gather(win_ref, [mid])
                    pred = wv < q
                    lo = jnp.where(pred, mid + 1, lo)
                    hi = jnp.where(pred, hi, mid)
                pc = jnp.minimum(lo, K - 1)
                val = plsc.load_gather(win_ref, [pc])
                ok = (lo < K) & (val == q)
                gidx = jnp.where(ok, start + pc + o * NP, o * NP + N_IN)
                idx_ref[b, v // 8, pl.ds((v % 8) * L, L)] = gidx
                return c2

            lax.fori_loop(0, SEG // L, search_body, 0)

            @pl.when(o >= 1)
            def _():
                drain_loop()

            def fire_body(c, c2):
                pltpu.async_copy(F_hbm.at[idx_ref.at[b, c]],
                                 acc_ref.at[pl.ds(c * 128, 128)],
                                 sem01, add=True)
                return c2

            lax.fori_loop(0, SCHUNKS, fire_body, 0)
            return carry

        lax.fori_loop(0, NOFF, offset_body, 0)
        drain_loop()

        def scat_body(c, carry):
            pltpu.async_copy(acc_ref.at[pl.ds(c * 128, 128)],
                             out_hbm.at[ordv_ref.at[c]], sem2)
            return carry

        def scat_drain(c, carry):
            pltpu.make_async_copy(acc_ref.at[pl.ds(c * 128, 128)],
                                  out_hbm.at[pl.ds(0, 128)], sem2).wait()
            return carry

        lax.fori_loop(0, SCHUNKS, scat_body, 0)
        lax.fori_loop(0, SCHUNKS, scat_drain, 0)


def kernel(features, indices, weight, bias):
    N, c_in = features.shape
    c_out = weight.shape[0]
    packed = (indices[:, 0].astype(jnp.int32) * VOL
              + indices[:, 1].astype(jnp.int32) * D12
              + indices[:, 2].astype(jnp.int32) * D2
              + indices[:, 3].astype(jnp.int32))
    order = jnp.argsort(packed).astype(jnp.int32)
    sp = packed[order]
    pads = PAD_BASE + PAD_STEP * jnp.arange(NP - N + K, dtype=jnp.int32)
    spp = jnp.concatenate([sp, pads])
    ordp = jnp.concatenate(
        [order, jnp.arange(N, NP, dtype=jnp.int32)]).reshape(NSEG, SCHUNKS, 128)
    featsp = jnp.concatenate(
        [features, jnp.zeros((NP - N, c_in), jnp.float32)])
    seg_first = spp[jnp.arange(NSEG) * SEG]
    starts = ((jnp.searchsorted(spp, seg_first - DMAX) // 8) * 8).astype(jnp.int32)
    wT = jnp.transpose(weight, (1, 2, 3, 4, 0)).reshape(NOFF, c_in, c_out)
    zeros = jnp.zeros((SEG, C), jnp.float32)
    dl = jnp.array(DELTAS + [0] * (32 - NOFF), dtype=jnp.int32)

    fs = pl.kernel(
        _permute_body,
        out_type=jax.ShapeDtypeStruct((NP, C), jnp.float32),
        mesh=_MESH,
        compiler_params=pltpu.CompilerParams(use_tc_tiling_on_sc=False, needs_layout_passes=False),
        scratch_types=[
            pltpu.VMEM((SCHUNKS, 128), jnp.int32),
            pltpu.VMEM((SEG, C), jnp.float32),
            pltpu.SemaphoreType.DMA,
        ],
    )(featsp, ordp)

    F = pl.pallas_call(
        _matmul_body,
        grid=(NP // BLK, NOFF),
        in_specs=[
            pl.BlockSpec((BLK, C), lambda i, o: (i, 0)),
            pl.BlockSpec((1, C, C), lambda i, o: (o, 0, 0)),
            pl.BlockSpec((1, C), lambda i, o: (0, 0)),
        ],
        out_specs=pl.BlockSpec((BLK, C), lambda i, o: (o * (NP // BLK) + i, 0)),
        out_shape=jax.ShapeDtypeStruct((NOFF * NP, C), jnp.float32),
    )(fs, wT, bias[None, :])

    out = pl.kernel(
        _conv_body,
        out_type=jax.ShapeDtypeStruct((NP, C), jnp.float32),
        mesh=_MESH,
        compiler_params=pltpu.CompilerParams(use_tc_tiling_on_sc=False, needs_layout_passes=False),
        scratch_types=[
            pltpu.VMEM((K,), jnp.int32),
            pltpu.VMEM((SEG,), jnp.int32),
            pltpu.VMEM((2, SCHUNKS, 128), jnp.int32),
            pltpu.VMEM((SEG, C), jnp.float32),
            pltpu.VMEM((SCHUNKS, 128), jnp.int32),
            pltpu.VMEM((NSEG,), jnp.int32),
            pltpu.VMEM((32,), jnp.int32),
            pltpu.SemaphoreType.DMA,
            pltpu.SemaphoreType.DMA,
        ],
    )(spp, starts, ordp, zeros, dl, F)
    return out[:N]

# --- scband reference (transcript-rebuilt; emitter-appended) ---
"""Pipeline reference for scband-sub-mconv3d-torch-38491496906942 (READ-ONLY COPY).

The authoritative reference and input builder live on the scoring server;
editing this copy changes nothing except your own understanding.
"""

import jax, jax.numpy as jnp
import numpy as np

SPATIAL_SHAPE = (128, 128, 128)
N_VOXELS = 200000
C_IN = 16
C_OUT = 16


def _pack(indices):
    D0, D1, D2 = SPATIAL_SHAPE
    vol = D0 * D1 * D2
    b = indices[:, 0].astype(jnp.int32)
    i0 = indices[:, 1].astype(jnp.int32)
    i1 = indices[:, 2].astype(jnp.int32)
    i2 = indices[:, 3].astype(jnp.int32)
    return b * vol + i0 * (D1 * D2) + i1 * D2 + i2


def setup_inputs(seed: int = 0) -> dict:
    key = jax.random.key(seed)
    k1, k2, k3 = jax.random.split(key, 3)
    features = jax.random.normal(k1, (N_VOXELS, C_IN), dtype=jnp.float32)
    indices = jax.random.randint(k2, (N_VOXELS, 4), 0, 128, dtype=jnp.int32)
    weight = jax.random.normal(k3, (C_OUT, 3, 3, 3, C_IN), dtype=jnp.float32) * 0.02
    bias = jnp.zeros((C_OUT,), dtype=jnp.float32)
    return {"features": features, "indices": indices, "weight": weight, "bias": bias}


def reference(features, indices, weight, bias):
    N = features.shape[0]
    packed = _pack(indices)
    sort_order = jnp.argsort(packed)
    sorted_pack = packed[sort_order]
    out = jnp.zeros((N, weight.shape[0]), dtype=features.dtype)
    for k0 in range(3):
        for k1 in range(3):
            for k2 in range(3):
                off = jnp.array([0, k0 - 1, k1 - 1, k2 - 1], dtype=indices.dtype)
                neigh = indices + off[None, :]
                neigh_pack = _pack(neigh)
                p = jnp.searchsorted(sorted_pack, neigh_pack)
                pc = jnp.minimum(p, N - 1)
                ok = (p < N) & (sorted_pack[pc] == neigh_pack)
                src = jnp.where(ok, sort_order[pc], 0)
                gathered = jnp.where(ok[:, None], features[src], jnp.zeros((), dtype=features.dtype))
                w = weight[:, k0, k1, k2, :]
                out = out + gathered @ w.T
    out = out + bias[None, :]
    return out

if __name__ == "__main__":
    import jax
    _d = setup_inputs()
    print(jax.jit(kernel)(*tuple(_d.values())))

</pallas_src>

<mosaic_0001>
#map = affine_map<(d0, d1) -> (0, 0)>
#map1 = affine_map<(d0, d1) -> (0, 0, 0)>
module attributes {stable_mosaic.version = 14 : i64} {
  func.func @_permute_body(%arg0: i32, %arg1: i32, %arg2: memref<204800x16xf32, #tpu.memory_space<hbm>>, %arg3: memref<64x25x128xi32, #tpu.memory_space<hbm>>, %arg4: memref<204800x16xf32, #tpu.memory_space<hbm>>, %arg5: memref<25x128xi32, #tpu.memory_space<vmem>>, %arg6: memref<3200x16xf32, #tpu.memory_space<vmem>>, %arg7: memref<!tpu.dma_semaphore, #tpu.memory_space<semaphore_mem>>) attributes {dimension_semantics = [#tpu.dimension_semantics<core_parallel>, #tpu.dimension_semantics<subcore_parallel>], iteration_bounds = array<i64: 2, 16>, scalar_prefetch = 0 : i64, scratch_operands = 3 : i64, tpu.core_type = #tpu.core_type<sc_vector_subcore>, window_params = [{transform_indices = #map}, {transform_indices = #map1}, {transform_indices = #map}]} {
    %mul3A = arith.constant 2 : i32
    %mul3A_0 = arith.muli %arg1, %mul3A : i32
    %add3A = arith.addi %mul3A_0, %arg0 : i32
    %mul3A_1 = arith.constant 2 : i32
    %mul3A_2 = arith.muli %add3A, %mul3A_1 : i32
    %add3A_3 = arith.constant 0 : i32
    %add3A_4 = arith.addi %mul3A_2, %add3A_3 : i32
    "tpu.region"() ({
      %run_scoped3A = tpu.sem_alloc : memref<!tpu.dma_semaphore, #tpu.memory_space<semaphore_mem>>
      %dma_start3A = arith.constant 0 : i32
      %dma_start3A_36 = arith.constant 0 : i32
      %dma_start3A_37 = tpu.memref_slice %arg3[%add3A_4, %dma_start3A, %dma_start3A_36] : memref<64x25x128xi32, #tpu.memory_space<hbm>> -> memref<1x25x128xi32, #tpu.memory_space<hbm>>
      %dma_start3A_38 = tpu.memref_squeeze %dma_start3A_37 : memref<1x25x128xi32, #tpu.memory_space<hbm>> -> memref<25x128xi32, #tpu.memory_space<hbm>>
      %dma_start3A_39 = arith.constant 0 : i32
      %dma_start3A_40 = arith.constant 0 : i32
      %dma_start3A_41 = tpu.memref_slice %arg3[%add3A_4, %dma_start3A_39, %dma_start3A_40] : memref<64x25x128xi32, #tpu.memory_space<hbm>> -> memref<1x25x128xi32, #tpu.memory_space<hbm>>
      %dma_start3A_42 = tpu.memref_squeeze %dma_start3A_41 : memref<1x25x128xi32, #tpu.memory_space<hbm>> -> memref<25x128xi32, #tpu.memory_space<hbm>>
      tpu.enqueue_dma source(%dma_start3A_42 : memref<25x128xi32, #tpu.memory_space<hbm>>) target(%arg5 : memref<25x128xi32, #tpu.memory_space<vmem>>) target_semaphore(%run_scoped3A : memref<!tpu.dma_semaphore, #tpu.memory_space<semaphore_mem>>)
      %dma_wait3A = arith.constant 0 : i32
      %dma_wait3A_43 = arith.constant 0 : i32
      %dma_wait3A_44 = tpu.memref_slice %arg3[%add3A_4, %dma_wait3A, %dma_wait3A_43] : memref<64x25x128xi32, #tpu.memory_space<hbm>> -> memref<1x25x128xi32, #tpu.memory_space<hbm>>
      %dma_wait3A_45 = tpu.memref_squeeze %dma_wait3A_44 : memref<1x25x128xi32, #tpu.memory_space<hbm>> -> memref<25x128xi32, #tpu.memory_space<hbm>>
      %dma_wait3A_46 = arith.constant 0 : i32
      %dma_wait3A_47 = arith.constant 0 : i32
      %dma_wait3A_48 = tpu.memref_slice %arg3[%add3A_4, %dma_wait3A_46, %dma_wait3A_47] : memref<64x25x128xi32, #tpu.memory_space<hbm>> -> memref<1x25x128xi32, #tpu.memory_space<hbm>>
      %dma_wait3A_49 = tpu.memref_squeeze %dma_wait3A_48 : memref<1x25x128xi32, #tpu.memory_space<hbm>> -> memref<25x128xi32, #tpu.memory_space<hbm>>
      tpu.wait_dma2 semaphore(%run_scoped3A : memref<!tpu.dma_semaphore, #tpu.memory_space<semaphore_mem>>) src(%dma_wait3A_49 : memref<25x128xi32, #tpu.memory_space<hbm>>) dst(%arg5 : memref<25x128xi32, #tpu.memory_space<vmem>>)
      tpu.yield
    }) : () -> ()
    %scan3A = arith.constant 0 : i32
    %scan3A_5 = arith.constant 0 : i32
    %scan3A_6 = arith.constant 25 : i32
    %scan3A_7 = arith.addi %scan3A_5, %scan3A_6 : i32
    %scan3A_8 = arith.constant 1 : i32
    scf.for %scan3A_36 = %scan3A_5 to %scan3A_7 step %scan3A_8  : i32 {
      %mul3A_37 = arith.constant 128 : i32
      %mul3A_38 = arith.muli %scan3A_36, %mul3A_37 : i32
      %dma_start3A = arith.constant 0 : i32
      %dma_start3A_39 = tpu.memref_slice %arg6[%mul3A_38, %dma_start3A] : memref<3200x16xf32, #tpu.memory_space<vmem>> -> memref<128x16xf32, #tpu.memory_space<vmem>>
      %dma_start3A_40 = arith.constant 0 : i32
      %dma_start3A_41 = tpu.memref_slice %arg5[%scan3A_36, %dma_start3A_40] : memref<25x128xi32, #tpu.memory_space<vmem>> -> memref<1x128xi32, #tpu.memory_space<vmem>>
      %dma_start3A_42 = tpu.memref_squeeze %dma_start3A_41 : memref<1x128xi32, #tpu.memory_space<vmem>> -> memref<128xi32, #tpu.memory_space<vmem>>
      %dma_start3A_43 = arith.constant 0 : i32
      %dma_start3A_44 = arith.constant 0 : i32
      %dma_start3A_45 = tpu.memref_slice %arg2[%dma_start3A_43, %dma_start3A_44] : memref<204800x16xf32, #tpu.memory_space<hbm>> -> memref<204800x16xf32, #tpu.memory_space<hbm>>
      tpu.enqueue_indirect_dma source(%dma_start3A_45 : memref<204800x16xf32, #tpu.memory_space<hbm>>) target(%dma_start3A_39 : memref<128x16xf32, #tpu.memory_space<vmem>>) offsets(%dma_start3A_42 : memref<128xi32, #tpu.memory_space<vmem>>) semaphore(%arg7 : memref<!tpu.dma_semaphore, #tpu.memory_space<semaphore_mem>>)
    }
    %scan3A_9 = arith.constant 25 : i32
    %scan3A_10 = arith.constant 0 : i32
    %scan3A_11 = arith.constant 0 : i32
    %scan3A_12 = arith.constant 25 : i32
    %scan3A_13 = arith.addi %scan3A_11, %scan3A_12 : i32
    %scan3A_14 = arith.constant 1 : i32
    scf.for %scan3A_36 = %scan3A_11 to %scan3A_13 step %scan3A_14  : i32 {
      %mul3A_37 = arith.constant 128 : i32
      %mul3A_38 = arith.muli %scan3A_36, %mul3A_37 : i32
      %dma_wait3A = arith.constant 0 : i32
      %dma_wait3A_39 = tpu.memref_slice %arg6[%mul3A_38, %dma_wait3A] : memref<3200x16xf32, #tpu.memory_space<vmem>> -> memref<128x16xf32, #tpu.memory_space<vmem>>
      %dma_wait3A_40 = arith.constant 0 : i32
      %dma_wait3A_41 = arith.constant 0 : i32
      %dma_wait3A_42 = tpu.memref_slice %arg2[%dma_wait3A_40, %dma_wait3A_41] : memref<204800x16xf32, #tpu.memory_space<hbm>> -> memref<128x16xf32, #tpu.memory_space<hbm>>
      %dma_wait3A_43 = arith.constant 0 : i32
      %dma_wait3A_44 = tpu.memref_slice %arg6[%mul3A_38, %dma_wait3A_43] : memref<3200x16xf32, #tpu.memory_space<vmem>> -> memref<128x16xf32, #tpu.memory_space<vmem>>
      %dma_wait3A_45 = arith.constant 0 : i32
      %dma_wait3A_46 = arith.constant 0 : i32
      %dma_wait3A_47 = tpu.memref_slice %arg2[%dma_wait3A_45, %dma_wait3A_46] : memref<204800x16xf32, #tpu.memory_space<hbm>> -> memref<128x16xf32, #tpu.memory_space<hbm>>
      tpu.wait_dma2 semaphore(%arg7 : memref<!tpu.dma_semaphore, #tpu.memory_space<semaphore_mem>>) src(%dma_wait3A_47 : memref<128x16xf32, #tpu.memory_space<hbm>>) dst(%dma_wait3A_44 : memref<128x16xf32, #tpu.memory_space<vmem>>)
    }
    %scan3A_15 = arith.constant 25 : i32
    %mul3A_16 = arith.constant 3200 : i32
    %mul3A_17 = arith.muli %add3A_4, %mul3A_16 : i32
    "tpu.region"() ({
      %run_scoped3A = tpu.sem_alloc : memref<!tpu.dma_semaphore, #tpu.memory_space<semaphore_mem>>
      %dma_start3A = arith.constant 0 : i32
      %dma_start3A_36 = tpu.memref_slice %arg4[%mul3A_17, %dma_start3A] : memref<204800x16xf32, #tpu.memory_space<hbm>> -> memref<3200x16xf32, #tpu.memory_space<hbm>>
      %dma_start3A_37 = arith.constant 0 : i32
      %dma_start3A_38 = tpu.memref_slice %arg4[%mul3A_17, %dma_start3A_37] : memref<204800x16xf32, #tpu.memory_space<hbm>> -> memref<3200x16xf32, #tpu.memory_space<hbm>>
      tpu.enqueue_dma source(%arg6 : memref<3200x16xf32, #tpu.memory_space<vmem>>) target(%dma_start3A_38 : memref<3200x16xf32, #tpu.memory_space<hbm>>) target_semaphore(%run_scoped3A : memref<!tpu.dma_semaphore, #tpu.memory_space<semaphore_mem>>)
      %dma_wait3A = arith.constant 0 : i32
      %dma_wait3A_39 = tpu.memref_slice %arg4[%mul3A_17, %dma_wait3A] : memref<204800x16xf32, #tpu.memory_space<hbm>> -> memref<3200x16xf32, #tpu.memory_space<hbm>>
      %dma_wait3A_40 = arith.constant 0 : i32
      %dma_wait3A_41 = tpu.memref_slice %arg4[%mul3A_17, %dma_wait3A_40] : memref<204800x16xf32, #tpu.memory_space<hbm>> -> memref<3200x16xf32, #tpu.memory_space<hbm>>
      tpu.wait_dma2 semaphore(%run_scoped3A : memref<!tpu.dma_semaphore, #tpu.memory_space<semaphore_mem>>) src(%arg6 : memref<3200x16xf32, #tpu.memory_space<vmem>>) dst(%dma_wait3A_41 : memref<3200x16xf32, #tpu.memory_space<hbm>>)
      tpu.yield
    }) : () -> ()
    %mul3A_18 = arith.constant 2 : i32
    %mul3A_19 = arith.muli %add3A, %mul3A_18 : i32
    %add3A_20 = arith.constant 1 : i32
    %add3A_21 = arith.addi %mul3A_19, %add3A_20 : i32
    "tpu.region"() ({
      %run_scoped3A = tpu.sem_alloc : memref<!tpu.dma_semaphore, #tpu.memory_space<semaphore_mem>>
      %dma_start3A = arith.constant 0 : i32
      %dma_start3A_36 = arith.constant 0 : i32
      %dma_start3A_37 = tpu.memref_slice %arg3[%add3A_21, %dma_start3A, %dma_start3A_36] : memref<64x25x128xi32, #tpu.memory_space<hbm>> -> memref<1x25x128xi32, #tpu.memory_space<hbm>>
      %dma_start3A_38 = tpu.memref_squeeze %dma_start3A_37 : memref<1x25x128xi32, #tpu.memory_space<hbm>> -> memref<25x128xi32, #tpu.memory_space<hbm>>
      %dma_start3A_39 = arith.constant 0 : i32
      %dma_start3A_40 = arith.constant 0 : i32
      %dma_start3A_41 = tpu.memref_slice %arg3[%add3A_21, %dma_start3A_39, %dma_start3A_40] : memref<64x25x128xi32, #tpu.memory_space<hbm>> -> memref<1x25x128xi32, #tpu.memory_space<hbm>>
      %dma_start3A_42 = tpu.memref_squeeze %dma_start3A_41 : memref<1x25x128xi32, #tpu.memory_space<hbm>> -> memref<25x128xi32, #tpu.memory_space<hbm>>
      tpu.enqueue_dma source(%dma_start3A_42 : memref<25x128xi32, #tpu.memory_space<hbm>>) target(%arg5 : memref<25x128xi32, #tpu.memory_space<vmem>>) target_semaphore(%run_scoped3A : memref<!tpu.dma_semaphore, #tpu.memory_space<semaphore_mem>>)
      %dma_wait3A = arith.constant 0 : i32
      %dma_wait3A_43 = arith.constant 0 : i32
      %dma_wait3A_44 = tpu.memref_slice %arg3[%add3A_21, %dma_wait3A, %dma_wait3A_43] : memref<64x25x128xi32, #tpu.memory_space<hbm>> -> memref<1x25x128xi32, #tpu.memory_space<hbm>>
      %dma_wait3A_45 = tpu.memref_squeeze %dma_wait3A_44 : memref<1x25x128xi32, #tpu.memory_space<hbm>> -> memref<25x128xi32, #tpu.memory_space<hbm>>
      %dma_wait3A_46 = arith.constant 0 : i32
      %dma_wait3A_47 = arith.constant 0 : i32
      %dma_wait3A_48 = tpu.memref_slice %arg3[%add3A_21, %dma_wait3A_46, %dma_wait3A_47] : memref<64x25x128xi32, #tpu.memory_space<hbm>> -> memref<1x25x128xi32, #tpu.memory_space<hbm>>
      %dma_wait3A_49 = tpu.memref_squeeze %dma_wait3A_48 : memref<1x25x128xi32, #tpu.memory_space<hbm>> -> memref<25x128xi32, #tpu.memory_space<hbm>>
      tpu.wait_dma2 semaphore(%run_scoped3A : memref<!tpu.dma_semaphore, #tpu.memory_space<semaphore_mem>>) src(%dma_wait3A_49 : memref<25x128xi32, #tpu.memory_space<hbm>>) dst(%arg5 : memref<25x128xi32, #tpu.memory_space<vmem>>)
      tpu.yield
    }) : () -> ()
    %scan3A_22 = arith.constant 0 : i32
    %scan3A_23 = arith.constant 0 : i32
    %scan3A_24 = arith.constant 25 : i32
    %scan3A_25 = arith.addi %scan3A_23, %scan3A_24 : i32
    %scan3A_26 = arith.constant 1 : i32
    scf.for %scan3A_36 = %scan3A_23 to %scan3A_25 step %scan3A_26  : i32 {
      %mul3A_37 = arith.constant 128 : i32
      %mul3A_38 = arith.muli %scan3A_36, %mul3A_37 : i32
      %dma_start3A = arith.constant 0 : i32
      %dma_start3A_39 = tpu.memref_slice %arg6[%mul3A_38, %dma_start3A] : memref<3200x16xf32, #tpu.memory_space<vmem>> -> memref<128x16xf32, #tpu.memory_space<vmem>>
      %dma_start3A_40 = arith.constant 0 : i32
      %dma_start3A_41 = tpu.memref_slice %arg5[%scan3A_36, %dma_start3A_40] : memref<25x128xi32, #tpu.memory_space<vmem>> -> memref<1x128xi32, #tpu.memory_space<vmem>>
      %dma_start3A_42 = tpu.memref_squeeze %dma_start3A_41 : memref<1x128xi32, #tpu.memory_space<vmem>> -> memref<128xi32, #tpu.memory_space<vmem>>
      %dma_start3A_43 = arith.constant 0 : i32
      %dma_start3A_44 = arith.constant 0 : i32
      %dma_start3A_45 = tpu.memref_slice %arg2[%dma_start3A_43, %dma_start3A_44] : memref<204800x16xf32, #tpu.memory_space<hbm>> -> memref<204800x16xf32, #tpu.memory_space<hbm>>
      tpu.enqueue_indirect_dma source(%dma_start3A_45 : memref<204800x16xf32, #tpu.memory_space<hbm>>) target(%dma_start3A_39 : memref<128x16xf32, #tpu.memory_space<vmem>>) offsets(%dma_start3A_42 : memref<128xi32, #tpu.memory_space<vmem>>) semaphore(%arg7 : memref<!tpu.dma_semaphore, #tpu.memory_space<semaphore_mem>>)
    }
    %scan3A_27 = arith.constant 25 : i32
    %scan3A_28 = arith.constant 0 : i32
    %scan3A_29 = arith.constant 0 : i32
    %scan3A_30 = arith.constant 25 : i32
    %scan3A_31 = arith.addi %scan3A_29, %scan3A_30 : i32
    %scan3A_32 = arith.constant 1 : i32
    scf.for %scan3A_36 = %scan3A_29 to %scan3A_31 step %scan3A_32  : i32 {
      %mul3A_37 = arith.constant 128 : i32
      %mul3A_38 = arith.muli %scan3A_36, %mul3A_37 : i32
      %dma_wait3A = arith.constant 0 : i32
      %dma_wait3A_39 = tpu.memref_slice %arg6[%mul3A_38, %dma_wait3A] : memref<3200x16xf32, #tpu.memory_space<vmem>> -> memref<128x16xf32, #tpu.memory_space<vmem>>
      %dma_wait3A_40 = arith.constant 0 : i32
      %dma_wait3A_41 = arith.constant 0 : i32
      %dma_wait3A_42 = tpu.memref_slice %arg2[%dma_wait3A_40, %dma_wait3A_41] : memref<204800x16xf32, #tpu.memory_space<hbm>> -> memref<128x16xf32, #tpu.memory_space<hbm>>
      %dma_wait3A_43 = arith.constant 0 : i32
      %dma_wait3A_44 = tpu.memref_slice %arg6[%mul3A_38, %dma_wait3A_43] : memref<3200x16xf32, #tpu.memory_space<vmem>> -> memref<128x16xf32, #tpu.memory_space<vmem>>
      %dma_wait3A_45 = arith.constant 0 : i32
      %dma_wait3A_46 = arith.constant 0 : i32
      %dma_wait3A_47 = tpu.memref_slice %arg2[%dma_wait3A_45, %dma_wait3A_46] : memref<204800x16xf32, #tpu.memory_space<hbm>> -> memref<128x16xf32, #tpu.memory_space<hbm>>
      tpu.wait_dma2 semaphore(%arg7 : memref<!tpu.dma_semaphore, #tpu.memory_space<semaphore_mem>>) src(%dma_wait3A_47 : memref<128x16xf32, #tpu.memory_space<hbm>>) dst(%dma_wait3A_44 : memref<128x16xf32, #tpu.memory_space<vmem>>)
    }
    %scan3A_33 = arith.constant 25 : i32
    %mul3A_34 = arith.constant 3200 : i32
    %mul3A_35 = arith.muli %add3A_21, %mul3A_34 : i32
    "tpu.region"() ({
      %run_scoped3A = tpu.sem_alloc : memref<!tpu.dma_semaphore, #tpu.memory_space<semaphore_mem>>
      %dma_start3A = arith.constant 0 : i32
      %dma_start3A_36 = tpu.memref_slice %arg4[%mul3A_35, %dma_start3A] : memref<204800x16xf32, #tpu.memory_space<hbm>> -> memref<3200x16xf32, #tpu.memory_space<hbm>>
      %dma_start3A_37 = arith.constant 0 : i32
      %dma_start3A_38 = tpu.memref_slice %arg4[%mul3A_35, %dma_start3A_37] : memref<204800x16xf32, #tpu.memory_space<hbm>> -> memref<3200x16xf32, #tpu.memory_space<hbm>>
      tpu.enqueue_dma source(%arg6 : memref<3200x16xf32, #tpu.memory_space<vmem>>) target(%dma_start3A_38 : memref<3200x16xf32, #tpu.memory_space<hbm>>) target_semaphore(%run_scoped3A : memref<!tpu.dma_semaphore, #tpu.memory_space<semaphore_mem>>)
      %dma_wait3A = arith.constant 0 : i32
      %dma_wait3A_39 = tpu.memref_slice %arg4[%mul3A_35, %dma_wait3A] : memref<204800x16xf32, #tpu.memory_space<hbm>> -> memref<3200x16xf32, #tpu.memory_space<hbm>>
      %dma_wait3A_40 = arith.constant 0 : i32
      %dma_wait3A_41 = tpu.memref_slice %arg4[%mul3A_35, %dma_wait3A_40] : memref<204800x16xf32, #tpu.memory_space<hbm>> -> memref<3200x16xf32, #tpu.memory_space<hbm>>
      tpu.wait_dma2 semaphore(%run_scoped3A : memref<!tpu.dma_semaphore, #tpu.memory_space<semaphore_mem>>) src(%arg6 : memref<3200x16xf32, #tpu.memory_space<vmem>>) dst(%dma_wait3A_41 : memref<3200x16xf32, #tpu.memory_space<hbm>>)
      tpu.yield
    }) : () -> ()
    return
  }
}

#map = affine_map<(d0, d1) -> (0)>
#map1 = affine_map<(d0, d1) -> (0, 0, 0)>
#map2 = affine_map<(d0, d1) -> (0, 0)>
module attributes {stable_mosaic.version = 14 : i64} {
  func.func @_conv_body(%arg0: i32, %arg1: i32, %arg2: memref<212992xi32, #tpu.memory_space<hbm>>, %arg3: memref<64xi32, #tpu.memory_space<hbm>>, %arg4: memref<64x25x128xi32, #tpu.memory_space<hbm>>, %arg5: memref<3200x16xf32, #tpu.memory_space<hbm>>, %arg6: memref<32xi32, #tpu.memory_space<hbm>>, %arg7: memref<5529600x16xf32, #tpu.memory_space<hbm>>, %arg8: memref<204800x16xf32, #tpu.memory_space<hbm>>, %arg9: memref<8192xi32, #tpu.memory_space<vmem>>, %arg10: memref<3200xi32, #tpu.memory_space<vmem>>, %arg11: memref<2x25x128xi32, #tpu.memory_space<vmem>>, %arg12: memref<3200x16xf32, #tpu.memory_space<vmem>>, %arg13: memref<25x128xi32, #tpu.memory_space<vmem>>, %arg14: memref<64xi32, #tpu.memory_space<vmem>>, %arg15: memref<32xi32, #tpu.memory_space<vmem>>, %arg16: memref<!tpu.dma_semaphore, #tpu.memory_space<semaphore_mem>>, %arg17: memref<!tpu.dma_semaphore, #tpu.memory_space<semaphore_mem>>) attributes {dimension_semantics = [#tpu.dimension_semantics<core_parallel>, #tpu.dimension_semantics<subcore_parallel>], iteration_bounds = array<i64: 2, 16>, scalar_prefetch = 0 : i64, scratch_operands = 9 : i64, tpu.core_type = #tpu.core_type<sc_vector_subcore>, window_params = [{transform_indices = #map}, {transform_indices = #map}, {transform_indices = #map1}, {transform_indices = #map2}, {transform_indices = #map}, {transform_indices = #map2}, {transform_indices = #map2}]} {
    %mul3A = arith.constant 2 : i32
    %mul3A_0 = arith.muli %arg1, %mul3A : i32
    %add3A = arith.addi %mul3A_0, %arg0 : i32
    "tpu.region"() ({
      %run_scoped3A = tpu.sem_alloc : memref<!tpu.dma_semaphore, #tpu.memory_space<semaphore_mem>>
      tpu.enqueue_dma source(%arg3 : memref<64xi32, #tpu.memory_space<hbm>>) target(%arg14 : memref<64xi32, #tpu.memory_space<vmem>>) target_semaphore(%run_scoped3A : memref<!tpu.dma_semaphore, #tpu.memory_space<semaphore_mem>>)
      tpu.wait_dma2 semaphore(%run_scoped3A : memref<!tpu.dma_semaphore, #tpu.memory_space<semaphore_mem>>) src(%arg3 : memref<64xi32, #tpu.memory_space<hbm>>) dst(%arg14 : memref<64xi32, #tpu.memory_space<vmem>>)
      tpu.yield
    }) : () -> ()
    "tpu.region"() ({
      %run_scoped3A = tpu.sem_alloc : memref<!tpu.dma_semaphore, #tpu.memory_space<semaphore_mem>>
      tpu.enqueue_dma source(%arg6 : memref<32xi32, #tpu.memory_space<hbm>>) target(%arg15 : memref<32xi32, #tpu.memory_space<vmem>>) target_semaphore(%run_scoped3A : memref<!tpu.dma_semaphore, #tpu.memory_space<semaphore_mem>>)
      tpu.wait_dma2 semaphore(%run_scoped3A : memref<!tpu.dma_semaphore, #tpu.memory_space<semaphore_mem>>) src(%arg6 : memref<32xi32, #tpu.memory_space<hbm>>) dst(%arg15 : memref<32xi32, #tpu.memory_space<vmem>>)
      tpu.yield
    }) : () -> ()
    %mul3A_1 = arith.constant 2 : i32
    %mul3A_2 = arith.muli %add3A, %mul3A_1 : i32
    %add3A_3 = arith.constant 0 : i32
    %add3A_4 = arith.addi %mul3A_2, %add3A_3 : i32
    %jit3A = arith.constant 16 : i32
    %div3A = arith.divsi %add3A_4, %jit3A : i32
    %sign3A = arith.constant 0 : i32
    %sign3A_5 = arith.cmpi sgt, %add3A_4, %sign3A : i32
    %sign3A_6 = arith.extui %sign3A_5 : i1 to i32
    %sign3A_7 = arith.constant 0 : i32
    %sign3A_8 = arith.cmpi slt, %add3A_4, %sign3A_7 : i32
    %sign3A_9 = arith.extui %sign3A_8 : i1 to i32
    %sign3A_10 = arith.subi %sign3A_6, %sign3A_9 : i32
    %sign3A_11 = arith.constant 0 : i32
    %sign3A_12 = arith.cmpi sgt, %jit3A, %sign3A_11 : i32
    %sign3A_13 = arith.extui %sign3A_12 : i1 to i32
    %sign3A_14 = arith.constant 0 : i32
    %sign3A_15 = arith.cmpi slt, %jit3A, %sign3A_14 : i32
    %sign3A_16 = arith.extui %sign3A_15 : i1 to i32
    %sign3A_17 = arith.subi %sign3A_13, %sign3A_16 : i32
    %ne3A = arith.cmpi ne, %sign3A_10, %sign3A_17 : i32
    %rem3A = arith.remsi %add3A_4, %jit3A : i32
    %ne3A_18 = arith.constant 0 : i32
    %ne3A_19 = arith.cmpi ne, %rem3A, %ne3A_18 : i32
    %and3A = arith.andi %ne3A, %ne3A_19 : i1
    %sub3A = arith.constant 1 : i32
    %sub3A_20 = arith.subi %div3A, %sub3A : i32
    %select_n3A = arith.select %and3A, %sub3A_20, %div3A : i32
    %mul3A_21 = arith.constant 16 : i32
    %mul3A_22 = arith.muli %select_n3A, %mul3A_21 : i32
    %get3A = arith.index_cast %mul3A_22 : i32 to index
    %get3A_23 = tpu.vector_load %arg14[%get3A] {strides = array<i32>} : memref<64xi32, #tpu.memory_space<vmem>>, vector<16xi32>,
    %iota3A = tpu.iota {dimensions = array<i32: 0>} : vector<16xi32>
    %jit3A_24 = arith.constant 16 : i32
    %eq3A = arith.constant 0 : i32
    %eq3A_25 = arith.cmpi eq, %jit3A_24, %eq3A : i32
    %jit3A_26 = arith.constant 1 : i32
    %select_n3A_27 = arith.select %eq3A_25, %jit3A_26, %jit3A_24 : i32
    %rem3A_28 = arith.remsi %add3A_4, %select_n3A_27 : i32
    %ne3A_29 = arith.constant 0 : i32
    %ne3A_30 = arith.cmpi ne, %rem3A_28, %ne3A_29 : i32
    %lt3A = arith.constant 0 : i32
    %lt3A_31 = arith.cmpi slt, %rem3A_28, %lt3A : i32
    %lt3A_32 = arith.constant 0 : i32
    %lt3A_33 = arith.cmpi slt, %select_n3A_27, %lt3A_32 : i32
    %ne3A_34 = arith.xori %lt3A_31, %lt3A_33 : i1
    %and3A_35 = arith.andi %ne3A_34, %ne3A_30 : i1
    %add3A_36 = arith.addi %rem3A_28, %select_n3A_27 : i32
    %select_n3A_37 = arith.select %and3A_35, %add3A_36, %rem3A_28 : i32
    %eq3A_38 = vector.broadcast %select_n3A_37 : i32 to vector<16xi32>
    %eq3A_39 = arith.cmpi eq, %iota3A, %eq3A_38 : vector<16xi32>
    %jit3A_40 = arith.constant 0 : i32
    %broadcast_in_dim3A = vector.broadcast %jit3A_40 : i32 to vector<16xi32>
    %select_n3A_41 = arith.select %eq3A_39, %get3A_23, %broadcast_in_dim3A : vector<16xi1>, vector<16xi32>
    %reduce_sum3A = arith.constant true
    %reduce_sum3A_42 = vector.broadcast %reduce_sum3A : i1 to vector<16xi1>
    %reduce_sum3A_43 = tpu.scan <sum>, %select_n3A_41 masked %reduce_sum3A_42 : vector<16xi32>, vector<16xi1> -> vector<16xi32>
    %reduce_sum3A_44 = vector.extract %reduce_sum3A_43[15] : i32 from vector<16xi32>
    %multiple_of3A = tpu.assume_multiple %reduce_sum3A_44, 8 : i32
    "tpu.region"() ({
      %run_scoped3A = tpu.sem_alloc : memref<!tpu.dma_semaphore, #tpu.memory_space<semaphore_mem>>
      %dma_start3A = tpu.memref_slice %arg2[%multiple_of3A] : memref<212992xi32, #tpu.memory_space<hbm>> -> memref<8192xi32, #tpu.memory_space<hbm>>
      %dma_start3A_155 = tpu.memref_slice %arg2[%multiple_of3A] : memref<212992xi32, #tpu.memory_space<hbm>> -> memref<8192xi32, #tpu.memory_space<hbm>>
      tpu.enqueue_dma source(%dma_start3A_155 : memref<8192xi32, #tpu.memory_space<hbm>>) target(%arg9 : memref<8192xi32, #tpu.memory_space<vmem>>) target_semaphore(%run_scoped3A : memref<!tpu.dma_semaphore, #tpu.memory_space<semaphore_mem>>)
      %dma_wait3A = tpu.memref_slice %arg2[%multiple_of3A] : memref<212992xi32, #tpu.memory_space<hbm>> -> memref<8192xi32, #tpu.memory_space<hbm>>
      %dma_wait3A_156 = tpu.memref_slice %arg2[%multiple_of3A] : memref<212992xi32, #tpu.memory_space<hbm>> -> memref<8192xi32, #tpu.memory_space<hbm>>
      tpu.wait_dma2 semaphore(%run_scoped3A : memref<!tpu.dma_semaphore, #tpu.memory_space<semaphore_mem>>) src(%dma_wait3A_156 : memref<8192xi32, #tpu.memory_space<hbm>>) dst(%arg9 : memref<8192xi32, #tpu.memory_space<vmem>>)
      tpu.yield
    }) : () -> ()
    %mul3A_45 = arith.constant 3200 : i32
    %mul3A_46 = arith.muli %add3A_4, %mul3A_45 : i32
    "tpu.region"() ({
      %run_scoped3A = tpu.sem_alloc : memref<!tpu.dma_semaphore, #tpu.memory_space<semaphore_mem>>
      %dma_start3A = tpu.memref_slice %arg2[%mul3A_46] : memref<212992xi32, #tpu.memory_space<hbm>> -> memref<3200xi32, #tpu.memory_space<hbm>>
      %dma_start3A_155 = tpu.memref_slice %arg2[%mul3A_46] : memref<212992xi32, #tpu.memory_space<hbm>> -> memref<3200xi32, #tpu.memory_space<hbm>>
      tpu.enqueue_dma source(%dma_start3A_155 : memref<3200xi32, #tpu.memory_space<hbm>>) target(%arg10 : memref<3200xi32, #tpu.memory_space<vmem>>) target_semaphore(%run_scoped3A : memref<!tpu.dma_semaphore, #tpu.memory_space<semaphore_mem>>)
      %dma_wait3A = tpu.memref_slice %arg2[%mul3A_46] : memref<212992xi32, #tpu.memory_space<hbm>> -> memref<3200xi32, #tpu.memory_space<hbm>>
      %dma_wait3A_156 = tpu.memref_slice %arg2[%mul3A_46] : memref<212992xi32, #tpu.memory_space<hbm>> -> memref<3200xi32, #tpu.memory_space<hbm>>
      tpu.wait_dma2 semaphore(%run_scoped3A : memref<!tpu.dma_semaphore, #tpu.memory_space<semaphore_mem>>) src(%dma_wait3A_156 : memref<3200xi32, #tpu.memory_space<hbm>>) dst(%arg10 : memref<3200xi32, #tpu.memory_space<vmem>>)
      tpu.yield
    }) : () -> ()
    "tpu.region"() ({
      %run_scoped3A = tpu.sem_alloc : memref<!tpu.dma_semaphore, #tpu.memory_space<semaphore_mem>>
      %dma_start3A = arith.constant 0 : i32
      %dma_start3A_155 = arith.constant 0 : i32
      %dma_start3A_156 = tpu.memref_slice %arg4[%add3A_4, %dma_start3A, %dma_start3A_155] : memref<64x25x128xi32, #tpu.memory_space<hbm>> -> memref<1x25x128xi32, #tpu.memory_space<hbm>>
      %dma_start3A_157 = tpu.memref_squeeze %dma_start3A_156 : memref<1x25x128xi32, #tpu.memory_space<hbm>> -> memref<25x128xi32, #tpu.memory_space<hbm>>
      %dma_start3A_158 = arith.constant 0 : i32
      %dma_start3A_159 = arith.constant 0 : i32
      %dma_start3A_160 = tpu.memref_slice %arg4[%add3A_4, %dma_start3A_158, %dma_start3A_159] : memref<64x25x128xi32, #tpu.memory_space<hbm>> -> memref<1x25x128xi32, #tpu.memory_space<hbm>>
      %dma_start3A_161 = tpu.memref_squeeze %dma_start3A_160 : memref<1x25x128xi32, #tpu.memory_space<hbm>> -> memref<25x128xi32, #tpu.memory_space<hbm>>
      tpu.enqueue_dma source(%dma_start3A_161 : memref<25x128xi32, #tpu.memory_space<hbm>>) target(%arg13 : memref<25x128xi32, #tpu.memory_space<vmem>>) target_semaphore(%run_scoped3A : memref<!tpu.dma_semaphore, #tpu.memory_space<semaphore_mem>>)
      %dma_wait3A = arith.constant 0 : i32
      %dma_wait3A_162 = arith.constant 0 : i32
      %dma_wait3A_163 = tpu.memref_slice %arg4[%add3A_4, %dma_wait3A, %dma_wait3A_162] : memref<64x25x128xi32, #tpu.memory_space<hbm>> -> memref<1x25x128xi32, #tpu.memory_space<hbm>>
      %dma_wait3A_164 = tpu.memref_squeeze %dma_wait3A_163 : memref<1x25x128xi32, #tpu.memory_space<hbm>> -> memref<25x128xi32, #tpu.memory_space<hbm>>
      %dma_wait3A_165 = arith.constant 0 : i32
      %dma_wait3A_166 = arith.constant 0 : i32
      %dma_wait3A_167 = tpu.memref_slice %arg4[%add3A_4, %dma_wait3A_165, %dma_wait3A_166] : memref<64x25x128xi32, #tpu.memory_space<hbm>> -> memref<1x25x128xi32, #tpu.memory_space<hbm>>
      %dma_wait3A_168 = tpu.memref_squeeze %dma_wait3A_167 : memref<1x25x128xi32, #tpu.memory_space<hbm>> -> memref<25x128xi32, #tpu.memory_space<hbm>>
      tpu.wait_dma2 semaphore(%run_scoped3A : memref<!tpu.dma_semaphore, #tpu.memory_space<semaphore_mem>>) src(%dma_wait3A_168 : memref<25x128xi32, #tpu.memory_space<hbm>>) dst(%arg13 : memref<25x128xi32, #tpu.memory_space<vmem>>)
      tpu.yield
    }) : () -> ()
    "tpu.region"() ({
      %run_scoped3A = tpu.sem_alloc : memref<!tpu.dma_semaphore, #tpu.memory_space<semaphore_mem>>
      tpu.enqueue_dma source(%arg5 : memref<3200x16xf32, #tpu.memory_space<hbm>>) target(%arg12 : memref<3200x16xf32, #tpu.memory_space<vmem>>) target_semaphore(%run_scoped3A : memref<!tpu.dma_semaphore, #tpu.memory_space<semaphore_mem>>)
      tpu.wait_dma2 semaphore(%run_scoped3A : memref<!tpu.dma_semaphore, #tpu.memory_space<semaphore_mem>>) src(%arg5 : memref<3200x16xf32, #tpu.memory_space<hbm>>) dst(%arg12 : memref<3200x16xf32, #tpu.memory_space<vmem>>)
      tpu.yield
    }) : () -> ()
    %scan3A = arith.constant 0 : i32
    %scan3A_47 = arith.constant 0 : i32
    %scan3A_48 = arith.constant 27 : i32
    %scan3A_49 = arith.addi %scan3A_47, %scan3A_48 : i32
    %scan3A_50 = arith.constant 1 : i32
    scf.for %scan3A_155 = %scan3A_47 to %scan3A_49 step %scan3A_50  : i32 {
      %jit3A_156 = arith.constant 2 : i32
      %eq3A_157 = arith.constant 0 : i32
      %eq3A_158 = arith.cmpi eq, %jit3A_156, %eq3A_157 : i32
      %jit3A_159 = arith.constant 1 : i32
      %select_n3A_160 = arith.select %eq3A_158, %jit3A_159, %jit3A_156 : i32
      %rem3A_161 = arith.remsi %scan3A_155, %select_n3A_160 : i32
      %ne3A_162 = arith.constant 0 : i32
      %ne3A_163 = arith.cmpi ne, %rem3A_161, %ne3A_162 : i32
      %lt3A_164 = arith.constant 0 : i32
      %lt3A_165 = arith.cmpi slt, %rem3A_161, %lt3A_164 : i32
      %lt3A_166 = arith.constant 0 : i32
      %lt3A_167 = arith.cmpi slt, %select_n3A_160, %lt3A_166 : i32
      %ne3A_168 = arith.xori %lt3A_165, %lt3A_167 : i1
      %and3A_169 = arith.andi %ne3A_168, %ne3A_163 : i1
      %add3A_170 = arith.addi %rem3A_161, %select_n3A_160 : i32
      %select_n3A_171 = arith.select %and3A_169, %add3A_170, %rem3A_161 : i32
      %jit3A_172 = arith.constant 16 : i32
      %div3A_173 = arith.divsi %scan3A_155, %jit3A_172 : i32
      %sign3A_174 = arith.constant 0 : i32
      %sign3A_175 = arith.cmpi sgt, %scan3A_155, %sign3A_174 : i32
      %sign3A_176 = arith.extui %sign3A_175 : i1 to i32
      %sign3A_177 = arith.constant 0 : i32
      %sign3A_178 = arith.cmpi slt, %scan3A_155, %sign3A_177 : i32
      %sign3A_179 = arith.extui %sign3A_178 : i1 to i32
      %sign3A_180 = arith.subi %sign3A_176, %sign3A_179 : i32
      %sign3A_181 = arith.constant 0 : i32
      %sign3A_182 = arith.cmpi sgt, %jit3A_172, %sign3A_181 : i32
      %sign3A_183 = arith.extui %sign3A_182 : i1 to i32
      %sign3A_184 = arith.constant 0 : i32
      %sign3A_185 = arith.cmpi slt, %jit3A_172, %sign3A_184 : i32
      %sign3A_186 = arith.extui %sign3A_185 : i1 to i32
      %sign3A_187 = arith.subi %sign3A_183, %sign3A_186 : i32
      %ne3A_188 = arith.cmpi ne, %sign3A_180, %sign3A_187 : i32
      %rem3A_189 = arith.remsi %scan3A_155, %jit3A_172 : i32
      %ne3A_190 = arith.constant 0 : i32
      %ne3A_191 = arith.cmpi ne, %rem3A_189, %ne3A_190 : i32
      %and3A_192 = arith.andi %ne3A_188, %ne3A_191 : i1
      %sub3A_193 = arith.constant 1 : i32
      %sub3A_194 = arith.subi %div3A_173, %sub3A_193 : i32
      %select_n3A_195 = arith.select %and3A_192, %sub3A_194, %div3A_173 : i32
      %mul3A_196 = arith.constant 16 : i32
      %mul3A_197 = arith.muli %select_n3A_195, %mul3A_196 : i32
      %get3A_198 = arith.index_cast %mul3A_197 : i32 to index
      %get3A_199 = tpu.vector_load %arg15[%get3A_198] {strides = array<i32>} : memref<32xi32, #tpu.memory_space<vmem>>, vector<16xi32>,
      %iota3A_200 = tpu.iota {dimensions = array<i32: 0>} : vector<16xi32>
      %jit3A_201 = arith.constant 16 : i32
      %eq3A_202 = arith.constant 0 : i32
      %eq3A_203 = arith.cmpi eq, %jit3A_201, %eq3A_202 : i32
      %jit3A_204 = arith.constant 1 : i32
      %select_n3A_205 = arith.select %eq3A_203, %jit3A_204, %jit3A_201 : i32
      %rem3A_206 = arith.remsi %scan3A_155, %select_n3A_205 : i32
      %ne3A_207 = arith.constant 0 : i32
      %ne3A_208 = arith.cmpi ne, %rem3A_206, %ne3A_207 : i32
      %lt3A_209 = arith.constant 0 : i32
      %lt3A_210 = arith.cmpi slt, %rem3A_206, %lt3A_209 : i32
      %lt3A_211 = arith.constant 0 : i32
      %lt3A_212 = arith.cmpi slt, %select_n3A_205, %lt3A_211 : i32
      %ne3A_213 = arith.xori %lt3A_210, %lt3A_212 : i1
      %and3A_214 = arith.andi %ne3A_213, %ne3A_208 : i1
      %add3A_215 = arith.addi %rem3A_206, %select_n3A_205 : i32
      %select_n3A_216 = arith.select %and3A_214, %add3A_215, %rem3A_206 : i32
      %eq3A_217 = vector.broadcast %select_n3A_216 : i32 to vector<16xi32>
      %eq3A_218 = arith.cmpi eq, %iota3A_200, %eq3A_217 : vector<16xi32>
      %jit3A_219 = arith.constant 0 : i32
      %broadcast_in_dim3A_220 = vector.broadcast %jit3A_219 : i32 to vector<16xi32>
      %select_n3A_221 = arith.select %eq3A_218, %get3A_199, %broadcast_in_dim3A_220 : vector<16xi1>, vector<16xi32>
      %reduce_sum3A_222 = arith.constant true
      %reduce_sum3A_223 = vector.broadcast %reduce_sum3A_222 : i1 to vector<16xi1>
      %reduce_sum3A_224 = tpu.scan <sum>, %select_n3A_221 masked %reduce_sum3A_223 : vector<16xi32>, vector<16xi1> -> vector<16xi32>
      %reduce_sum3A_225 = vector.extract %reduce_sum3A_224[15] : i32 from vector<16xi32>
      %scan3A_226 = arith.constant 0 : i32
      %scan3A_227 = arith.constant 0 : i32
      %scan3A_228 = arith.constant 200 : i32
      %scan3A_229 = arith.addi %scan3A_227, %scan3A_228 : i32
      %scan3A_230 = arith.constant 1 : i32
      scf.for %scan3A_240 = %scan3A_227 to %scan3A_229 step %scan3A_230  : i32 {
        %mul3A_241 = arith.constant 16 : i32
        %mul3A_242 = arith.muli %scan3A_240, %mul3A_241 : i32
        %get3A_243 = arith.index_cast %mul3A_242 : i32 to index
        %get3A_244 = tpu.vector_load %arg10[%get3A_243] {strides = array<i32>} : memref<3200xi32, #tpu.memory_space<vmem>>, vector<16xi32>,
        %add3A_245 = vector.broadcast %reduce_sum3A_225 : i32 to vector<16xi32>
        %add3A_246 = arith.addi %get3A_244, %add3A_245 : vector<16xi32>
        %broadcast_in_dim3A_247 = arith.constant 0 : i32
        %broadcast_in_dim3A_248 = vector.broadcast %broadcast_in_dim3A_247 : i32 to vector<16xi32>
        %broadcast_in_dim3A_249 = arith.constant 8192 : i32
        %broadcast_in_dim3A_250 = vector.broadcast %broadcast_in_dim3A_249 : i32 to vector<16xi32>
        %add3A_251 = arith.addi %broadcast_in_dim3A_248, %broadcast_in_dim3A_250 : vector<16xi32>
        %shift_right_arithmetic3A = arith.constant 1 : i32
        %shift_right_arithmetic3A_252 = vector.broadcast %shift_right_arithmetic3A : i32 to vector<16xi32>
        %shift_right_arithmetic3A_253 = arith.shrsi %add3A_251, %shift_right_arithmetic3A_252 : vector<16xi32>
        %gather3A = tpu.vector_load_idx %arg9[%shift_right_arithmetic3A_253] : memref<8192xi32, #tpu.memory_space<vmem>>[vector<16xi32>], vector<16xi32>,
        %lt3A_254 = arith.cmpi slt, %gather3A, %add3A_246 : vector<16xi32>
        %add3A_255 = arith.constant 1 : i32
        %add3A_256 = vector.broadcast %add3A_255 : i32 to vector<16xi32>
        %add3A_257 = arith.addi %shift_right_arithmetic3A_253, %add3A_256 : vector<16xi32>
        %select_n3A_258 = arith.select %lt3A_254, %add3A_257, %broadcast_in_dim3A_248 : vector<16xi1>, vector<16xi32>
        %select_n3A_259 = arith.select %lt3A_254, %broadcast_in_dim3A_250, %shift_right_arithmetic3A_253 : vector<16xi1>, vector<16xi32>
        %add3A_260 = arith.addi %select_n3A_258, %select_n3A_259 : vector<16xi32>
        %shift_right_arithmetic3A_261 = arith.constant 1 : i32
        %shift_right_arithmetic3A_262 = vector.broadcast %shift_right_arithmetic3A_261 : i32 to vector<16xi32>
        %shift_right_arithmetic3A_263 = arith.shrsi %add3A_260, %shift_right_arithmetic3A_262 : vector<16xi32>
        %gather3A_264 = tpu.vector_load_idx %arg9[%shift_right_arithmetic3A_263] : memref<8192xi32, #tpu.memory_space<vmem>>[vector<16xi32>], vector<16xi32>,
        %lt3A_265 = arith.cmpi slt, %gather3A_264, %add3A_246 : vector<16xi32>
        %add3A_266 = arith.constant 1 : i32
        %add3A_267 = vector.broadcast %add3A_266 : i32 to vector<16xi32>
        %add3A_268 = arith.addi %shift_right_arithmetic3A_263, %add3A_267 : vector<16xi32>
        %select_n3A_269 = arith.select %lt3A_265, %add3A_268, %select_n3A_258 : vector<16xi1>, vector<16xi32>
        %select_n3A_270 = arith.select %lt3A_265, %select_n3A_259, %shift_right_arithmetic3A_263 : vector<16xi1>, vector<16xi32>
        %add3A_271 = arith.addi %select_n3A_269, %select_n3A_270 : vector<16xi32>
        %shift_right_arithmetic3A_272 = arith.constant 1 : i32
        %shift_right_arithmetic3A_273 = vector.broadcast %shift_right_arithmetic3A_272 : i32 to vector<16xi32>
        %shift_right_arithmetic3A_274 = arith.shrsi %add3A_271, %shift_right_arithmetic3A_273 : vector<16xi32>
        %gather3A_275 = tpu.vector_load_idx %arg9[%shift_right_arithmetic3A_274] : memref<8192xi32, #tpu.memory_space<vmem>>[vector<16xi32>], vector<16xi32>,
        %lt3A_276 = arith.cmpi slt, %gather3A_275, %add3A_246 : vector<16xi32>
        %add3A_277 = arith.constant 1 : i32
        %add3A_278 = vector.broadcast %add3A_277 : i32 to vector<16xi32>
        %add3A_279 = arith.addi %shift_right_arithmetic3A_274, %add3A_278 : vector<16xi32>
        %select_n3A_280 = arith.select %lt3A_276, %add3A_279, %select_n3A_269 : vector<16xi1>, vector<16xi32>
        %select_n3A_281 = arith.select %lt3A_276, %select_n3A_270, %shift_right_arithmetic3A_274 : vector<16xi1>, vector<16xi32>
        %add3A_282 = arith.addi %select_n3A_280, %select_n3A_281 : vector<16xi32>
        %shift_right_arithmetic3A_283 = arith.constant 1 : i32
        %shift_right_arithmetic3A_284 = vector.broadcast %shift_right_arithmetic3A_283 : i32 to vector<16xi32>
        %shift_right_arithmetic3A_285 = arith.shrsi %add3A_282, %shift_right_arithmetic3A_284 : vector<16xi32>
        %gather3A_286 = tpu.vector_load_idx %arg9[%shift_right_arithmetic3A_285] : memref<8192xi32, #tpu.memory_space<vmem>>[vector<16xi32>], vector<16xi32>,
        %lt3A_287 = arith.cmpi slt, %gather3A_286, %add3A_246 : vector<16xi32>
        %add3A_288 = arith.constant 1 : i32
        %add3A_289 = vector.broadcast %add3A_288 : i32 to vector<16xi32>
        %add3A_290 = arith.addi %shift_right_arithmetic3A_285, %add3A_289 : vector<16xi32>
        %select_n3A_291 = arith.select %lt3A_287, %add3A_290, %select_n3A_280 : vector<16xi1>, vector<16xi32>
        %select_n3A_292 = arith.select %lt3A_287, %select_n3A_281, %shift_right_arithmetic3A_285 : vector<16xi1>, vector<16xi32>
        %add3A_293 = arith.addi %select_n3A_291, %select_n3A_292 : vector<16xi32>
        %shift_right_arithmetic3A_294 = arith.constant 1 : i32
        %shift_right_arithmetic3A_295 = vector.broadcast %shift_right_arithmetic3A_294 : i32 to vector<16xi32>
        %shift_right_arithmetic3A_296 = arith.shrsi %add3A_293, %shift_right_arithmetic3A_295 : vector<16xi32>
        %gather3A_297 = tpu.vector_load_idx %arg9[%shift_right_arithmetic3A_296] : memref<8192xi32, #tpu.memory_space<vmem>>[vector<16xi32>], vector<16xi32>,
        %lt3A_298 = arith.cmpi slt, %gather3A_297, %add3A_246 : vector<16xi32>
        %add3A_299 = arith.constant 1 : i32
        %add3A_300 = vector.broadcast %add3A_299 : i32 to vector<16xi32>
        %add3A_301 = arith.addi %shift_right_arithmetic3A_296, %add3A_300 : vector<16xi32>
        %select_n3A_302 = arith.select %lt3A_298, %add3A_301, %select_n3A_291 : vector<16xi1>, vector<16xi32>
        %select_n3A_303 = arith.select %lt3A_298, %select_n3A_292, %shift_right_arithmetic3A_296 : vector<16xi1>, vector<16xi32>
        %add3A_304 = arith.addi %select_n3A_302, %select_n3A_303 : vector<16xi32>
        %shift_right_arithmetic3A_305 = arith.constant 1 : i32
        %shift_right_arithmetic3A_306 = vector.broadcast %shift_right_arithmetic3A_305 : i32 to vector<16xi32>
        %shift_right_arithmetic3A_307 = arith.shrsi %add3A_304, %shift_right_arithmetic3A_306 : vector<16xi32>
        %gather3A_308 = tpu.vector_load_idx %arg9[%shift_right_arithmetic3A_307] : memref<8192xi32, #tpu.memory_space<vmem>>[vector<16xi32>], vector<16xi32>,
        %lt3A_309 = arith.cmpi slt, %gather3A_308, %add3A_246 : vector<16xi32>
        %add3A_310 = arith.constant 1 : i32
        %add3A_311 = vector.broadcast %add3A_310 : i32 to vector<16xi32>
        %add3A_312 = arith.addi %shift_right_arithmetic3A_307, %add3A_311 : vector<16xi32>
        %select_n3A_313 = arith.select %lt3A_309, %add3A_312, %select_n3A_302 : vector<16xi1>, vector<16xi32>
        %select_n3A_314 = arith.select %lt3A_309, %select_n3A_303, %shift_right_arithmetic3A_307 : vector<16xi1>, vector<16xi32>
        %add3A_315 = arith.addi %select_n3A_313, %select_n3A_314 : vector<16xi32>
        %shift_right_arithmetic3A_316 = arith.constant 1 : i32
        %shift_right_arithmetic3A_317 = vector.broadcast %shift_right_arithmetic3A_316 : i32 to vector<16xi32>
        %shift_right_arithmetic3A_318 = arith.shrsi %add3A_315, %shift_right_arithmetic3A_317 : vector<16xi32>
        %gather3A_319 = tpu.vector_load_idx %arg9[%shift_right_arithmetic3A_318] : memref<8192xi32, #tpu.memory_space<vmem>>[vector<16xi32>], vector<16xi32>,
        %lt3A_320 = arith.cmpi slt, %gather3A_319, %add3A_246 : vector<16xi32>
        %add3A_321 = arith.constant 1 : i32
        %add3A_322 = vector.broadcast %add3A_321 : i32 to vector<16xi32>
        %add3A_323 = arith.addi %shift_right_arithmetic3A_318, %add3A_322 : vector<16xi32>
        %select_n3A_324 = arith.select %lt3A_320, %add3A_323, %select_n3A_313 : vector<16xi1>, vector<16xi32>
        %select_n3A_325 = arith.select %lt3A_320, %select_n3A_314, %shift_right_arithmetic3A_318 : vector<16xi1>, vector<16xi32>
        %add3A_326 = arith.addi %select_n3A_324, %select_n3A_325 : vector<16xi32>
        %shift_right_arithmetic3A_327 = arith.constant 1 : i32
        %shift_right_arithmetic3A_328 = vector.broadcast %shift_right_arithmetic3A_327 : i32 to vector<16xi32>
        %shift_right_arithmetic3A_329 = arith.shrsi %add3A_326, %shift_right_arithmetic3A_328 : vector<16xi32>
        %gather3A_330 = tpu.vector_load_idx %arg9[%shift_right_arithmetic3A_329] : memref<8192xi32, #tpu.memory_space<vmem>>[vector<16xi32>], vector<16xi32>,
        %lt3A_331 = arith.cmpi slt, %gather3A_330, %add3A_246 : vector<16xi32>
        %add3A_332 = arith.constant 1 : i32
        %add3A_333 = vector.broadcast %add3A_332 : i32 to vector<16xi32>
        %add3A_334 = arith.addi %shift_right_arithmetic3A_329, %add3A_333 : vector<16xi32>
        %select_n3A_335 = arith.select %lt3A_331, %add3A_334, %select_n3A_324 : vector<16xi1>, vector<16xi32>
        %select_n3A_336 = arith.select %lt3A_331, %select_n3A_325, %shift_right_arithmetic3A_329 : vector<16xi1>, vector<16xi32>
        %add3A_337 = arith.addi %select_n3A_335, %select_n3A_336 : vector<16xi32>
        %shift_right_arithmetic3A_338 = arith.constant 1 : i32
        %shift_right_arithmetic3A_339 = vector.broadcast %shift_right_arithmetic3A_338 : i32 to vector<16xi32>
        %shift_right_arithmetic3A_340 = arith.shrsi %add3A_337, %shift_right_arithmetic3A_339 : vector<16xi32>
        %gather3A_341 = tpu.vector_load_idx %arg9[%shift_right_arithmetic3A_340] : memref<8192xi32, #tpu.memory_space<vmem>>[vector<16xi32>], vector<16xi32>,
        %lt3A_342 = arith.cmpi slt, %gather3A_341, %add3A_246 : vector<16xi32>
        %add3A_343 = arith.constant 1 : i32
        %add3A_344 = vector.broadcast %add3A_343 : i32 to vector<16xi32>
        %add3A_345 = arith.addi %shift_right_arithmetic3A_340, %add3A_344 : vector<16xi32>
        %select_n3A_346 = arith.select %lt3A_342, %add3A_345, %select_n3A_335 : vector<16xi1>, vector<16xi32>
        %select_n3A_347 = arith.select %lt3A_342, %select_n3A_336, %shift_right_arithmetic3A_340 : vector<16xi1>, vector<16xi32>
        %add3A_348 = arith.addi %select_n3A_346, %select_n3A_347 : vector<16xi32>
        %shift_right_arithmetic3A_349 = arith.constant 1 : i32
        %shift_right_arithmetic3A_350 = vector.broadcast %shift_right_arithmetic3A_349 : i32 to vector<16xi32>
        %shift_right_arithmetic3A_351 = arith.shrsi %add3A_348, %shift_right_arithmetic3A_350 : vector<16xi32>
        %gather3A_352 = tpu.vector_load_idx %arg9[%shift_right_arithmetic3A_351] : memref<8192xi32, #tpu.memory_space<vmem>>[vector<16xi32>], vector<16xi32>,
        %lt3A_353 = arith.cmpi slt, %gather3A_352, %add3A_246 : vector<16xi32>
        %add3A_354 = arith.constant 1 : i32
        %add3A_355 = vector.broadcast %add3A_354 : i32 to vector<16xi32>
        %add3A_356 = arith.addi %shift_right_arithmetic3A_351, %add3A_355 : vector<16xi32>
        %select_n3A_357 = arith.select %lt3A_353, %add3A_356, %select_n3A_346 : vector<16xi1>, vector<16xi32>
        %select_n3A_358 = arith.select %lt3A_353, %select_n3A_347, %shift_right_arithmetic3A_351 : vector<16xi1>, vector<16xi32>
        %add3A_359 = arith.addi %select_n3A_357, %select_n3A_358 : vector<16xi32>
        %shift_right_arithmetic3A_360 = arith.constant 1 : i32
        %shift_right_arithmetic3A_361 = vector.broadcast %shift_right_arithmetic3A_360 : i32 to vector<16xi32>
        %shift_right_arithmetic3A_362 = arith.shrsi %add3A_359, %shift_right_arithmetic3A_361 : vector<16xi32>
        %gather3A_363 = tpu.vector_load_idx %arg9[%shift_right_arithmetic3A_362] : memref<8192xi32, #tpu.memory_space<vmem>>[vector<16xi32>], vector<16xi32>,
        %lt3A_364 = arith.cmpi slt, %gather3A_363, %add3A_246 : vector<16xi32>
        %add3A_365 = arith.constant 1 : i32
        %add3A_366 = vector.broadcast %add3A_365 : i32 to vector<16xi32>
        %add3A_367 = arith.addi %shift_right_arithmetic3A_362, %add3A_366 : vector<16xi32>
        %select_n3A_368 = arith.select %lt3A_364, %add3A_367, %select_n3A_357 : vector<16xi1>, vector<16xi32>
        %select_n3A_369 = arith.select %lt3A_364, %select_n3A_358, %shift_right_arithmetic3A_362 : vector<16xi1>, vector<16xi32>
        %add3A_370 = arith.addi %select_n3A_368, %select_n3A_369 : vector<16xi32>
        %shift_right_arithmetic3A_371 = arith.constant 1 : i32
        %shift_right_arithmetic3A_372 = vector.broadcast %shift_right_arithmetic3A_371 : i32 to vector<16xi32>
        %shift_right_arithmetic3A_373 = arith.shrsi %add3A_370, %shift_right_arithmetic3A_372 : vector<16xi32>
        %gather3A_374 = tpu.vector_load_idx %arg9[%shift_right_arithmetic3A_373] : memref<8192xi32, #tpu.memory_space<vmem>>[vector<16xi32>], vector<16xi32>,
        %lt3A_375 = arith.cmpi slt, %gather3A_374, %add3A_246 : vector<16xi32>
        %add3A_376 = arith.constant 1 : i32
        %add3A_377 = vector.broadcast %add3A_376 : i32 to vector<16xi32>
        %add3A_378 = arith.addi %shift_right_arithmetic3A_373, %add3A_377 : vector<16xi32>
        %select_n3A_379 = arith.select %lt3A_375, %add3A_378, %select_n3A_368 : vector<16xi1>, vector<16xi32>
        %select_n3A_380 = arith.select %lt3A_375, %select_n3A_369, %shift_right_arithmetic3A_373 : vector<16xi1>, vector<16xi32>
        %add3A_381 = arith.addi %select_n3A_379, %select_n3A_380 : vector<16xi32>
        %shift_right_arithmetic3A_382 = arith.constant 1 : i32
        %shift_right_arithmetic3A_383 = vector.broadcast %shift_right_arithmetic3A_382 : i32 to vector<16xi32>
        %shift_right_arithmetic3A_384 = arith.shrsi %add3A_381, %shift_right_arithmetic3A_383 : vector<16xi32>
        %gather3A_385 = tpu.vector_load_idx %arg9[%shift_right_arithmetic3A_384] : memref<8192xi32, #tpu.memory_space<vmem>>[vector<16xi32>], vector<16xi32>,
        %lt3A_386 = arith.cmpi slt, %gather3A_385, %add3A_246 : vector<16xi32>
        %add3A_387 = arith.constant 1 : i32
        %add3A_388 = vector.broadcast %add3A_387 : i32 to vector<16xi32>
        %add3A_389 = arith.addi %shift_right_arithmetic3A_384, %add3A_388 : vector<16xi32>
        %select_n3A_390 = arith.select %lt3A_386, %add3A_389, %select_n3A_379 : vector<16xi1>, vector<16xi32>
        %select_n3A_391 = arith.select %lt3A_386, %select_n3A_380, %shift_right_arithmetic3A_384 : vector<16xi1>, vector<16xi32>
        %add3A_392 = arith.addi %select_n3A_390, %select_n3A_391 : vector<16xi32>
        %shift_right_arithmetic3A_393 = arith.constant 1 : i32
        %shift_right_arithmetic3A_394 = vector.broadcast %shift_right_arithmetic3A_393 : i32 to vector<16xi32>
        %shift_right_arithmetic3A_395 = arith.shrsi %add3A_392, %shift_right_arithmetic3A_394 : vector<16xi32>
        %gather3A_396 = tpu.vector_load_idx %arg9[%shift_right_arithmetic3A_395] : memref<8192xi32, #tpu.memory_space<vmem>>[vector<16xi32>], vector<16xi32>,
        %lt3A_397 = arith.cmpi slt, %gather3A_396, %add3A_246 : vector<16xi32>
        %add3A_398 = arith.constant 1 : i32
        %add3A_399 = vector.broadcast %add3A_398 : i32 to vector<16xi32>
        %add3A_400 = arith.addi %shift_right_arithmetic3A_395, %add3A_399 : vector<16xi32>
        %select_n3A_401 = arith.select %lt3A_397, %add3A_400, %select_n3A_390 : vector<16xi1>, vector<16xi32>
        %select_n3A_402 = arith.select %lt3A_397, %select_n3A_391, %shift_right_arithmetic3A_395 : vector<16xi1>, vector<16xi32>
        %min3A = arith.constant 8191 : i32
        %min3A_403 = vector.broadcast %min3A : i32 to vector<16xi32>
        %min3A_404 = arith.minsi %select_n3A_401, %min3A_403 : vector<16xi32>
        %gather3A_405 = tpu.vector_load_idx %arg9[%min3A_404] : memref<8192xi32, #tpu.memory_space<vmem>>[vector<16xi32>], vector<16xi32>,
        %lt3A_406 = arith.constant 8192 : i32
        %lt3A_407 = vector.broadcast %lt3A_406 : i32 to vector<16xi32>
        %lt3A_408 = arith.cmpi slt, %select_n3A_401, %lt3A_407 : vector<16xi32>
        %eq3A_409 = arith.cmpi eq, %gather3A_405, %add3A_246 : vector<16xi32>
        %and3A_410 = arith.andi %lt3A_408, %eq3A_409 : vector<16xi1>
        %add3A_411 = vector.broadcast %multiple_of3A : i32 to vector<16xi32>
        %add3A_412 = arith.addi %add3A_411, %min3A_404 : vector<16xi32>
        %mul3A_413 = arith.constant 204800 : i32
        %mul3A_414 = arith.muli %scan3A_155, %mul3A_413 : i32
        %add3A_415 = vector.broadcast %mul3A_414 : i32 to vector<16xi32>
        %add3A_416 = arith.addi %add3A_412, %add3A_415 : vector<16xi32>
        %mul3A_417 = arith.constant 204800 : i32
        %mul3A_418 = arith.muli %scan3A_155, %mul3A_417 : i32
        %add3A_419 = arith.constant 200000 : i32
        %add3A_420 = arith.addi %mul3A_418, %add3A_419 : i32
        %broadcast_in_dim3A_421 = vector.broadcast %add3A_420 : i32 to vector<16xi32>
        %select_n3A_422 = arith.select %and3A_410, %add3A_416, %broadcast_in_dim3A_421 : vector<16xi1>, vector<16xi32>
        %jit3A_423 = arith.constant 8 : i32
        %div3A_424 = arith.divsi %scan3A_240, %jit3A_423 : i32
        %sign3A_425 = arith.constant 0 : i32
        %sign3A_426 = arith.cmpi sgt, %scan3A_240, %sign3A_425 : i32
        %sign3A_427 = arith.extui %sign3A_426 : i1 to i32
        %sign3A_428 = arith.constant 0 : i32
        %sign3A_429 = arith.cmpi slt, %scan3A_240, %sign3A_428 : i32
        %sign3A_430 = arith.extui %sign3A_429 : i1 to i32
        %sign3A_431 = arith.subi %sign3A_427, %sign3A_430 : i32
        %sign3A_432 = arith.constant 0 : i32
        %sign3A_433 = arith.cmpi sgt, %jit3A_423, %sign3A_432 : i32
        %sign3A_434 = arith.extui %sign3A_433 : i1 to i32
        %sign3A_435 = arith.constant 0 : i32
        %sign3A_436 = arith.cmpi slt, %jit3A_423, %sign3A_435 : i32
        %sign3A_437 = arith.extui %sign3A_436 : i1 to i32
        %sign3A_438 = arith.subi %sign3A_434, %sign3A_437 : i32
        %ne3A_439 = arith.cmpi ne, %sign3A_431, %sign3A_438 : i32
        %rem3A_440 = arith.remsi %scan3A_240, %jit3A_423 : i32
        %ne3A_441 = arith.constant 0 : i32
        %ne3A_442 = arith.cmpi ne, %rem3A_440, %ne3A_441 : i32
        %and3A_443 = arith.andi %ne3A_439, %ne3A_442 : i1
        %sub3A_444 = arith.constant 1 : i32
        %sub3A_445 = arith.subi %div3A_424, %sub3A_444 : i32
        %select_n3A_446 = arith.select %and3A_443, %sub3A_445, %div3A_424 : i32
        %jit3A_447 = arith.constant 8 : i32
        %eq3A_448 = arith.constant 0 : i32
        %eq3A_449 = arith.cmpi eq, %jit3A_447, %eq3A_448 : i32
        %jit3A_450 = arith.constant 1 : i32
        %select_n3A_451 = arith.select %eq3A_449, %jit3A_450, %jit3A_447 : i32
        %rem3A_452 = arith.remsi %scan3A_240, %select_n3A_451 : i32
        %ne3A_453 = arith.constant 0 : i32
        %ne3A_454 = arith.cmpi ne, %rem3A_452, %ne3A_453 : i32
        %lt3A_455 = arith.constant 0 : i32
        %lt3A_456 = arith.cmpi slt, %rem3A_452, %lt3A_455 : i32
        %lt3A_457 = arith.constant 0 : i32
        %lt3A_458 = arith.cmpi slt, %select_n3A_451, %lt3A_457 : i32
        %ne3A_459 = arith.xori %lt3A_456, %lt3A_458 : i1
        %and3A_460 = arith.andi %ne3A_459, %ne3A_454 : i1
        %add3A_461 = arith.addi %rem3A_452, %select_n3A_451 : i32
        %select_n3A_462 = arith.select %and3A_460, %add3A_461, %rem3A_452 : i32
        %mul3A_463 = arith.constant 16 : i32
        %mul3A_464 = arith.muli %select_n3A_462, %mul3A_463 : i32
        %swap3A = arith.index_cast %select_n3A_171 : i32 to index
        %swap3A_465 = arith.index_cast %select_n3A_446 : i32 to index
        %swap3A_466 = arith.index_cast %mul3A_464 : i32 to index
        %swap3A_467 = tpu.vector_load %arg11[%swap3A, %swap3A_465, %swap3A_466] {strides = array<i32>} : memref<2x25x128xi32, #tpu.memory_space<vmem>>, vector<16xi32>,
        tpu.vector_store %arg11[%swap3A, %swap3A_465, %swap3A_466], %select_n3A_422 {strides = array<i32>} : memref<2x25x128xi32, #tpu.memory_space<vmem>>, vector<16xi32>,
      }
      %scan3A_231 = arith.constant 200 : i32
      %ge3A = arith.constant 1 : i32
      %ge3A_232 = arith.cmpi sge, %scan3A_155, %ge3A : i32
      %convert_element_type3A = arith.extui %ge3A_232 : i1 to i32
      %cond3A = arith.constant 0 : i32
      %cond3A_233 = arith.cmpi ne, %convert_element_type3A, %cond3A : i32
      scf.if %cond3A_233 {
        %scan3A_240 = arith.constant 0 : i32
        %scan3A_241 = arith.constant 0 : i32
        %scan3A_242 = arith.constant 25 : i32
        %scan3A_243 = arith.addi %scan3A_241, %scan3A_242 : i32
        %scan3A_244 = arith.constant 1 : i32
        scf.for %scan3A_246 = %scan3A_241 to %scan3A_243 step %scan3A_244  : i32 {
          %mul3A_247 = arith.constant 128 : i32
          %mul3A_248 = arith.muli %scan3A_246, %mul3A_247 : i32
          %dma_wait3A = arith.constant 0 : i32
          %dma_wait3A_249 = tpu.memref_slice %arg12[%mul3A_248, %dma_wait3A] : memref<3200x16xf32, #tpu.memory_space<vmem>> -> memref<128x16xf32, #tpu.memory_space<vmem>>
          %dma_wait3A_250 = arith.constant 0 : i32
          %dma_wait3A_251 = arith.constant 0 : i32
          %dma_wait3A_252 = tpu.memref_slice %arg7[%dma_wait3A_250, %dma_wait3A_251] : memref<5529600x16xf32, #tpu.memory_space<hbm>> -> memref<128x16xf32, #tpu.memory_space<hbm>>
          %dma_wait3A_253 = arith.constant 0 : i32
          %dma_wait3A_254 = tpu.memref_slice %arg12[%mul3A_248, %dma_wait3A_253] : memref<3200x16xf32, #tpu.memory_space<vmem>> -> memref<128x16xf32, #tpu.memory_space<vmem>>
          %dma_wait3A_255 = arith.constant 0 : i32
          %dma_wait3A_256 = arith.constant 0 : i32
          %dma_wait3A_257 = tpu.memref_slice %arg7[%dma_wait3A_255, %dma_wait3A_256] : memref<5529600x16xf32, #tpu.memory_space<hbm>> -> memref<128x16xf32, #tpu.memory_space<hbm>>
          tpu.wait_dma2 semaphore(%arg16 : memref<!tpu.dma_semaphore, #tpu.memory_space<semaphore_mem>>) src(%dma_wait3A_257 : memref<128x16xf32, #tpu.memory_space<hbm>>) dst(%dma_wait3A_254 : memref<128x16xf32, #tpu.memory_space<vmem>>)
        }
        %scan3A_245 = arith.constant 25 : i32
      } else {
      }
      %scan3A_234 = arith.constant 0 : i32
      %scan3A_235 = arith.constant 0 : i32
      %scan3A_236 = arith.constant 25 : i32
      %scan3A_237 = arith.addi %scan3A_235, %scan3A_236 : i32
      %scan3A_238 = arith.constant 1 : i32
      scf.for %scan3A_240 = %scan3A_235 to %scan3A_237 step %scan3A_238  : i32 {
        %mul3A_241 = arith.constant 128 : i32
        %mul3A_242 = arith.muli %scan3A_240, %mul3A_241 : i32
        %dma_start3A = arith.constant 0 : i32
        %dma_start3A_243 = tpu.memref_slice %arg12[%mul3A_242, %dma_start3A] : memref<3200x16xf32, #tpu.memory_space<vmem>> -> memref<128x16xf32, #tpu.memory_space<vmem>>
        %dma_start3A_244 = arith.constant 0 : i32
        %dma_start3A_245 = tpu.memref_slice %arg11[%select_n3A_171, %scan3A_240, %dma_start3A_244] : memref<2x25x128xi32, #tpu.memory_space<vmem>> -> memref<1x1x128xi32, #tpu.memory_space<vmem>>
        %dma_start3A_246 = tpu.memref_squeeze %dma_start3A_245 : memref<1x1x128xi32, #tpu.memory_space<vmem>> -> memref<128xi32, #tpu.memory_space<vmem>>
        %dma_start3A_247 = arith.constant 0 : i32
        %dma_start3A_248 = arith.constant 0 : i32
        %dma_start3A_249 = tpu.memref_slice %arg7[%dma_start3A_247, %dma_start3A_248] : memref<5529600x16xf32, #tpu.memory_space<hbm>> -> memref<5529600x16xf32, #tpu.memory_space<hbm>>
        tpu.enqueue_indirect_dma source(%dma_start3A_249 : memref<5529600x16xf32, #tpu.memory_space<hbm>>) target(%dma_start3A_243 : memref<128x16xf32, #tpu.memory_space<vmem>>) offsets(%dma_start3A_246 : memref<128xi32, #tpu.memory_space<vmem>>) semaphore(%arg16 : memref<!tpu.dma_semaphore, #tpu.memory_space<semaphore_mem>>) {add = true}
      }
      %scan3A_239 = arith.constant 25 : i32
    }
    %scan3A_51 = arith.constant 27 : i32
    %scan3A_52 = arith.constant 0 : i32
    %scan3A_53 = arith.constant 0 : i32
    %scan3A_54 = arith.constant 25 : i32
    %scan3A_55 = arith.addi %scan3A_53, %scan3A_54 : i32
    %scan3A_56 = arith.constant 1 : i32
    scf.for %scan3A_155 = %scan3A_53 to %scan3A_55 step %scan3A_56  : i32 {
      %mul3A_156 = arith.constant 128 : i32
      %mul3A_157 = arith.muli %scan3A_155, %mul3A_156 : i32
      %dma_wait3A = arith.constant 0 : i32
      %dma_wait3A_158 = tpu.memref_slice %arg12[%mul3A_157, %dma_wait3A] : memref<3200x16xf32, #tpu.memory_space<vmem>> -> memref<128x16xf32, #tpu.memory_space<vmem>>
      %dma_wait3A_159 = arith.constant 0 : i32
      %dma_wait3A_160 = arith.constant 0 : i32
      %dma_wait3A_161 = tpu.memref_slice %arg7[%dma_wait3A_159, %dma_wait3A_160] : memref<5529600x16xf32, #tpu.memory_space<hbm>> -> memref<128x16xf32, #tpu.memory_space<hbm>>
      %dma_wait3A_162 = arith.constant 0 : i32
      %dma_wait3A_163 = tpu.memref_slice %arg12[%mul3A_157, %dma_wait3A_162] : memref<3200x16xf32, #tpu.memory_space<vmem>> -> memref<128x16xf32, #tpu.memory_space<vmem>>
      %dma_wait3A_164 = arith.constant 0 : i32
      %dma_wait3A_165 = arith.constant 0 : i32
      %dma_wait3A_166 = tpu.memref_slice %arg7[%dma_wait3A_164, %dma_wait3A_165] : memref<5529600x16xf32, #tpu.memory_space<hbm>> -> memref<128x16xf32, #tpu.memory_space<hbm>>
      tpu.wait_dma2 semaphore(%arg16 : memref<!tpu.dma_semaphore, #tpu.memory_space<semaphore_mem>>) src(%dma_wait3A_166 : memref<128x16xf32, #tpu.memory_space<hbm>>) dst(%dma_wait3A_163 : memref<128x16xf32, #tpu.memory_space<vmem>>)
    }
    %scan3A_57 = arith.constant 25 : i32
    %scan3A_58 = arith.constant 0 : i32
    %scan3A_59 = arith.constant 0 : i32
    %scan3A_60 = arith.constant 25 : i32
    %scan3A_61 = arith.addi %scan3A_59, %scan3A_60 : i32
    %scan3A_62 = arith.constant 1 : i32
    scf.for %scan3A_155 = %scan3A_59 to %scan3A_61 step %scan3A_62  : i32 {
      %mul3A_156 = arith.constant 128 : i32
      %mul3A_157 = arith.muli %scan3A_155, %mul3A_156 : i32
      %dma_start3A = arith.constant 0 : i32
      %dma_start3A_158 = tpu.memref_slice %arg12[%mul3A_157, %dma_start3A] : memref<3200x16xf32, #tpu.memory_space<vmem>> -> memref<128x16xf32, #tpu.memory_space<vmem>>
      %dma_start3A_159 = arith.constant 0 : i32
      %dma_start3A_160 = tpu.memref_slice %arg13[%scan3A_155, %dma_start3A_159] : memref<25x128xi32, #tpu.memory_space<vmem>> -> memref<1x128xi32, #tpu.memory_space<vmem>>
      %dma_start3A_161 = tpu.memref_squeeze %dma_start3A_160 : memref<1x128xi32, #tpu.memory_space<vmem>> -> memref<128xi32, #tpu.memory_space<vmem>>
      %dma_start3A_162 = arith.constant 0 : i32
      %dma_start3A_163 = arith.constant 0 : i32
      %dma_start3A_164 = tpu.memref_slice %arg8[%dma_start3A_162, %dma_start3A_163] : memref<204800x16xf32, #tpu.memory_space<hbm>> -> memref<204800x16xf32, #tpu.memory_space<hbm>>
      tpu.enqueue_indirect_dma source(%dma_start3A_158 : memref<128x16xf32, #tpu.memory_space<vmem>>) target(%dma_start3A_164 : memref<204800x16xf32, #tpu.memory_space<hbm>>) offsets(%dma_start3A_161 : memref<128xi32, #tpu.memory_space<vmem>>) semaphore(%arg17 : memref<!tpu.dma_semaphore, #tpu.memory_space<semaphore_mem>>)
    }
    %scan3A_63 = arith.constant 25 : i32
    %scan3A_64 = arith.constant 0 : i32
    %scan3A_65 = arith.constant 0 : i32
    %scan3A_66 = arith.constant 25 : i32
    %scan3A_67 = arith.addi %scan3A_65, %scan3A_66 : i32
    %scan3A_68 = arith.constant 1 : i32
    scf.for %scan3A_155 = %scan3A_65 to %scan3A_67 step %scan3A_68  : i32 {
      %mul3A_156 = arith.constant 128 : i32
      %mul3A_157 = arith.muli %scan3A_155, %mul3A_156 : i32
      %dma_wait3A = arith.constant 0 : i32
      %dma_wait3A_158 = tpu.memref_slice %arg12[%mul3A_157, %dma_wait3A] : memref<3200x16xf32, #tpu.memory_space<vmem>> -> memref<128x16xf32, #tpu.memory_space<vmem>>
      %dma_wait3A_159 = arith.constant 0 : i32
      %dma_wait3A_160 = arith.constant 0 : i32
      %dma_wait3A_161 = tpu.memref_slice %arg8[%dma_wait3A_159, %dma_wait3A_160] : memref<204800x16xf32, #tpu.memory_space<hbm>> -> memref<128x16xf32, #tpu.memory_space<hbm>>
      %dma_wait3A_162 = arith.constant 0 : i32
      %dma_wait3A_163 = arith.constant 0 : i32
      %dma_wait3A_164 = tpu.memref_slice %arg8[%dma_wait3A_162, %dma_wait3A_163] : memref<204800x16xf32, #tpu.memory_space<hbm>> -> memref<128x16xf32, #tpu.memory_space<hbm>>
      %dma_wait3A_165 = arith.constant 0 : i32
      %dma_wait3A_166 = tpu.memref_slice %arg12[%mul3A_157, %dma_wait3A_165] : memref<3200x16xf32, #tpu.memory_space<vmem>> -> memref<128x16xf32, #tpu.memory_space<vmem>>
      tpu.wait_dma2 semaphore(%arg17 : memref<!tpu.dma_semaphore, #tpu.memory_space<semaphore_mem>>) src(%dma_wait3A_166 : memref<128x16xf32, #tpu.memory_space<vmem>>) dst(%dma_wait3A_164 : memref<128x16xf32, #tpu.memory_space<hbm>>)
    }
    %scan3A_69 = arith.constant 25 : i32
    %mul3A_70 = arith.constant 2 : i32
    %mul3A_71 = arith.muli %add3A, %mul3A_70 : i32
    %add3A_72 = arith.constant 1 : i32
    %add3A_73 = arith.addi %mul3A_71, %add3A_72 : i32
    %jit3A_74 = arith.constant 16 : i32
    %div3A_75 = arith.divsi %add3A_73, %jit3A_74 : i32
    %sign3A_76 = arith.constant 0 : i32
    %sign3A_77 = arith.cmpi sgt, %add3A_73, %sign3A_76 : i32
    %sign3A_78 = arith.extui %sign3A_77 : i1 to i32
    %sign3A_79 = arith.constant 0 : i32
    %sign3A_80 = arith.cmpi slt, %add3A_73, %sign3A_79 : i32
    %sign3A_81 = arith.extui %sign3A_80 : i1 to i32
    %sign3A_82 = arith.subi %sign3A_78, %sign3A_81 : i32
    %sign3A_83 = arith.constant 0 : i32
    %sign3A_84 = arith.cmpi sgt, %jit3A_74, %sign3A_83 : i32
    %sign3A_85 = arith.extui %sign3A_84 : i1 to i32
    %sign3A_86 = arith.constant 0 : i32
    %sign3A_87 = arith.cmpi slt, %jit3A_74, %sign3A_86 : i32
    %sign3A_88 = arith.extui %sign3A_87 : i1 to i32
    %sign3A_89 = arith.subi %sign3A_85, %sign3A_88 : i32
    %ne3A_90 = arith.cmpi ne, %sign3A_82, %sign3A_89 : i32
    %rem3A_91 = arith.remsi %add3A_73, %jit3A_74 : i32
    %ne3A_92 = arith.constant 0 : i32
    %ne3A_93 = arith.cmpi ne, %rem3A_91, %ne3A_92 : i32
    %and3A_94 = arith.andi %ne3A_90, %ne3A_93 : i1
    %sub3A_95 = arith.constant 1 : i32
    %sub3A_96 = arith.subi %div3A_75, %sub3A_95 : i32
    %select_n3A_97 = arith.select %and3A_94, %sub3A_96, %div3A_75 : i32
    %mul3A_98 = arith.constant 16 : i32
    %mul3A_99 = arith.muli %select_n3A_97, %mul3A_98 : i32
    %get3A_100 = arith.index_cast %mul3A_99 : i32 to index
    %get3A_101 = tpu.vector_load %arg14[%get3A_100] {strides = array<i32>} : memref<64xi32, #tpu.memory_space<vmem>>, vector<16xi32>,
    %iota3A_102 = tpu.iota {dimensions = array<i32: 0>} : vector<16xi32>
    %jit3A_103 = arith.constant 16 : i32
    %eq3A_104 = arith.constant 0 : i32
    %eq3A_105 = arith.cmpi eq, %jit3A_103, %eq3A_104 : i32
    %jit3A_106 = arith.constant 1 : i32
    %select_n3A_107 = arith.select %eq3A_105, %jit3A_106, %jit3A_103 : i32
    %rem3A_108 = arith.remsi %add3A_73, %select_n3A_107 : i32
    %ne3A_109 = arith.constant 0 : i32
    %ne3A_110 = arith.cmpi ne, %rem3A_108, %ne3A_109 : i32
    %lt3A_111 = arith.constant 0 : i32
    %lt3A_112 = arith.cmpi slt, %rem3A_108, %lt3A_111 : i32
    %lt3A_113 = arith.constant 0 : i32
    %lt3A_114 = arith.cmpi slt, %select_n3A_107, %lt3A_113 : i32
    %ne3A_115 = arith.xori %lt3A_112, %lt3A_114 : i1
    %and3A_116 = arith.andi %ne3A_115, %ne3A_110 : i1
    %add3A_117 = arith.addi %rem3A_108, %select_n3A_107 : i32
    %select_n3A_118 = arith.select %and3A_116, %add3A_117, %rem3A_108 : i32
    %eq3A_119 = vector.broadcast %select_n3A_118 : i32 to vector<16xi32>
    %eq3A_120 = arith.cmpi eq, %iota3A_102, %eq3A_119 : vector<16xi32>
    %jit3A_121 = arith.constant 0 : i32
    %broadcast_in_dim3A_122 = vector.broadcast %jit3A_121 : i32 to vector<16xi32>
    %select_n3A_123 = arith.select %eq3A_120, %get3A_101, %broadcast_in_dim3A_122 : vector<16xi1>, vector<16xi32>
    %reduce_sum3A_124 = arith.constant true
    %reduce_sum3A_125 = vector.broadcast %reduce_sum3A_124 : i1 to vector<16xi1>
    %reduce_sum3A_126 = tpu.scan <sum>, %select_n3A_123 masked %reduce_sum3A_125 : vector<16xi32>, vector<16xi1> -> vector<16xi32>
    %reduce_sum3A_127 = vector.extract %reduce_sum3A_126[15] : i32 from vector<16xi32>
    %multiple_of3A_128 = tpu.assume_multiple %reduce_sum3A_127, 8 : i32
    "tpu.region"() ({
      %run_scoped3A = tpu.sem_alloc : memref<!tpu.dma_semaphore, #tpu.memory_space<semaphore_mem>>
      %dma_start3A = tpu.memref_slice %arg2[%multiple_of3A_128] : memref<212992xi32, #tpu.memory_space<hbm>> -> memref<8192xi32, #tpu.memory_space<hbm>>
      %dma_start3A_155 = tpu.memref_slice %arg2[%multiple_of3A_128] : memref<212992xi32, #tpu.memory_space<hbm>> -> memref<8192xi32, #tpu.memory_space<hbm>>
      tpu.enqueue_dma source(%dma_start3A_155 : memref<8192xi32, #tpu.memory_space<hbm>>) target(%arg9 : memref<8192xi32, #tpu.memory_space<vmem>>) target_semaphore(%run_scoped3A : memref<!tpu.dma_semaphore, #tpu.memory_space<semaphore_mem>>)
      %dma_wait3A = tpu.memref_slice %arg2[%multiple_of3A_128] : memref<212992xi32, #tpu.memory_space<hbm>> -> memref<8192xi32, #tpu.memory_space<hbm>>
      %dma_wait3A_156 = tpu.memref_slice %arg2[%multiple_of3A_128] : memref<212992xi32, #tpu.memory_space<hbm>> -> memref<8192xi32, #tpu.memory_space<hbm>>
      tpu.wait_dma2 semaphore(%run_scoped3A : memref<!tpu.dma_semaphore, #tpu.memory_space<semaphore_mem>>) src(%dma_wait3A_156 : memref<8192xi32, #tpu.memory_space<hbm>>) dst(%arg9 : memref<8192xi32, #tpu.memory_space<vmem>>)
      tpu.yield
    }) : () -> ()
    %mul3A_129 = arith.constant 3200 : i32
    %mul3A_130 = arith.muli %add3A_73, %mul3A_129 : i32
    "tpu.region"() ({
      %run_scoped3A = tpu.sem_alloc : memref<!tpu.dma_semaphore, #tpu.memory_space<semaphore_mem>>
      %dma_start3A = tpu.memref_slice %arg2[%mul3A_130] : memref<212992xi32, #tpu.memory_space<hbm>> -> memref<3200xi32, #tpu.memory_space<hbm>>
      %dma_start3A_155 = tpu.memref_slice %arg2[%mul3A_130] : memref<212992xi32, #tpu.memory_space<hbm>> -> memref<3200xi32, #tpu.memory_space<hbm>>
      tpu.enqueue_dma source(%dma_start3A_155 : memref<3200xi32, #tpu.memory_space<hbm>>) target(%arg10 : memref<3200xi32, #tpu.memory_space<vmem>>) target_semaphore(%run_scoped3A : memref<!tpu.dma_semaphore, #tpu.memory_space<semaphore_mem>>)
      %dma_wait3A = tpu.memref_slice %arg2[%mul3A_130] : memref<212992xi32, #tpu.memory_space<hbm>> -> memref<3200xi32, #tpu.memory_space<hbm>>
      %dma_wait3A_156 = tpu.memref_slice %arg2[%mul3A_130] : memref<212992xi32, #tpu.memory_space<hbm>> -> memref<3200xi32, #tpu.memory_space<hbm>>
      tpu.wait_dma2 semaphore(%run_scoped3A : memref<!tpu.dma_semaphore, #tpu.memory_space<semaphore_mem>>) src(%dma_wait3A_156 : memref<3200xi32, #tpu.memory_space<hbm>>) dst(%arg10 : memref<3200xi32, #tpu.memory_space<vmem>>)
      tpu.yield
    }) : () -> ()
    "tpu.region"() ({
      %run_scoped3A = tpu.sem_alloc : memref<!tpu.dma_semaphore, #tpu.memory_space<semaphore_mem>>
      %dma_start3A = arith.constant 0 : i32
      %dma_start3A_155 = arith.constant 0 : i32
      %dma_start3A_156 = tpu.memref_slice %arg4[%add3A_73, %dma_start3A, %dma_start3A_155] : memref<64x25x128xi32, #tpu.memory_space<hbm>> -> memref<1x25x128xi32, #tpu.memory_space<hbm>>
      %dma_start3A_157 = tpu.memref_squeeze %dma_start3A_156 : memref<1x25x128xi32, #tpu.memory_space<hbm>> -> memref<25x128xi32, #tpu.memory_space<hbm>>
      %dma_start3A_158 = arith.constant 0 : i32
      %dma_start3A_159 = arith.constant 0 : i32
      %dma_start3A_160 = tpu.memref_slice %arg4[%add3A_73, %dma_start3A_158, %dma_start3A_159] : memref<64x25x128xi32, #tpu.memory_space<hbm>> -> memref<1x25x128xi32, #tpu.memory_space<hbm>>
      %dma_start3A_161 = tpu.memref_squeeze %dma_start3A_160 : memref<1x25x128xi32, #tpu.memory_space<hbm>> -> memref<25x128xi32, #tpu.memory_space<hbm>>
      tpu.enqueue_dma source(%dma_start3A_161 : memref<25x128xi32, #tpu.memory_space<hbm>>) target(%arg13 : memref<25x128xi32, #tpu.memory_space<vmem>>) target_semaphore(%run_scoped3A : memref<!tpu.dma_semaphore, #tpu.memory_space<semaphore_mem>>)
      %dma_wait3A = arith.constant 0 : i32
      %dma_wait3A_162 = arith.constant 0 : i32
      %dma_wait3A_163 = tpu.memref_slice %arg4[%add3A_73, %dma_wait3A, %dma_wait3A_162] : memref<64x25x128xi32, #tpu.memory_space<hbm>> -> memref<1x25x128xi32, #tpu.memory_space<hbm>>
      %dma_wait3A_164 = tpu.memref_squeeze %dma_wait3A_163 : memref<1x25x128xi32, #tpu.memory_space<hbm>> -> memref<25x128xi32, #tpu.memory_space<hbm>>
      %dma_wait3A_165 = arith.constant 0 : i32
      %dma_wait3A_166 = arith.constant 0 : i32
      %dma_wait3A_167 = tpu.memref_slice %arg4[%add3A_73, %dma_wait3A_165, %dma_wait3A_166] : memref<64x25x128xi32, #tpu.memory_space<hbm>> -> memref<1x25x128xi32, #tpu.memory_space<hbm>>
      %dma_wait3A_168 = tpu.memref_squeeze %dma_wait3A_167 : memref<1x25x128xi32, #tpu.memory_space<hbm>> -> memref<25x128xi32, #tpu.memory_space<hbm>>
      tpu.wait_dma2 semaphore(%run_scoped3A : memref<!tpu.dma_semaphore, #tpu.memory_space<semaphore_mem>>) src(%dma_wait3A_168 : memref<25x128xi32, #tpu.memory_space<hbm>>) dst(%arg13 : memref<25x128xi32, #tpu.memory_space<vmem>>)
      tpu.yield
    }) : () -> ()
    "tpu.region"() ({
      %run_scoped3A = tpu.sem_alloc : memref<!tpu.dma_semaphore, #tpu.memory_space<semaphore_mem>>
      tpu.enqueue_dma source(%arg5 : memref<3200x16xf32, #tpu.memory_space<hbm>>) target(%arg12 : memref<3200x16xf32, #tpu.memory_space<vmem>>) target_semaphore(%run_scoped3A : memref<!tpu.dma_semaphore, #tpu.memory_space<semaphore_mem>>)
      tpu.wait_dma2 semaphore(%run_scoped3A : memref<!tpu.dma_semaphore, #tpu.memory_space<semaphore_mem>>) src(%arg5 : memref<3200x16xf32, #tpu.memory_space<hbm>>) dst(%arg12 : memref<3200x16xf32, #tpu.memory_space<vmem>>)
      tpu.yield
    }) : () -> ()
    %scan3A_131 = arith.constant 0 : i32
    %scan3A_132 = arith.constant 0 : i32
    %scan3A_133 = arith.constant 27 : i32
    %scan3A_134 = arith.addi %scan3A_132, %scan3A_133 : i32
    %scan3A_135 = arith.constant 1 : i32
    scf.for %scan3A_155 = %scan3A_132 to %scan3A_134 step %scan3A_135  : i32 {
      %jit3A_156 = arith.constant 2 : i32
      %eq3A_157 = arith.constant 0 : i32
      %eq3A_158 = arith.cmpi eq, %jit3A_156, %eq3A_157 : i32
      %jit3A_159 = arith.constant 1 : i32
      %select_n3A_160 = arith.select %eq3A_158, %jit3A_159, %jit3A_156 : i32
      %rem3A_161 = arith.remsi %scan3A_155, %select_n3A_160 : i32
      %ne3A_162 = arith.constant 0 : i32
      %ne3A_163 = arith.cmpi ne, %rem3A_161, %ne3A_162 : i32
      %lt3A_164 = arith.constant 0 : i32
      %lt3A_165 = arith.cmpi slt, %rem3A_161, %lt3A_164 : i32
      %lt3A_166 = arith.constant 0 : i32
      %lt3A_167 = arith.cmpi slt, %select_n3A_160, %lt3A_166 : i32
      %ne3A_168 = arith.xori %lt3A_165, %lt3A_167 : i1
      %and3A_169 = arith.andi %ne3A_168, %ne3A_163 : i1
      %add3A_170 = arith.addi %rem3A_161, %select_n3A_160 : i32
      %select_n3A_171 = arith.select %and3A_169, %add3A_170, %rem3A_161 : i32
      %jit3A_172 = arith.constant 16 : i32
      %div3A_173 = arith.divsi %scan3A_155, %jit3A_172 : i32
      %sign3A_174 = arith.constant 0 : i32
      %sign3A_175 = arith.cmpi sgt, %scan3A_155, %sign3A_174 : i32
      %sign3A_176 = arith.extui %sign3A_175 : i1 to i32
      %sign3A_177 = arith.constant 0 : i32
      %sign3A_178 = arith.cmpi slt, %scan3A_155, %sign3A_177 : i32
      %sign3A_179 = arith.extui %sign3A_178 : i1 to i32
      %sign3A_180 = arith.subi %sign3A_176, %sign3A_179 : i32
      %sign3A_181 = arith.constant 0 : i32
      %sign3A_182 = arith.cmpi sgt, %jit3A_172, %sign3A_181 : i32
      %sign3A_183 = arith.extui %sign3A_182 : i1 to i32
      %sign3A_184 = arith.constant 0 : i32
      %sign3A_185 = arith.cmpi slt, %jit3A_172, %sign3A_184 : i32
      %sign3A_186 = arith.extui %sign3A_185 : i1 to i32
      %sign3A_187 = arith.subi %sign3A_183, %sign3A_186 : i32
      %ne3A_188 = arith.cmpi ne, %sign3A_180, %sign3A_187 : i32
      %rem3A_189 = arith.remsi %scan3A_155, %jit3A_172 : i32
      %ne3A_190 = arith.constant 0 : i32
      %ne3A_191 = arith.cmpi ne, %rem3A_189, %ne3A_190 : i32
      %and3A_192 = arith.andi %ne3A_188, %ne3A_191 : i1
      %sub3A_193 = arith.constant 1 : i32
      %sub3A_194 = arith.subi %div3A_173, %sub3A_193 : i32
      %select_n3A_195 = arith.select %and3A_192, %sub3A_194, %div3A_173 : i32
      %mul3A_196 = arith.constant 16 : i32
      %mul3A_197 = arith.muli %select_n3A_195, %mul3A_196 : i32
      %get3A_198 = arith.index_cast %mul3A_197 : i32 to index
      %get3A_199 = tpu.vector_load %arg15[%get3A_198] {strides = array<i32>} : memref<32xi32, #tpu.memory_space<vmem>>, vector<16xi32>,
      %iota3A_200 = tpu.iota {dimensions = array<i32: 0>} : vector<16xi32>
      %jit3A_201 = arith.constant 16 : i32
      %eq3A_202 = arith.constant 0 : i32
      %eq3A_203 = arith.cmpi eq, %jit3A_201, %eq3A_202 : i32
      %jit3A_204 = arith.constant 1 : i32
      %select_n3A_205 = arith.select %eq3A_203, %jit3A_204, %jit3A_201 : i32
      %rem3A_206 = arith.remsi %scan3A_155, %select_n3A_205 : i32
      %ne3A_207 = arith.constant 0 : i32
      %ne3A_208 = arith.cmpi ne, %rem3A_206, %ne3A_207 : i32
      %lt3A_209 = arith.constant 0 : i32
      %lt3A_210 = arith.cmpi slt, %rem3A_206, %lt3A_209 : i32
      %lt3A_211 = arith.constant 0 : i32
      %lt3A_212 = arith.cmpi slt, %select_n3A_205, %lt3A_211 : i32
      %ne3A_213 = arith.xori %lt3A_210, %lt3A_212 : i1
      %and3A_214 = arith.andi %ne3A_213, %ne3A_208 : i1
      %add3A_215 = arith.addi %rem3A_206, %select_n3A_205 : i32
      %select_n3A_216 = arith.select %and3A_214, %add3A_215, %rem3A_206 : i32
      %eq3A_217 = vector.broadcast %select_n3A_216 : i32 to vector<16xi32>
      %eq3A_218 = arith.cmpi eq, %iota3A_200, %eq3A_217 : vector<16xi32>
      %jit3A_219 = arith.constant 0 : i32
      %broadcast_in_dim3A_220 = vector.broadcast %jit3A_219 : i32 to vector<16xi32>
      %select_n3A_221 = arith.select %eq3A_218, %get3A_199, %broadcast_in_dim3A_220 : vector<16xi1>, vector<16xi32>
      %reduce_sum3A_222 = arith.constant true
      %reduce_sum3A_223 = vector.broadcast %reduce_sum3A_222 : i1 to vector<16xi1>
      %reduce_sum3A_224 = tpu.scan <sum>, %select_n3A_221 masked %reduce_sum3A_223 : vector<16xi32>, vector<16xi1> -> vector<16xi32>
      %reduce_sum3A_225 = vector.extract %reduce_sum3A_224[15] : i32 from vector<16xi32>
      %scan3A_226 = arith.constant 0 : i32
      %scan3A_227 = arith.constant 0 : i32
      %scan3A_228 = arith.constant 200 : i32
      %scan3A_229 = arith.addi %scan3A_227, %scan3A_228 : i32
      %scan3A_230 = arith.constant 1 : i32
      scf.for %scan3A_240 = %scan3A_227 to %scan3A_229 step %scan3A_230  : i32 {
        %mul3A_241 = arith.constant 16 : i32
        %mul3A_242 = arith.muli %scan3A_240, %mul3A_241 : i32
        %get3A_243 = arith.index_cast %mul3A_242 : i32 to index
        %get3A_244 = tpu.vector_load %arg10[%get3A_243] {strides = array<i32>} : memref<3200xi32, #tpu.memory_space<vmem>>, vector<16xi32>,
        %add3A_245 = vector.broadcast %reduce_sum3A_225 : i32 to vector<16xi32>
        %add3A_246 = arith.addi %get3A_244, %add3A_245 : vector<16xi32>
        %broadcast_in_dim3A_247 = arith.constant 0 : i32
        %broadcast_in_dim3A_248 = vector.broadcast %broadcast_in_dim3A_247 : i32 to vector<16xi32>
        %broadcast_in_dim3A_249 = arith.constant 8192 : i32
        %broadcast_in_dim3A_250 = vector.broadcast %broadcast_in_dim3A_249 : i32 to vector<16xi32>
        %add3A_251 = arith.addi %broadcast_in_dim3A_248, %broadcast_in_dim3A_250 : vector<16xi32>
        %shift_right_arithmetic3A = arith.constant 1 : i32
        %shift_right_arithmetic3A_252 = vector.broadcast %shift_right_arithmetic3A : i32 to vector<16xi32>
        %shift_right_arithmetic3A_253 = arith.shrsi %add3A_251, %shift_right_arithmetic3A_252 : vector<16xi32>
        %gather3A = tpu.vector_load_idx %arg9[%shift_right_arithmetic3A_253] : memref<8192xi32, #tpu.memory_space<vmem>>[vector<16xi32>], vector<16xi32>,
        %lt3A_254 = arith.cmpi slt, %gather3A, %add3A_246 : vector<16xi32>
        %add3A_255 = arith.constant 1 : i32
        %add3A_256 = vector.broadcast %add3A_255 : i32 to vector<16xi32>
        %add3A_257 = arith.addi %shift_right_arithmetic3A_253, %add3A_256 : vector<16xi32>
        %select_n3A_258 = arith.select %lt3A_254, %add3A_257, %broadcast_in_dim3A_248 : vector<16xi1>, vector<16xi32>
        %select_n3A_259 = arith.select %lt3A_254, %broadcast_in_dim3A_250, %shift_right_arithmetic3A_253 : vector<16xi1>, vector<16xi32>
        %add3A_260 = arith.addi %select_n3A_258, %select_n3A_259 : vector<16xi32>
        %shift_right_arithmetic3A_261 = arith.constant 1 : i32
        %shift_right_arithmetic3A_262 = vector.broadcast %shift_right_arithmetic3A_261 : i32 to vector<16xi32>
        %shift_right_arithmetic3A_263 = arith.shrsi %add3A_260, %shift_right_arithmetic3A_262 : vector<16xi32>
        %gather3A_264 = tpu.vector_load_idx %arg9[%shift_right_arithmetic3A_263] : memref<8192xi32, #tpu.memory_space<vmem>>[vector<16xi32>], vector<16xi32>,
        %lt3A_265 = arith.cmpi slt, %gather3A_264, %add3A_246 : vector<16xi32>
        %add3A_266 = arith.constant 1 : i32
        %add3A_267 = vector.broadcast %add3A_266 : i32 to vector<16xi32>
        %add3A_268 = arith.addi %shift_right_arithmetic3A_263, %add3A_267 : vector<16xi32>
        %select_n3A_269 = arith.select %lt3A_265, %add3A_268, %select_n3A_258 : vector<16xi1>, vector<16xi32>
        %select_n3A_270 = arith.select %lt3A_265, %select_n3A_259, %shift_right_arithmetic3A_263 : vector<16xi1>, vector<16xi32>
        %add3A_271 = arith.addi %select_n3A_269, %select_n3A_270 : vector<16xi32>
        %shift_right_arithmetic3A_272 = arith.constant 1 : i32
        %shift_right_arithmetic3A_273 = vector.broadcast %shift_right_arithmetic3A_272 : i32 to vector<16xi32>
        %shift_right_arithmetic3A_274 = arith.shrsi %add3A_271, %shift_right_arithmetic3A_273 : vector<16xi32>
        %gather3A_275 = tpu.vector_load_idx %arg9[%shift_right_arithmetic3A_274] : memref<8192xi32, #tpu.memory_space<vmem>>[vector<16xi32>], vector<16xi32>,
        %lt3A_276 = arith.cmpi slt, %gather3A_275, %add3A_246 : vector<16xi32>
        %add3A_277 = arith.constant 1 : i32
        %add3A_278 = vector.broadcast %add3A_277 : i32 to vector<16xi32>
        %add3A_279 = arith.addi %shift_right_arithmetic3A_274, %add3A_278 : vector<16xi32>
        %select_n3A_280 = arith.select %lt3A_276, %add3A_279, %select_n3A_269 : vector<16xi1>, vector<16xi32>
        %select_n3A_281 = arith.select %lt3A_276, %select_n3A_270, %shift_right_arithmetic3A_274 : vector<16xi1>, vector<16xi32>
        %add3A_282 = arith.addi %select_n3A_280, %select_n3A_281 : vector<16xi32>
        %shift_right_arithmetic3A_283 = arith.constant 1 : i32
        %shift_right_arithmetic3A_284 = vector.broadcast %shift_right_arithmetic3A_283 : i32 to vector<16xi32>
        %shift_right_arithmetic3A_285 = arith.shrsi %add3A_282, %shift_right_arithmetic3A_284 : vector<16xi32>
        %gather3A_286 = tpu.vector_load_idx %arg9[%shift_right_arithmetic3A_285] : memref<8192xi32, #tpu.memory_space<vmem>>[vector<16xi32>], vector<16xi32>,
        %lt3A_287 = arith.cmpi slt, %gather3A_286, %add3A_246 : vector<16xi32>
        %add3A_288 = arith.constant 1 : i32
        %add3A_289 = vector.broadcast %add3A_288 : i32 to vector<16xi32>
        %add3A_290 = arith.addi %shift_right_arithmetic3A_285, %add3A_289 : vector<16xi32>
        %select_n3A_291 = arith.select %lt3A_287, %add3A_290, %select_n3A_280 : vector<16xi1>, vector<16xi32>
        %select_n3A_292 = arith.select %lt3A_287, %select_n3A_281, %shift_right_arithmetic3A_285 : vector<16xi1>, vector<16xi32>
        %add3A_293 = arith.addi %select_n3A_291, %select_n3A_292 : vector<16xi32>
        %shift_right_arithmetic3A_294 = arith.constant 1 : i32
        %shift_right_arithmetic3A_295 = vector.broadcast %shift_right_arithmetic3A_294 : i32 to vector<16xi32>
        %shift_right_arithmetic3A_296 = arith.shrsi %add3A_293, %shift_right_arithmetic3A_295 : vector<16xi32>
        %gather3A_297 = tpu.vector_load_idx %arg9[%shift_right_arithmetic3A_296] : memref<8192xi32, #tpu.memory_space<vmem>>[vector<16xi32>], vector<16xi32>,
        %lt3A_298 = arith.cmpi slt, %gather3A_297, %add3A_246 : vector<16xi32>
        %add3A_299 = arith.constant 1 : i32
        %add3A_300 = vector.broadcast %add3A_299 : i32 to vector<16xi32>
        %add3A_301 = arith.addi %shift_right_arithmetic3A_296, %add3A_300 : vector<16xi32>
        %select_n3A_302 = arith.select %lt3A_298, %add3A_301, %select_n3A_291 : vector<16xi1>, vector<16xi32>
        %select_n3A_303 = arith.select %lt3A_298, %select_n3A_292, %shift_right_arithmetic3A_296 : vector<16xi1>, vector<16xi32>
        %add3A_304 = arith.addi %select_n3A_302, %select_n3A_303 : vector<16xi32>
        %shift_right_arithmetic3A_305 = arith.constant 1 : i32
        %shift_right_arithmetic3A_306 = vector.broadcast %shift_right_arithmetic3A_305 : i32 to vector<16xi32>
        %shift_right_arithmetic3A_307 = arith.shrsi %add3A_304, %shift_right_arithmetic3A_306 : vector<16xi32>
        %gather3A_308 = tpu.vector_load_idx %arg9[%shift_right_arithmetic3A_307] : memref<8192xi32, #tpu.memory_space<vmem>>[vector<16xi32>], vector<16xi32>,
        %lt3A_309 = arith.cmpi slt, %gather3A_308, %add3A_246 : vector<16xi32>
        %add3A_310 = arith.constant 1 : i32
        %add3A_311 = vector.broadcast %add3A_310 : i32 to vector<16xi32>
        %add3A_312 = arith.addi %shift_right_arithmetic3A_307, %add3A_311 : vector<16xi32>
        %select_n3A_313 = arith.select %lt3A_309, %add3A_312, %select_n3A_302 : vector<16xi1>, vector<16xi32>
        %select_n3A_314 = arith.select %lt3A_309, %select_n3A_303, %shift_right_arithmetic3A_307 : vector<16xi1>, vector<16xi32>
        %add3A_315 = arith.addi %select_n3A_313, %select_n3A_314 : vector<16xi32>
        %shift_right_arithmetic3A_316 = arith.constant 1 : i32
        %shift_right_arithmetic3A_317 = vector.broadcast %shift_right_arithmetic3A_316 : i32 to vector<16xi32>
        %shift_right_arithmetic3A_318 = arith.shrsi %add3A_315, %shift_right_arithmetic3A_317 : vector<16xi32>
        %gather3A_319 = tpu.vector_load_idx %arg9[%shift_right_arithmetic3A_318] : memref<8192xi32, #tpu.memory_space<vmem>>[vector<16xi32>], vector<16xi32>,
        %lt3A_320 = arith.cmpi slt, %gather3A_319, %add3A_246 : vector<16xi32>
        %add3A_321 = arith.constant 1 : i32
        %add3A_322 = vector.broadcast %add3A_321 : i32 to vector<16xi32>
        %add3A_323 = arith.addi %shift_right_arithmetic3A_318, %add3A_322 : vector<16xi32>
        %select_n3A_324 = arith.select %lt3A_320, %add3A_323, %select_n3A_313 : vector<16xi1>, vector<16xi32>
        %select_n3A_325 = arith.select %lt3A_320, %select_n3A_314, %shift_right_arithmetic3A_318 : vector<16xi1>, vector<16xi32>
        %add3A_326 = arith.addi %select_n3A_324, %select_n3A_325 : vector<16xi32>
        %shift_right_arithmetic3A_327 = arith.constant 1 : i32
        %shift_right_arithmetic3A_328 = vector.broadcast %shift_right_arithmetic3A_327 : i32 to vector<16xi32>
        %shift_right_arithmetic3A_329 = arith.shrsi %add3A_326, %shift_right_arithmetic3A_328 : vector<16xi32>
        %gather3A_330 = tpu.vector_load_idx %arg9[%shift_right_arithmetic3A_329] : memref<8192xi32, #tpu.memory_space<vmem>>[vector<16xi32>], vector<16xi32>,
        %lt3A_331 = arith.cmpi slt, %gather3A_330, %add3A_246 : vector<16xi32>
        %add3A_332 = arith.constant 1 : i32
        %add3A_333 = vector.broadcast %add3A_332 : i32 to vector<16xi32>
        %add3A_334 = arith.addi %shift_right_arithmetic3A_329, %add3A_333 : vector<16xi32>
        %select_n3A_335 = arith.select %lt3A_331, %add3A_334, %select_n3A_324 : vector<16xi1>, vector<16xi32>
        %select_n3A_336 = arith.select %lt3A_331, %select_n3A_325, %shift_right_arithmetic3A_329 : vector<16xi1>, vector<16xi32>
        %add3A_337 = arith.addi %select_n3A_335, %select_n3A_336 : vector<16xi32>
        %shift_right_arithmetic3A_338 = arith.constant 1 : i32
        %shift_right_arithmetic3A_339 = vector.broadcast %shift_right_arithmetic3A_338 : i32 to vector<16xi32>
        %shift_right_arithmetic3A_340 = arith.shrsi %add3A_337, %shift_right_arithmetic3A_339 : vector<16xi32>
        %gather3A_341 = tpu.vector_load_idx %arg9[%shift_right_arithmetic3A_340] : memref<8192xi32, #tpu.memory_space<vmem>>[vector<16xi32>], vector<16xi32>,
        %lt3A_342 = arith.cmpi slt, %gather3A_341, %add3A_246 : vector<16xi32>
        %add3A_343 = arith.constant 1 : i32
        %add3A_344 = vector.broadcast %add3A_343 : i32 to vector<16xi32>
        %add3A_345 = arith.addi %shift_right_arithmetic3A_340, %add3A_344 : vector<16xi32>
        %select_n3A_346 = arith.select %lt3A_342, %add3A_345, %select_n3A_335 : vector<16xi1>, vector<16xi32>
        %select_n3A_347 = arith.select %lt3A_342, %select_n3A_336, %shift_right_arithmetic3A_340 : vector<16xi1>, vector<16xi32>
        %add3A_348 = arith.addi %select_n3A_346, %select_n3A_347 : vector<16xi32>
        %shift_right_arithmetic3A_349 = arith.constant 1 : i32
        %shift_right_arithmetic3A_350 = vector.broadcast %shift_right_arithmetic3A_349 : i32 to vector<16xi32>
        %shift_right_arithmetic3A_351 = arith.shrsi %add3A_348, %shift_right_arithmetic3A_350 : vector<16xi32>
        %gather3A_352 = tpu.vector_load_idx %arg9[%shift_right_arithmetic3A_351] : memref<8192xi32, #tpu.memory_space<vmem>>[vector<16xi32>], vector<16xi32>,
        %lt3A_353 = arith.cmpi slt, %gather3A_352, %add3A_246 : vector<16xi32>
        %add3A_354 = arith.constant 1 : i32
        %add3A_355 = vector.broadcast %add3A_354 : i32 to vector<16xi32>
        %add3A_356 = arith.addi %shift_right_arithmetic3A_351, %add3A_355 : vector<16xi32>
        %select_n3A_357 = arith.select %lt3A_353, %add3A_356, %select_n3A_346 : vector<16xi1>, vector<16xi32>
        %select_n3A_358 = arith.select %lt3A_353, %select_n3A_347, %shift_right_arithmetic3A_351 : vector<16xi1>, vector<16xi32>
        %add3A_359 = arith.addi %select_n3A_357, %select_n3A_358 : vector<16xi32>
        %shift_right_arithmetic3A_360 = arith.constant 1 : i32
        %shift_right_arithmetic3A_361 = vector.broadcast %shift_right_arithmetic3A_360 : i32 to vector<16xi32>
        %shift_right_arithmetic3A_362 = arith.shrsi %add3A_359, %shift_right_arithmetic3A_361 : vector<16xi32>
        %gather3A_363 = tpu.vector_load_idx %arg9[%shift_right_arithmetic3A_362] : memref<8192xi32, #tpu.memory_space<vmem>>[vector<16xi32>], vector<16xi32>,
        %lt3A_364 = arith.cmpi slt, %gather3A_363, %add3A_246 : vector<16xi32>
        %add3A_365 = arith.constant 1 : i32
        %add3A_366 = vector.broadcast %add3A_365 : i32 to vector<16xi32>
        %add3A_367 = arith.addi %shift_right_arithmetic3A_362, %add3A_366 : vector<16xi32>
        %select_n3A_368 = arith.select %lt3A_364, %add3A_367, %select_n3A_357 : vector<16xi1>, vector<16xi32>
        %select_n3A_369 = arith.select %lt3A_364, %select_n3A_358, %shift_right_arithmetic3A_362 : vector<16xi1>, vector<16xi32>
        %add3A_370 = arith.addi %select_n3A_368, %select_n3A_369 : vector<16xi32>
        %shift_right_arithmetic3A_371 = arith.constant 1 : i32
        %shift_right_arithmetic3A_372 = vector.broadcast %shift_right_arithmetic3A_371 : i32 to vector<16xi32>
        %shift_right_arithmetic3A_373 = arith.shrsi %add3A_370, %shift_right_arithmetic3A_372 : vector<16xi32>
        %gather3A_374 = tpu.vector_load_idx %arg9[%shift_right_arithmetic3A_373] : memref<8192xi32, #tpu.memory_space<vmem>>[vector<16xi32>], vector<16xi32>,
        %lt3A_375 = arith.cmpi slt, %gather3A_374, %add3A_246 : vector<16xi32>
        %add3A_376 = arith.constant 1 : i32
        %add3A_377 = vector.broadcast %add3A_376 : i32 to vector<16xi32>
        %add3A_378 = arith.addi %shift_right_arithmetic3A_373, %add3A_377 : vector<16xi32>
        %select_n3A_379 = arith.select %lt3A_375, %add3A_378, %select_n3A_368 : vector<16xi1>, vector<16xi32>
        %select_n3A_380 = arith.select %lt3A_375, %select_n3A_369, %shift_right_arithmetic3A_373 : vector<16xi1>, vector<16xi32>
        %add3A_381 = arith.addi %select_n3A_379, %select_n3A_380 : vector<16xi32>
        %shift_right_arithmetic3A_382 = arith.constant 1 : i32
        %shift_right_arithmetic3A_383 = vector.broadcast %shift_right_arithmetic3A_382 : i32 to vector<16xi32>
        %shift_right_arithmetic3A_384 = arith.shrsi %add3A_381, %shift_right_arithmetic3A_383 : vector<16xi32>
        %gather3A_385 = tpu.vector_load_idx %arg9[%shift_right_arithmetic3A_384] : memref<8192xi32, #tpu.memory_space<vmem>>[vector<16xi32>], vector<16xi32>,
        %lt3A_386 = arith.cmpi slt, %gather3A_385, %add3A_246 : vector<16xi32>
        %add3A_387 = arith.constant 1 : i32
        %add3A_388 = vector.broadcast %add3A_387 : i32 to vector<16xi32>
        %add3A_389 = arith.addi %shift_right_arithmetic3A_384, %add3A_388 : vector<16xi32>
        %select_n3A_390 = arith.select %lt3A_386, %add3A_389, %select_n3A_379 : vector<16xi1>, vector<16xi32>
        %select_n3A_391 = arith.select %lt3A_386, %select_n3A_380, %shift_right_arithmetic3A_384 : vector<16xi1>, vector<16xi32>
        %add3A_392 = arith.addi %select_n3A_390, %select_n3A_391 : vector<16xi32>
        %shift_right_arithmetic3A_393 = arith.constant 1 : i32
        %shift_right_arithmetic3A_394 = vector.broadcast %shift_right_arithmetic3A_393 : i32 to vector<16xi32>
        %shift_right_arithmetic3A_395 = arith.shrsi %add3A_392, %shift_right_arithmetic3A_394 : vector<16xi32>
        %gather3A_396 = tpu.vector_load_idx %arg9[%shift_right_arithmetic3A_395] : memref<8192xi32, #tpu.memory_space<vmem>>[vector<16xi32>], vector<16xi32>,
        %lt3A_397 = arith.cmpi slt, %gather3A_396, %add3A_246 : vector<16xi32>
        %add3A_398 = arith.constant 1 : i32
        %add3A_399 = vector.broadcast %add3A_398 : i32 to vector<16xi32>
        %add3A_400 = arith.addi %shift_right_arithmetic3A_395, %add3A_399 : vector<16xi32>
        %select_n3A_401 = arith.select %lt3A_397, %add3A_400, %select_n3A_390 : vector<16xi1>, vector<16xi32>
        %select_n3A_402 = arith.select %lt3A_397, %select_n3A_391, %shift_right_arithmetic3A_395 : vector<16xi1>, vector<16xi32>
        %min3A = arith.constant 8191 : i32
        %min3A_403 = vector.broadcast %min3A : i32 to vector<16xi32>
        %min3A_404 = arith.minsi %select_n3A_401, %min3A_403 : vector<16xi32>
        %gather3A_405 = tpu.vector_load_idx %arg9[%min3A_404] : memref<8192xi32, #tpu.memory_space<vmem>>[vector<16xi32>], vector<16xi32>,
        %lt3A_406 = arith.constant 8192 : i32
        %lt3A_407 = vector.broadcast %lt3A_406 : i32 to vector<16xi32>
        %lt3A_408 = arith.cmpi slt, %select_n3A_401, %lt3A_407 : vector<16xi32>
        %eq3A_409 = arith.cmpi eq, %gather3A_405, %add3A_246 : vector<16xi32>
        %and3A_410 = arith.andi %lt3A_408, %eq3A_409 : vector<16xi1>
        %add3A_411 = vector.broadcast %multiple_of3A_128 : i32 to vector<16xi32>
        %add3A_412 = arith.addi %add3A_411, %min3A_404 : vector<16xi32>
        %mul3A_413 = arith.constant 204800 : i32
        %mul3A_414 = arith.muli %scan3A_155, %mul3A_413 : i32
        %add3A_415 = vector.broadcast %mul3A_414 : i32 to vector<16xi32>
        %add3A_416 = arith.addi %add3A_412, %add3A_415 : vector<16xi32>
        %mul3A_417 = arith.constant 204800 : i32
        %mul3A_418 = arith.muli %scan3A_155, %mul3A_417 : i32
        %add3A_419 = arith.constant 200000 : i32
        %add3A_420 = arith.addi %mul3A_418, %add3A_419 : i32
        %broadcast_in_dim3A_421 = vector.broadcast %add3A_420 : i32 to vector<16xi32>
        %select_n3A_422 = arith.select %and3A_410, %add3A_416, %broadcast_in_dim3A_421 : vector<16xi1>, vector<16xi32>
        %jit3A_423 = arith.constant 8 : i32
        %div3A_424 = arith.divsi %scan3A_240, %jit3A_423 : i32
        %sign3A_425 = arith.constant 0 : i32
        %sign3A_426 = arith.cmpi sgt, %scan3A_240, %sign3A_425 : i32
        %sign3A_427 = arith.extui %sign3A_426 : i1 to i32
        %sign3A_428 = arith.constant 0 : i32
        %sign3A_429 = arith.cmpi slt, %scan3A_240, %sign3A_428 : i32
        %sign3A_430 = arith.extui %sign3A_429 : i1 to i32
        %sign3A_431 = arith.subi %sign3A_427, %sign3A_430 : i32
        %sign3A_432 = arith.constant 0 : i32
        %sign3A_433 = arith.cmpi sgt, %jit3A_423, %sign3A_432 : i32
        %sign3A_434 = arith.extui %sign3A_433 : i1 to i32
        %sign3A_435 = arith.constant 0 : i32
        %sign3A_436 = arith.cmpi slt, %jit3A_423, %sign3A_435 : i32
        %sign3A_437 = arith.extui %sign3A_436 : i1 to i32
        %sign3A_438 = arith.subi %sign3A_434, %sign3A_437 : i32
        %ne3A_439 = arith.cmpi ne, %sign3A_431, %sign3A_438 : i32
        %rem3A_440 = arith.remsi %scan3A_240, %jit3A_423 : i32
        %ne3A_441 = arith.constant 0 : i32
        %ne3A_442 = arith.cmpi ne, %rem3A_440, %ne3A_441 : i32
        %and3A_443 = arith.andi %ne3A_439, %ne3A_442 : i1
        %sub3A_444 = arith.constant 1 : i32
        %sub3A_445 = arith.subi %div3A_424, %sub3A_444 : i32
        %select_n3A_446 = arith.select %and3A_443, %sub3A_445, %div3A_424 : i32
        %jit3A_447 = arith.constant 8 : i32
        %eq3A_448 = arith.constant 0 : i32
        %eq3A_449 = arith.cmpi eq, %jit3A_447, %eq3A_448 : i32
        %jit3A_450 = arith.constant 1 : i32
        %select_n3A_451 = arith.select %eq3A_449, %jit3A_450, %jit3A_447 : i32
        %rem3A_452 = arith.remsi %scan3A_240, %select_n3A_451 : i32
        %ne3A_453 = arith.constant 0 : i32
        %ne3A_454 = arith.cmpi ne, %rem3A_452, %ne3A_453 : i32
        %lt3A_455 = arith.constant 0 : i32
        %lt3A_456 = arith.cmpi slt, %rem3A_452, %lt3A_455 : i32
        %lt3A_457 = arith.constant 0 : i32
        %lt3A_458 = arith.cmpi slt, %select_n3A_451, %lt3A_457 : i32
        %ne3A_459 = arith.xori %lt3A_456, %lt3A_458 : i1
        %and3A_460 = arith.andi %ne3A_459, %ne3A_454 : i1
        %add3A_461 = arith.addi %rem3A_452, %select_n3A_451 : i32
        %select_n3A_462 = arith.select %and3A_460, %add3A_461, %rem3A_452 : i32
        %mul3A_463 = arith.constant 16 : i32
        %mul3A_464 = arith.muli %select_n3A_462, %mul3A_463 : i32
        %swap3A = arith.index_cast %select_n3A_171 : i32 to index
        %swap3A_465 = arith.index_cast %select_n3A_446 : i32 to index
        %swap3A_466 = arith.index_cast %mul3A_464 : i32 to index
        %swap3A_467 = tpu.vector_load %arg11[%swap3A, %swap3A_465, %swap3A_466] {strides = array<i32>} : memref<2x25x128xi32, #tpu.memory_space<vmem>>, vector<16xi32>,
        tpu.vector_store %arg11[%swap3A, %swap3A_465, %swap3A_466], %select_n3A_422 {strides = array<i32>} : memref<2x25x128xi32, #tpu.memory_space<vmem>>, vector<16xi32>,
      }
      %scan3A_231 = arith.constant 200 : i32
      %ge3A = arith.constant 1 : i32
      %ge3A_232 = arith.cmpi sge, %scan3A_155, %ge3A : i32
      %convert_element_type3A = arith.extui %ge3A_232 : i1 to i32
      %cond3A = arith.constant 0 : i32
      %cond3A_233 = arith.cmpi ne, %convert_element_type3A, %cond3A : i32
      scf.if %cond3A_233 {
        %scan3A_240 = arith.constant 0 : i32
        %scan3A_241 = arith.constant 0 : i32
        %scan3A_242 = arith.constant 25 : i32
        %scan3A_243 = arith.addi %scan3A_241, %scan3A_242 : i32
        %scan3A_244 = arith.constant 1 : i32
        scf.for %scan3A_246 = %scan3A_241 to %scan3A_243 step %scan3A_244  : i32 {
          %mul3A_247 = arith.constant 128 : i32
          %mul3A_248 = arith.muli %scan3A_246, %mul3A_247 : i32
          %dma_wait3A = arith.constant 0 : i32
          %dma_wait3A_249 = tpu.memref_slice %arg12[%mul3A_248, %dma_wait3A] : memref<3200x16xf32, #tpu.memory_space<vmem>> -> memref<128x16xf32, #tpu.memory_space<vmem>>
          %dma_wait3A_250 = arith.constant 0 : i32
          %dma_wait3A_251 = arith.constant 0 : i32
          %dma_wait3A_252 = tpu.memref_slice %arg7[%dma_wait3A_250, %dma_wait3A_251] : memref<5529600x16xf32, #tpu.memory_space<hbm>> -> memref<128x16xf32, #tpu.memory_space<hbm>>
          %dma_wait3A_253 = arith.constant 0 : i32
          %dma_wait3A_254 = tpu.memref_slice %arg12[%mul3A_248, %dma_wait3A_253] : memref<3200x16xf32, #tpu.memory_space<vmem>> -> memref<128x16xf32, #tpu.memory_space<vmem>>
          %dma_wait3A_255 = arith.constant 0 : i32
          %dma_wait3A_256 = arith.constant 0 : i32
          %dma_wait3A_257 = tpu.memref_slice %arg7[%dma_wait3A_255, %dma_wait3A_256] : memref<5529600x16xf32, #tpu.memory_space<hbm>> -> memref<128x16xf32, #tpu.memory_space<hbm>>
          tpu.wait_dma2 semaphore(%arg16 : memref<!tpu.dma_semaphore, #tpu.memory_space<semaphore_mem>>) src(%dma_wait3A_257 : memref<128x16xf32, #tpu.memory_space<hbm>>) dst(%dma_wait3A_254 : memref<128x16xf32, #tpu.memory_space<vmem>>)
        }
        %scan3A_245 = arith.constant 25 : i32
      } else {
      }
      %scan3A_234 = arith.constant 0 : i32
      %scan3A_235 = arith.constant 0 : i32
      %scan3A_236 = arith.constant 25 : i32
      %scan3A_237 = arith.addi %scan3A_235, %scan3A_236 : i32
      %scan3A_238 = arith.constant 1 : i32
      scf.for %scan3A_240 = %scan3A_235 to %scan3A_237 step %scan3A_238  : i32 {
        %mul3A_241 = arith.constant 128 : i32
        %mul3A_242 = arith.muli %scan3A_240, %mul3A_241 : i32
        %dma_start3A = arith.constant 0 : i32
        %dma_start3A_243 = tpu.memref_slice %arg12[%mul3A_242, %dma_start3A] : memref<3200x16xf32, #tpu.memory_space<vmem>> -> memref<128x16xf32, #tpu.memory_space<vmem>>
        %dma_start3A_244 = arith.constant 0 : i32
        %dma_start3A_245 = tpu.memref_slice %arg11[%select_n3A_171, %scan3A_240, %dma_start3A_244] : memref<2x25x128xi32, #tpu.memory_space<vmem>> -> memref<1x1x128xi32, #tpu.memory_space<vmem>>
        %dma_start3A_246 = tpu.memref_squeeze %dma_start3A_245 : memref<1x1x128xi32, #tpu.memory_space<vmem>> -> memref<128xi32, #tpu.memory_space<vmem>>
        %dma_start3A_247 = arith.constant 0 : i32
        %dma_start3A_248 = arith.constant 0 : i32
        %dma_start3A_249 = tpu.memref_slice %arg7[%dma_start3A_247, %dma_start3A_248] : memref<5529600x16xf32, #tpu.memory_space<hbm>> -> memref<5529600x16xf32, #tpu.memory_space<hbm>>
        tpu.enqueue_indirect_dma source(%dma_start3A_249 : memref<5529600x16xf32, #tpu.memory_space<hbm>>) target(%dma_start3A_243 : memref<128x16xf32, #tpu.memory_space<vmem>>) offsets(%dma_start3A_246 : memref<128xi32, #tpu.memory_space<vmem>>) semaphore(%arg16 : memref<!tpu.dma_semaphore, #tpu.memory_space<semaphore_mem>>) {add = true}
      }
      %scan3A_239 = arith.constant 25 : i32
    }
    %scan3A_136 = arith.constant 27 : i32
    %scan3A_137 = arith.constant 0 : i32
    %scan3A_138 = arith.constant 0 : i32
    %scan3A_139 = arith.constant 25 : i32
    %scan3A_140 = arith.addi %scan3A_138, %scan3A_139 : i32
    %scan3A_141 = arith.constant 1 : i32
    scf.for %scan3A_155 = %scan3A_138 to %scan3A_140 step %scan3A_141  : i32 {
      %mul3A_156 = arith.constant 128 : i32
      %mul3A_157 = arith.muli %scan3A_155, %mul3A_156 : i32
      %dma_wait3A = arith.constant 0 : i32
      %dma_wait3A_158 = tpu.memref_slice %arg12[%mul3A_157, %dma_wait3A] : memref<3200x16xf32, #tpu.memory_space<vmem>> -> memref<128x16xf32, #tpu.memory_space<vmem>>
      %dma_wait3A_159 = arith.constant 0 : i32
      %dma_wait3A_160 = arith.constant 0 : i32
      %dma_wait3A_161 = tpu.memref_slice %arg7[%dma_wait3A_159, %dma_wait3A_160] : memref<5529600x16xf32, #tpu.memory_space<hbm>> -> memref<128x16xf32, #tpu.memory_space<hbm>>
      %dma_wait3A_162 = arith.constant 0 : i32
      %dma_wait3A_163 = tpu.memref_slice %arg12[%mul3A_157, %dma_wait3A_162] : memref<3200x16xf32, #tpu.memory_space<vmem>> -> memref<128x16xf32, #tpu.memory_space<vmem>>
      %dma_wait3A_164 = arith.constant 0 : i32
      %dma_wait3A_165 = arith.constant 0 : i32
      %dma_wait3A_166 = tpu.memref_slice %arg7[%dma_wait3A_164, %dma_wait3A_165] : memref<5529600x16xf32, #tpu.memory_space<hbm>> -> memref<128x16xf32, #tpu.memory_space<hbm>>
      tpu.wait_dma2 semaphore(%arg16 : memref<!tpu.dma_semaphore, #tpu.memory_space<semaphore_mem>>) src(%dma_wait3A_166 : memref<128x16xf32, #tpu.memory_space<hbm>>) dst(%dma_wait3A_163 : memref<128x16xf32, #tpu.memory_space<vmem>>)
    }
    %scan3A_142 = arith.constant 25 : i32
    %scan3A_143 = arith.constant 0 : i32
    %scan3A_144 = arith.constant 0 : i32
    %scan3A_145 = arith.constant 25 : i32
    %scan3A_146 = arith.addi %scan3A_144, %scan3A_145 : i32
    %scan3A_147 = arith.constant 1 : i32
    scf.for %scan3A_155 = %scan3A_144 to %scan3A_146 step %scan3A_147  : i32 {
      %mul3A_156 = arith.constant 128 : i32
      %mul3A_157 = arith.muli %scan3A_155, %mul3A_156 : i32
      %dma_start3A = arith.constant 0 : i32
      %dma_start3A_158 = tpu.memref_slice %arg12[%mul3A_157, %dma_start3A] : memref<3200x16xf32, #tpu.memory_space<vmem>> -> memref<128x16xf32, #tpu.memory_space<vmem>>
      %dma_start3A_159 = arith.constant 0 : i32
      %dma_start3A_160 = tpu.memref_slice %arg13[%scan3A_155, %dma_start3A_159] : memref<25x128xi32, #tpu.memory_space<vmem>> -> memref<1x128xi32, #tpu.memory_space<vmem>>
      %dma_start3A_161 = tpu.memref_squeeze %dma_start3A_160 : memref<1x128xi32, #tpu.memory_space<vmem>> -> memref<128xi32, #tpu.memory_space<vmem>>
      %dma_start3A_162 = arith.constant 0 : i32
      %dma_start3A_163 = arith.constant 0 : i32
      %dma_start3A_164 = tpu.memref_slice %arg8[%dma_start3A_162, %dma_start3A_163] : memref<204800x16xf32, #tpu.memory_space<hbm>> -> memref<204800x16xf32, #tpu.memory_space<hbm>>
      tpu.enqueue_indirect_dma source(%dma_start3A_158 : memref<128x16xf32, #tpu.memory_space<vmem>>) target(%dma_start3A_164 : memref<204800x16xf32, #tpu.memory_space<hbm>>) offsets(%dma_start3A_161 : memref<128xi32, #tpu.memory_space<vmem>>) semaphore(%arg17 : memref<!tpu.dma_semaphore, #tpu.memory_space<semaphore_mem>>)
    }
    %scan3A_148 = arith.constant 25 : i32
    %scan3A_149 = arith.constant 0 : i32
    %scan3A_150 = arith.constant 0 : i32
    %scan3A_151 = arith.constant 25 : i32
    %scan3A_152 = arith.addi %scan3A_150, %scan3A_151 : i32
    %scan3A_153 = arith.constant 1 : i32
    scf.for %scan3A_155 = %scan3A_150 to %scan3A_152 step %scan3A_153  : i32 {
      %mul3A_156 = arith.constant 128 : i32
      %mul3A_157 = arith.muli %scan3A_155, %mul3A_156 : i32
      %dma_wait3A = arith.constant 0 : i32
      %dma_wait3A_158 = tpu.memref_slice %arg12[%mul3A_157, %dma_wait3A] : memref<3200x16xf32, #tpu.memory_space<vmem>> -> memref<128x16xf32, #tpu.memory_space<vmem>>
      %dma_wait3A_159 = arith.constant 0 : i32
      %dma_wait3A_160 = arith.constant 0 : i32
      %dma_wait3A_161 = tpu.memref_slice %arg8[%dma_wait3A_159, %dma_wait3A_160] : memref<204800x16xf32, #tpu.memory_space<hbm>> -> memref<128x16xf32, #tpu.memory_space<hbm>>
      %dma_wait3A_162 = arith.constant 0 : i32
      %dma_wait3A_163 = arith.constant 0 : i32
      %dma_wait3A_164 = tpu.memref_slice %arg8[%dma_wait3A_162, %dma_wait3A_163] : memref<204800x16xf32, #tpu.memory_space<hbm>> -> memref<128x16xf32, #tpu.memory_space<hbm>>
      %dma_wait3A_165 = arith.constant 0 : i32
      %dma_wait3A_166 = tpu.memref_slice %arg12[%mul3A_157, %dma_wait3A_165] : memref<3200x16xf32, #tpu.memory_space<vmem>> -> memref<128x16xf32, #tpu.memory_space<vmem>>
      tpu.wait_dma2 semaphore(%arg17 : memref<!tpu.dma_semaphore, #tpu.memory_space<semaphore_mem>>) src(%dma_wait3A_166 : memref<128x16xf32, #tpu.memory_space<vmem>>) dst(%dma_wait3A_164 : memref<128x16xf32, #tpu.memory_space<hbm>>)
    }
    %scan3A_154 = arith.constant 25 : i32
    return
  }
}

module attributes {stable_mosaic.version = 14 : i64} {
  func.func @_matmul_body(%arg0: i32, %arg1: i32, %arg2: memref<8192x16xf32, #tpu.memory_space<vmem>>, %arg3: memref<1x16x16xf32, #tpu.memory_space<vmem>>, %arg4: memref<1x16xf32, #tpu.memory_space<vmem>>, %arg5: memref<8192x16xf32, #tpu.memory_space<vmem>>) attributes {dimension_semantics = [#tpu.dimension_semantics<arbitrary>, #tpu.dimension_semantics<arbitrary>], iteration_bounds = array<i64: 25, 27>, scalar_prefetch = 0 : i64, scratch_operands = 0 : i64, tpu.core_type = #tpu.core_type<tc>, window_params = [{transform_indices = @transform_0, window_bounds = array<i64: 8192, 16>}, {transform_indices = @transform_1, window_bounds = array<i64: 1, 16, 16>}, {pipeline_mode = #tpu.pipeline_mode<synchronous>, transform_indices = @transform_2, window_bounds = array<i64: 1, 16>}, {transform_indices = @transform_3, window_bounds = array<i64: 8192, 16>}]} {
    %get3A = arith.constant 0 : index
    %get3A_0 = arith.constant 0 : index
    %get3A_1 = vector.load %arg2[%get3A, %get3A_0] : memref<8192x16xf32, #tpu.memory_space<vmem>>, vector<8192x16xf32>
    %get3A_2 = arith.constant 0 : index
    %get3A_3 = arith.constant 0 : index
    %get3A_4 = arith.constant 0 : index
    %get3A_5 = vector.load %arg3[%get3A_2, %get3A_3, %get3A_4] : memref<1x16x16xf32, #tpu.memory_space<vmem>>, vector<1x16x16xf32>
    %get3A_6 = vector.shape_cast %get3A_5 : vector<1x16x16xf32> to vector<16x16xf32>
    %dot_general3A = arith.constant dense<0.000000e+00> : vector<8192x16xf32>
    %dot_general3A_7 = tpu.matmul %get3A_1, %get3A_6, %dot_general3A {dimension_numbers = #tpu.dot_dimension_numbers<[1], [0], [0], [1], [0, 0, 1, 1], [], []>, transpose_lhs_hint = false} : vector<8192x16xf32>, vector<16x16xf32>, vector<8192x16xf32> -> vector<8192x16xf32>
    %eq3A = arith.constant 13 : i32
    %eq3A_8 = arith.cmpi eq, %arg1, %eq3A : i32
    %jit3A = arith.constant 1.000000e+00 : f32
    %jit3A_9 = arith.constant 0.000000e+00 : f32
    %select_n3A = arith.select %eq3A_8, %jit3A, %jit3A_9 : f32
    %get3A_10 = arith.constant 0 : index
    %get3A_11 = arith.constant 0 : index
    %get3A_12 = vector.load %arg4[%get3A_10, %get3A_11] : memref<1x16xf32, #tpu.memory_space<vmem>>, vector<1x16xf32>
    %mul3A = vector.broadcast %select_n3A : f32 to vector<1x16xf32>
    %mul3A_13 = arith.mulf %mul3A, %get3A_12 : vector<1x16xf32>
    %add3A = vector.broadcast %mul3A_13 : vector<1x16xf32> to vector<8192x16xf32>
    %add3A_14 = arith.addf %dot_general3A_7, %add3A : vector<8192x16xf32>
    %swap3A = arith.constant 0 : index
    %swap3A_15 = arith.constant 0 : index
    %swap3A_16 = vector.load %arg5[%swap3A, %swap3A_15] : memref<8192x16xf32, #tpu.memory_space<vmem>>, vector<8192x16xf32>
    tpu.vector_store %arg5[%swap3A, %swap3A_15], %add3A_14 {strides = array<i32>} : memref<8192x16xf32, #tpu.memory_space<vmem>>, vector<8192x16xf32>,
    return
  }
  func.func @transform_0(%arg0: i32, %arg1: i32) -> (i32, i32) {
    %c0_i32 = arith.constant 0 : i32
    %c0_i32_0 = arith.constant 0 : i32
    return %arg0, %c0_i32 : i32, i32
  }
  func.func @transform_1(%arg0: i32, %arg1: i32) -> (i32, i32, i32) {
    %c0_i32 = arith.constant 0 : i32
    %c0_i32_0 = arith.constant 0 : i32
    %c0_i32_1 = arith.constant 0 : i32
    return %arg1, %c0_i32, %c0_i32_0 : i32, i32, i32
  }
  func.func @transform_2(%arg0: i32, %arg1: i32) -> (i32, i32) {
    %c0_i32 = arith.constant 0 : i32
    %c0_i32_0 = arith.constant 0 : i32
    %c0_i32_1 = arith.constant 0 : i32
    return %c0_i32, %c0_i32_0 : i32, i32
  }
  func.func @transform_3(%arg0: i32, %arg1: i32) -> (i32, i32) {
    %mul3A = arith.constant 25 : i32
    %mul3A_0 = arith.muli %arg1, %mul3A : i32
    %add3A = arith.addi %mul3A_0, %arg0 : i32
    %c0_i32 = arith.constant 0 : i32
    %c0_i32_1 = arith.constant 0 : i32
    return %add3A, %c0_i32 : i32, i32
  }
}

</mosaic_0001>

<sc_bundles>
// kernel: gather_offload_async_start
scs
__scs_entry_jumppad:
0x0: {  	(pc) =	sbr.rel $0x88, $3  }
0x1: {  	(tag) =	ssettag $0x0;
	lr =	simm.s32 $0x1  }
0x2: {  	[smem:$0x3F9D] =	sst lr;
	_ =	strace $0xD0000000  }
0x3: {  	_ = 	snop  }
0x4: {  	_ = 	snop  }
0x5: {  	_ = 	snop  }
0x6: {  	_ = 	snop  }
0x7: {  	_ = 	snop  }
__scs_overlays_trampoline_lowered:
0x8: {  	[smem:$0x3FAC] =	sst s0  }
0x9: {  	[smem:$0x3FAD] =	sst s1  }
0xa: {  	[smem:$0x3FAE] =	sst s2  }
0xb: {  	[smem:$0x3FAF] =	sst s3  }
0xc: {  	[smem:$0x3FB0] =	sst s4  }
0xd: {  	[smem:$0x3FB1] =	sst s5  }
0xe: {  	[smem:$0x3FB2] =	sst s6  }
0xf: {  	[smem:$0x3FB3] =	sst s7  }
0x10: {  	[smem:$0x3FB4] =	sst s8  }
0x11: {  	[smem:$0x3FB5] =	sst s9;
	s0 =	simm.s32 @!p0 $0x0  }
0x12: {  	s1 =	sld [smem:$0x3F9B];
	s0 =	simm.s32 @p0 $0x1  }
0x13: {  	[smem:$0x3FB6] =	sst s0;
	s0 =	simm.s32 @!p1 $0x0  }
0x14: {  	s2 =	sld [smem:$0x3F9A];
	s0 =	simm.s32 @p1 $0x1  }
0x15: {  	[smem:$0x3FB7] =	sst s0;
	s0 =	simm.s32 @!p2 $0x0  }
0x16: {  	s3 =	sld [smem:$0x3FDB];
	s0 =	simm.s32 @p2 $0x1  }
0x17: {  	s4 =	simm.s32 $0x1BF5;
	[smem:$0x3FB9] =	sst s0  }
0x18: {  	s0 =	sld [smem:$0x3F9C];
	_ =	swait.ge [sflag:s4], $0x0  }
0x19: {  	s7 =	sld [smem:$0x3F9D]  }
0x1a: {  	s8 =	sadd.s32 $0xFFFFE003, lr  }
0x1b: {  	s9 =	sadd.s32 $0xFFFFFEF7, lr;
	s5 =	simm.s32 $0xFFFFFFFF;
	p2 =	slt.u32 s8, $0xFFFFF086  }
0x1c: {  	p1 =	slt.u32 s9, $0xF7A;
	s5 =	simm.s32 @!p2 $0x0  }
0x1d: {  	s5 =	simm.s32 @p1 $0x1;
	p0 =	seq.s32 s7, s2  }
0x1e: {  	s7 =	smul.u32 @!p0 $0xF7A, s2;
	p2 =	seq.s32 @!p0 s5, $0x0  }
0x1f: {  	s9 =	smul.u32 $0xF7A, s1;
	s8 =	simm.s32 @!p0 $0x1BF5;
	p2 =	por !p2, p0  }
0x20: {  	[sflag:s8] =	ssyncset.s32 @!p0 $0xFFFFF086;
	s6 =	sadd.s32 @!p0 s3, s7;
	s7 =	simm.s32 @!p0 $0x108  }
0x21: {  	s3 =	sadd.s32 s3, s9;
	s6 =	sadd.s32 @!p0 $0x88, s6;
	s7 =	simm.s32 @p2 $0x1082  }
0x22: {  	[simem:s7], [sflag:s8] =	dma.local @!p0 [hbm:s6], $0xF7A  }
0x23: {  	s9 =	sor.u32 $0xD0000000, s2;
	s6 =	simm.s32 $0x108;
	_ =	swait.ge @!p0 [sflag:s8], $0x0  }
0x24: {  	s3 =	sadd.s32 $0x88, s3;
	s6 =	simm.s32 @!p1 $0x1082;
	[sflag:s4] =	ssyncset.s32 $0xFFFFF086  }
0x25: {  	[simem:s6], [sflag:s4] =	dma.local [hbm:s3], $0xF7A  }
0x26: {  	[smem:$0x3F9D] =	sst s1;
	(tag) =	ssettag s2;
	_ =	strace s9  }
0x27: {  	s1 =	sld [smem:$0x3FAD]  }
0x28: {  	s2 =	sld [smem:$0x3FAE]  }
0x29: {  	s4 =	sld [smem:$0x3FB0]  }
0x2a: {  	p0 =	seq.s32 s5, $0x0;
	s5 =	sld [smem:$0x3FB1]  }
0x2b: {  	s6 =	sld [smem:$0x3FB2]  }
0x2c: {  	s7 =	sld [smem:$0x3FB3]  }
0x2d: {  	s3 =	simm.s32 $0x108;
	s8 =	sld [smem:$0x3FB4]  }
0x2e: {  	s3 =	simm.s32 @!p0 $0x1082;
	s9 =	sld [smem:$0x3FB5]  }
0x2f: {  	lr =	sadd.s32 s0, s3;
	s0 =	sld [smem:$0x3FAC]  }
0x30: {  	s3 =	sld [smem:$0x3FAF]  }
0x31: {  	[smem:$0x3FB8] =	sst s10  }
0x32: {  	s10 =	sld [smem:$0x3FB6];
	_ =	sdelay $0x3  }
0x33: {  	p0 =	seq.s32 s10, $0x1;
	s10 =	sld [smem:$0x3FB8];
	_ =	sdelay $0x3  }
0x34: {  	[smem:$0x3FB8] =	sst s10  }
0x35: {  	s10 =	sld [smem:$0x3FB7];
	_ =	sdelay $0x3  }
0x36: {  	p1 =	seq.s32 s10, $0x1;
	s10 =	sld [smem:$0x3FB8];
	_ =	sdelay $0x3  }
0x37: {  	[smem:$0x3FB8] =	sst s10  }
0x38: {  	s10 =	sld [smem:$0x3FB9]  }
0x39: {  	_ = 	snop;
	(pc) =	sbr.ind lr, $3  }
0x3a: {  	_ = 	snop  }
0x3b: {  	_ = 	snop  }
0x3c: {  	p2 =	seq.s32 s10, $0x1;
	s10 =	sld [smem:$0x3FB8]  }
0x3d: {  	_ =	shalt  }
0x3e: {  	_ =	shalt  }
0x3f: {  	_ =	shalt  }
0x40: {  	_ =	shalt  }
0x41: {  	_ =	shalt  }
0x42: {  	_ =	shalt  }
0x43: {  	_ =	shalt  }
0x44: {  	_ =	shalt  }
0x45: {  	_ =	shalt  }
0x46: {  	_ =	shalt  }
0x47: {  	_ =	shalt  }
0x48: {  	_ =	shalt  }
0x49: {  	_ =	shalt  }
0x4a: {  	_ =	shalt  }
0x4b: {  	_ =	shalt  }
0x4c: {  	_ =	shalt  }
0x4d: {  	_ =	shalt  }
0x4e: {  	_ =	shalt  }
0x4f: {  	_ =	shalt  }
0x50: {  	_ =	shalt  }
0x51: {  	_ =	shalt  }
0x52: {  	_ =	shalt  }
0x53: {  	_ =	shalt  }
0x54: {  	_ =	shalt  }
0x55: {  	_ =	shalt  }
0x56: {  	_ =	shalt  }
0x57: {  	_ =	shalt  }
0x58: {  	_ =	shalt  }
0x59: {  	_ =	shalt  }
0x5a: {  	_ =	shalt  }
0x5b: {  	_ =	shalt  }
0x5c: {  	_ =	shalt  }
0x5d: {  	_ =	shalt  }
0x5e: {  	_ =	shalt  }
0x5f: {  	_ =	shalt  }
0x60: {  	_ =	shalt  }
0x61: {  	_ =	shalt  }
0x62: {  	_ =	shalt  }
0x63: {  	_ =	shalt  }
0x64: {  	_ =	shalt  }
0x65: {  	_ =	shalt  }
0x66: {  	_ =	shalt  }
0x67: {  	_ =	shalt  }
0x68: {  	_ =	shalt  }
0x69: {  	_ =	shalt  }
0x6a: {  	_ =	shalt  }
0x6b: {  	_ =	shalt  }
0x6c: {  	_ =	shalt  }
0x6d: {  	_ =	shalt  }
0x6e: {  	_ =	shalt  }
0x6f: {  	_ =	shalt  }
0x70: {  	_ =	shalt  }
0x71: {  	_ =	shalt  }
0x72: {  	_ =	shalt  }
0x73: {  	_ =	shalt  }
0x74: {  	_ =	shalt  }
0x75: {  	_ =	shalt  }
0x76: {  	_ =	shalt  }
0x77: {  	_ =	shalt  }
0x78: {  	_ =	shalt  }
0x79: {  	_ =	shalt  }
0x7a: {  	_ =	shalt  }
0x7b: {  	_ =	shalt  }
0x7c: {  	_ =	shalt  }
0x7d: {  	_ =	shalt  }
0x7e: {  	_ =	shalt  }
0x7f: {  	_ =	shalt  }
0x80: {  	_ =	shalt  }
0x81: {  	_ =	shalt  }
0x82: {  	_ =	shalt  }
0x83: {  	_ =	shalt  }
0x84: {  	_ =	shalt  }
0x85: {  	_ =	shalt  }
0x86: {  	_ =	shalt  }
0x87: {  	_ =	shalt  }
.Lfunc_end0:
.L_simem_size_0:
called_computation_lowered:
.L_overlay_start_0:
0x88: {  	s2 =	sld [smem:$0x3FD9]  }
0x89: {  	s3 =	sld [smem:$0x3FFE];
	_ =	sdelay $0x1  }
0x8a: {  	s1 =	srdreg.scid  }
0x8b: {  	s0 =	sand.u32 $0x1, s1  }
0x8c: {  	s17 =	sshll.u32 s0, $0xA;
	s2 =	sadd.s32 s3, s2  }
0x8d: {  	s2 =	sadd.s32 s2, s17  }
0x8e: {  	[smem:$0x3FC4] =	sst s2  }
0x8f: {  	_ = 	snop  }
0x90: {  	s2 =	sld [smem:$0x3FD0];
	(tm) =	ssettm $0x1  }
0x91: {  	s18 =	sld [smem:$0x3FFB];
	_ =	sdelay $0x3  }
0x92: {  	_ =	strace s18  }
0x93: {  	s3 =	sld [smem:$0x3FFC];
	_ =	sdelay $0x3  }
0x94: {  	_ =	strace s3  }
0x95: {  	s3 =	sld [smem:$0x3FFD];
	_ =	sdelay $0x3  }
0x96: {  	_ =	strace s3  }
0x97: {  	_ =	strace $0x8FFFFFFF  }
0x98: {  	s19 =	sld [smem:$0x3FDB];
	_ =	sdelay $0x1  }
0x99: {  	s4 =	simm.s32 $_scs_section_size  }
0x9a: {  	s5 =	simm.s32 $_size__tile_overlayer_lowered;
	s6 =	simm.s32 $_tile_overlayer_lowered  }
0x9b: {  	s22 =	simm.s32 $0x1BFF;
	s21 =	sshll.u32 s6, $0x1;
	s3 =	sadd.s32 s4, s19  }
0x9c: {  	s7 =	simm.s32 $0x0;
	s20 =	sshll.u32 s5, $0x1;
	s5 =	sadd.s32 s21, s3  }
0x9d: {  	[timem:s7], [sflag:s22] =	dma.local [hbm:s5], s20  }
0x9e: {  	_ =	swait.ge [sflag:s22], s20  }
0x9f: {  	s4 =	ssub.s32 $0x0, s20;
	[sflag:s22] =	ssyncset.done $0x0  }
0xa0: {  	[sflag:s22] =	ssyncadd.s32 s4;
	_ =	sdelay $0x1  }
0xa1: {  	s23 =	simm.s32 $0x1B8B  }
0xa2: {  	_ =	swait.ge [sflag:s23], $0x1  }
0xa3: {  	[sflag:s23] =	ssyncset.done $0x0  }
0xa4: {  	s25 =	simm.s32 $0x1B8E;
	s24 =	sld [smem:$0x3FFE];
	[sflag:s23] =	ssyncadd.s32 $0xFFFFFFFF  }
0xa5: {  	s26 =	simm.s32 $execute0_lowered;
	[smem:$0x3FD2] =	sst s25  }
0xa6: {  	s5 =	sshll.u32 s26, $0x1;
	_ =	strace $0x80000046;
	[dreg:$0x1] =	wrdreg $0xFFFFFFFF  }
0xa7: {  	s28 =	simm.s32 $_size_execute0_lowered;
	s3 =	sadd.s32 s3, s5;
	[dreg:$0x0] =	wrdreg $0x0  }
0xa8: {  	s5 =	sshll.u32 s28, $0x1;
	[dreg:$0x2] =	wrdreg s3  }
0xa9: {  	[dreg:$0x3] =	wrdreg s5  }
0xaa: {  	[dreg:$0x4] =	wrdreg $0xC0  }
0xab: {  	_ =	task [dreg:s7], $0x5FFFF  }
0xac: {  	[dreg:$0x1] =	wrdreg $0xFFFFFFFF  }
0xad: {  	[dreg:$0x0] =	wrdreg $0x60  }
0xae: {  	[dreg:$0x2] =	wrdreg s2  }
0xaf: {  	[dreg:$0x3] =	wrdreg s24  }
0xb0: {  	[dreg:$0x4] =	wrdreg $0x9  }
0xb1: {  	_ =	task.clear_ibuf [dreg:s7], $0x5FFFF;
	_ =	strace $0x90000046  }
0xb2: {  	s29 =	simm.s32 $0x9;
	_ =	strace $0x80000048  }
0xb3: {  	_ =	swait.ge [sflag:s29], $0x1  }
0xb4: {  	[sflag:s29] =	ssyncadd.s32 $0xFFFFFFFF  }
0xb5: {  	_ =	strace $0x90000048  }
0xb6: {  	_ =	sfence  }
0xb7: {  	s30 =	sld [smem:$0x0];
	_ =	sdelay $0x2  }
0xb8: {  	s31 =	sshll.u32 s1, $0xD;
	s1 =	sshrl.u32 s1, $0x2  }
0xb9: {  	s3 =	sand.u32 $0x4000, s31;
	s1 =	sadd.s32 s1, s30  }
0xba: {  	s0 =	sor.u32 s3, s0;
	s1 =	sshll.u32 s1, $0x11  }
0xbb: {  	s0 =	sor.u32 s1, s0  }
0xbc: {  	s0 =	sadd.s32 $0x8F2B, s0  }
0xbd: {  	[sflag:s0] =	ssyncadd.remote.s32 $0x1  }
0xbe: {  	_ =	sfence.sel $0xFFFF  }
0xbf: {  	[dreg:$0x0] =	wrdreg $0xFFFFFFFF;
	(pc) =	sbr.abs _section_cstart, $3  }
0xc0: {  	[dreg:$0x1] =	wrdreg $0xFFFFFFFF  }
0xc1: {  	_ =	task.clear_ibuf [dreg:s7], $0x2FFFF;
	_ =	strace $0x9FFFFFFF  }
0xc2: {  	(tm) =	ssettm $0x7FFFFFFF  }
0xc3: {  	_ =	shalt  }
tec
execute0_lowered:
.L_overlay_start_1:
0x0: {  	(tag) =	ssettag $0x1  }
0x1: {  	s2 =	rddreg [dreg:$0x0]  }
0x2: {  	s8 =	rddreg [dreg:$0x1]  }
0x3: {  	s0 =	rddreg [dreg:$0x2];
	s1 =	stileid.u32  }
0x4: {  	s3 =	srdreg.scid;
	_ =	strace $0x80000047;
	s4 =	simm.s32 $0x1  }
0x5: {  	s7 =	simm.s32 $0x1;
	s9 =	simm.s32 $0x1;
	s10 =	simm.s32 $0x3  }
0x6: {  	s13 =	simm.s32 $0x0;
	s5 =	sand.u32 $0x1, s3;
	s6 =	sshll.u32 s1, $0x1  }
0x7: {  	s12 =	simm.s32 $0x0;
	s3 =	sadd.s32 $0x600, s8;
	s5 =	sor.u32 s6, s5  }
.Ltmp0:
0x8: {  	[sflag:s4] =	ssyncpa.u1 $0x0;
	p0 =	slt.u32 s5, $0x13;
	(pc) =	sbr.rel .LBB2_1-.Ltmp0, $4  }
0x9: {  	s6 =	simm.s32 $0x2;
	s7 =	simm.s32 @!p0 $0x0;
	p0 =	sne.s32 s5, $0x12  }
0xa: {  	[sflag:s6] =	ssyncpa.u1 $0x0;
	s5 =	smul.u32 $0xFA0, s5;
	s9 =	simm.s32 @!p0 $0x0  }
0xb: {  	s8 =	sadd.s32 $0x70C00, s8;
	[sflag:s10] =	ssyncpa.u1 $0x0;
	s7 =	sadd.s32 s9, s7  }
0xc: {  	vm0 =	vmmov $0xffff;
	s10 =	simm.s32 $0x0;
	s11 =	smov.u32 s5;
	s9 =	sadd.s32 $0x1, s7  }
.LBB2_4:
0xd: {  	v2 =	vnsel vm1, $0x0, v2  }
0xe: {  	vm1 =	vgt.s32 v0, $0x0;
	v2 =	vmin.u32 v2, $0x30D3F  }
0xf: {  	v0 =	vnsel vm1, $0x0, v0  }
0x10: {  	v0 =	vmin.u32 v0, $0x30D3F  }
0x11: {  	[tilespmem:s18], [sflag:$0x1] =	stream.indirect_vreg.gather [hbm4b:s2+s10], $0x1, v1, vm0, $0x4038;
	[tilespmem:$0x3E80] =	vst v63  }
0x12: {  	(ifvalue) =	ssetifvalue $0x7FFFFFFF  }
0x13: {  	[tilespmem:s15], [sflag:$0x1] =	stream.indirect_vreg.gather [hbm4b:s2+s10], $0x1, v2, vm0, $0x4038;
	[tilespmem:$0x3E80] =	vst v63  }
0x14: {  	s29 =	sadd.s32 $0x10, s15;
	(ifvalue) =	ssetifvalue $0x7FFFFFFF  }
0x15: {  	[tilespmem:s29], [sflag:$0x1] =	stream.indirect_vreg.gather [hbm4b:s2+s10], $0x1, v0, vm0, $0x4038;
	[tilespmem:$0x3E80] =	vst v63  }
0x16: {  	_ =	swait.ge [sflag:s4], $0xFA0  }
0x17: {  	s30 =	sshrl.u32 s13, $0x3;
	[sflag:s4] =	ssyncset.done $0x0  }
0x18: {  	s31 =	sand.u32 $0x7, s13;
	s15 =	sadd.s32 s8, s30;
	[sflag:s4] =	ssyncadd.s32 $0xFFFFF060  }
0x19: {  	[hbm4b:s15+s31] =	stream.linear.scatter [tilespmem:s14], [sflag:$0x3], $0xFA0, $0x38;
	[tilespmem:$0x3E80] =	vst v63  }
.LBB2_5:
0x1a: {  	s15 =	sadd.s32 $0x1F400, s11  }
0x1b: {  	p1 =	sgt.s32 s15, $0x30D3F  }
0x1c: {  	s15 =	smov.u32 @p1 s5;
	p1 =	sne.s32 s12, s9  }
.Ltmp1:
0x1d: {  	p0 =	slt.u32 s12, $0x2;
	(pc) =	sbr.rel @!p1 .LBB2_6-.Ltmp1, $4  }
0x1e: {  	s14 =	simm.s32 @!p0 $0x3  }
0x1f: {  	_ =	swait.ge @!p0 [sflag:s14], $0xFA0  }
0x20: {  	s16 =	sadd.s32 $0x1, s12;
	s13 =	smov.u32 s11;
	[sflag:s14] =	ssyncset.done @!p0 $0x0  }
0x21: {  	s12 =	smov.u32 s16;
	s11 =	smov.u32 s15;
	[sflag:s14] =	ssyncadd.s32 @!p0 $0xFFFFF060  }
.LBB2_1:
0x22: {  	p0 =	sge.u32 s12, s7  }
0x23: {  	s14 =	sxor.u32 @!p0 $0x1, s12  }
0x24: {  	s14 =	smul.u32 @!p0 $0x3E80, s14  }
0x25: {  	s31 =	sadd.s32 $0xFFFFFFFF, s12;
	s15 =	sshrl.u32 @!p0 s11, $0x3  }
0x26: {  	s16 =	sand.u32 @!p0 $0x7, s11;
	s15 =	sadd.s32 @!p0 s3, s15;
	s14 =	sshra.s32 @!p0 s14, $0x2  }
0x27: {  	[tilespmem:s14], [sflag:$0x2] =	stream.linear.gather @!p0 [hbm4b:s15+s16], $0xFA0, $0x38;
	[tilespmem:$0x3E80] =	vst v63  }
0x28: {  	p0 =	sge.u32 s31, s7  }
.Ltmp2:
0x29: {  	_ = 	snop;
	(pc) =	sbr.rel @p0 .LBB2_5-.Ltmp2, $1  }
0x2a: {  	_ =	sdelay $0x3  }
0x2b: {  	s14 =	sand.u32 $0x1, s12  }
0x2c: {  	_ =	swait.ge [sflag:s6], $0xFA0;
	p0 =	seq.s32 s14, $0x1;
	s14 =	simm.s32 $0xFA0  }
0x2d: {  	[sflag:s6] =	ssyncset.done $0x0;
	s14 =	simm.s32 @!p0 $0x0  }
0x2e: {  	[sflag:s6] =	ssyncadd.s32 $0xFFFFF060;
	(ifvalue) =	ssetifvalue $0x7FFFFFFF;
	v0 =	vld.msk [tilespmem:s14+$0x0 ss:$0x1], $0xffff;
	_ =	sdelay $0x4  }
0x2f: {  	s15 =	sadd.s32 $0x10, s14;
	vm1 =	vgt.s32 v0, $0x0  }
0x30: {  	v2 =	vld.msk [tilespmem:s15+$0x0 ss:$0x1], $0xffff;
	v1 =	vnsel vm1, $0x0, v0  }
0x31: {  	v1 =	vmin.u32 v1, $0x30D3F;
	_ =	sdelay $0x2  }
0x32: {  	s17 =	simm.s32 $0x20;
	s14 =	sadd.s32 $0x1F40, s14;
	s16 =	sadd.s32 $0x10, s15  }
0x33: {  	s15 =	sadd.s32 $0x10, s14;
	s18 =	smov.u32 s14;
	v0 =	vld.msk [tilespmem:s16+$0x0 ss:$0x1], $0xffff;
	vm1 =	vgt.s32 v2, $0x0;
	(ifvalue) =	ssetifvalue $0x7FFFFFFF  }
.LBB2_3:
0x34: {  	[tilespmem:s18], [sflag:$0x1] =	stream.indirect_vreg.gather [hbm4b:s2+s10], $0x1, v1, vm0, $0x4038;
	[tilespmem:$0x3E80] =	vst v63  }
0x35: {  	s17 =	sadd.s32 $0x10, s17  }
0x36: {  	v2 =	vnsel vm1, $0x0, v2;
	p0 =	slt.u32 s17, $0xF90  }
.Ltmp3:
0x37: {  	s18 =	smov.u32 s15;
	v1 =	vmin.u32 v2, $0x30D3F;
	(pc) =	sbr.rel @p0 .LBB2_3-.Ltmp3, $3  }
0x38: {  	_ =	sdelay $0x1  }
0x39: {  	s16 =	sadd.s32 $0x10, s16  }
0x3a: {  	vm1 =	vgt.s32 v0, $0x0;
	s15 =	sadd.s32 $0x10, s15;
	v2 =	vmov v0;
	(ifvalue) =	ssetifvalue $0x7FFFFFFF;
	v0 =	vld.msk [tilespmem:s16+$0x0 ss:$0x1], $0xffff  }
.Ltmp4:
0x3b: {  	_ = 	snop;
	(pc) =	sbr.rel .LBB2_4-.Ltmp4, $1  }
0x3c: {  	_ =	sdelay $0x3  }
.LBB2_6:
0x3d: {  	_ =	sfence.sel $0x180000  }
0x3e: {  	s2 =	simm.s32 $0x2;
	[bflag:$0x0] =	sbarrier.arrive $0xFFFF  }
0x3f: {  	s30 =	simm.s32 $0x3;
	[sflag:s2] =	ssyncpa.u1 $0x1  }
0x40: {  	s31 =	simm.s32 $0x1;
	[sflag:s30] =	ssyncpa.u1 $0x1  }
0x41: {  	[sflag:s31] =	ssyncpa.u1 $0x1  }
0x42: {  	p0 =	sne.s32 s1, $0x0;
	_ =	strace $0x90000047  }
0x43: {  	s0 =	sadd.s32 @!p0 $0x100000, s0;
	[bflag:$0x2] =	sbarrier.arrive $0xFFFF  }
0x44: {  	[sflag:s0] =	ssyncadd.tile.s32 @!p0 $0x1;
	_ =	shalt  }
.Lfunc_end2:
_tile_overlayer_lowered:
.L_overlay_start_2:
0x45: {  	(tag) =	ssettag $0x2  }
0x46: {  	s0 =	rddreg [dreg:$0x0];
	s2 =	stileid.u32  }
0x47: {  	s1 =	rddreg [dreg:$0x1];
	p0 =	sne.s32 s2, $0x0  }
0x48: {  	s3 =	rddreg [dreg:$0x2];
	[bflag:$0x3] =	sbarrier.arrive $0xFFFF;
	s2 =	simm.s32 @!p0 $0x1C01  }
0x49: {  	[timem:s3], [sflag:s2] =	dma.local @!p0 [hbm:s0], s1  }
0x4a: {  	s0 =	simm.s32 @!p0 $0x1  }
0x4b: {  	_ =	swait.ge @!p0 [sflag:s0], s1  }
0x4c: {  	s1 =	ssub.s32 @!p0 $0x0, s1;
	[sflag:s0] =	ssyncset.done @!p0 $0x0  }
0x4d: {  	[sflag:s0] =	ssyncadd.s32 @!p0 s1  }
0x4e: {  	[bflag:$0x3] =	sbarrier.arrive $0xFFFF  }
0x4f: {  	_ =	shalt  }

// kernel: kernel.5.cloned.1.call-start
scs
__scs_entry_jumppad:
0x0: {  	(pc) =	sbr.rel $0x88, $3  }
0x1: {  	(tag) =	ssettag $0x0;
	lr =	simm.s32 $0x1  }
0x2: {  	[smem:$0x3F9D] =	sst lr;
	_ =	strace $0xD0000000  }
0x3: {  	_ = 	snop  }
0x4: {  	_ = 	snop  }
0x5: {  	_ = 	snop  }
0x6: {  	_ = 	snop  }
0x7: {  	_ = 	snop  }
__scs_overlays_trampoline_lowered:
0x8: {  	[smem:$0x3FAC] =	sst s0  }
0x9: {  	[smem:$0x3FAD] =	sst s1  }
0xa: {  	[smem:$0x3FAE] =	sst s2  }
0xb: {  	[smem:$0x3FAF] =	sst s3  }
0xc: {  	[smem:$0x3FB0] =	sst s4  }
0xd: {  	[smem:$0x3FB1] =	sst s5  }
0xe: {  	[smem:$0x3FB2] =	sst s6  }
0xf: {  	[smem:$0x3FB3] =	sst s7  }
0x10: {  	[smem:$0x3FB4] =	sst s8  }
0x11: {  	[smem:$0x3FB5] =	sst s9;
	s0 =	simm.s32 @!p0 $0x0  }
0x12: {  	s1 =	sld [smem:$0x3F9B];
	s0 =	simm.s32 @p0 $0x1  }
0x13: {  	[smem:$0x3FB6] =	sst s0;
	s0 =	simm.s32 @!p1 $0x0  }
0x14: {  	s2 =	sld [smem:$0x3F9A];
	s0 =	simm.s32 @p1 $0x1  }
0x15: {  	[smem:$0x3FB7] =	sst s0;
	s0 =	simm.s32 @!p2 $0x0  }
0x16: {  	s3 =	sld [smem:$0x3FDB];
	s0 =	simm.s32 @p2 $0x1  }
0x17: {  	s4 =	simm.s32 $0x1BF5;
	[smem:$0x3FB9] =	sst s0  }
0x18: {  	s0 =	sld [smem:$0x3F9C];
	_ =	swait.ge [sflag:s4], $0x0  }
0x19: {  	s7 =	sld [smem:$0x3F9D]  }
0x1a: {  	s8 =	sadd.s32 $0xFFFFE003, lr  }
0x1b: {  	s9 =	sadd.s32 $0xFFFFFEF7, lr;
	s5 =	simm.s32 $0xFFFFFFFF;
	p2 =	slt.u32 s8, $0xFFFFF086  }
0x1c: {  	p1 =	slt.u32 s9, $0xF7A;
	s5 =	simm.s32 @!p2 $0x0  }
0x1d: {  	s5 =	simm.s32 @p1 $0x1;
	p0 =	seq.s32 s7, s2  }
0x1e: {  	s7 =	smul.u32 @!p0 $0xF7A, s2;
	p2 =	seq.s32 @!p0 s5, $0x0  }
0x1f: {  	s9 =	smul.u32 $0xF7A, s1;
	s8 =	simm.s32 @!p0 $0x1BF5;
	p2 =	por !p2, p0  }
0x20: {  	[sflag:s8] =	ssyncset.s32 @!p0 $0xFFFFF086;
	s6 =	sadd.s32 @!p0 s3, s7;
	s7 =	simm.s32 @!p0 $0x108  }
0x21: {  	s3 =	sadd.s32 s3, s9;
	s6 =	sadd.s32 @!p0 $0x88, s6;
	s7 =	simm.s32 @p2 $0x1082  }
0x22: {  	[simem:s7], [sflag:s8] =	dma.local @!p0 [hbm:s6], $0xF7A  }
0x23: {  	s9 =	sor.u32 $0xD0000000, s2;
	s6 =	simm.s32 $0x108;
	_ =	swait.ge @!p0 [sflag:s8], $0x0  }
0x24: {  	s3 =	sadd.s32 $0x88, s3;
	s6 =	simm.s32 @!p1 $0x1082;
	[sflag:s4] =	ssyncset.s32 $0xFFFFF086  }
0x25: {  	[simem:s6], [sflag:s4] =	dma.local [hbm:s3], $0xF7A  }
0x26: {  	[smem:$0x3F9D] =	sst s1;
	(tag) =	ssettag s2;
	_ =	strace s9  }
0x27: {  	s1 =	sld [smem:$0x3FAD]  }
0x28: {  	s2 =	sld [smem:$0x3FAE]  }
0x29: {  	s4 =	sld [smem:$0x3FB0]  }
0x2a: {  	p0 =	seq.s32 s5, $0x0;
	s5 =	sld [smem:$0x3FB1]  }
0x2b: {  	s6 =	sld [smem:$0x3FB2]  }
0x2c: {  	s7 =	sld [smem:$0x3FB3]  }
0x2d: {  	s3 =	simm.s32 $0x108;
	s8 =	sld [smem:$0x3FB4]  }
0x2e: {  	s3 =	simm.s32 @!p0 $0x1082;
	s9 =	sld [smem:$0x3FB5]  }
0x2f: {  	lr =	sadd.s32 s0, s3;
	s0 =	sld [smem:$0x3FAC]  }
0x30: {  	s3 =	sld [smem:$0x3FAF]  }
0x31: {  	[smem:$0x3FB8] =	sst s10  }
0x32: {  	s10 =	sld [smem:$0x3FB6];
	_ =	sdelay $0x3  }
0x33: {  	p0 =	seq.s32 s10, $0x1;
	s10 =	sld [smem:$0x3FB8];
	_ =	sdelay $0x3  }
0x34: {  	[smem:$0x3FB8] =	sst s10  }
0x35: {  	s10 =	sld [smem:$0x3FB7];
	_ =	sdelay $0x3  }
0x36: {  	p1 =	seq.s32 s10, $0x1;
	s10 =	sld [smem:$0x3FB8];
	_ =	sdelay $0x3  }
0x37: {  	[smem:$0x3FB8] =	sst s10  }
0x38: {  	s10 =	sld [smem:$0x3FB9]  }
0x39: {  	_ = 	snop;
	(pc) =	sbr.ind lr, $3  }
0x3a: {  	_ = 	snop  }
0x3b: {  	_ = 	snop  }
0x3c: {  	p2 =	seq.s32 s10, $0x1;
	s10 =	sld [smem:$0x3FB8]  }
0x3d: {  	_ =	shalt  }
0x3e: {  	_ =	shalt  }
0x3f: {  	_ =	shalt  }
0x40: {  	_ =	shalt  }
0x41: {  	_ =	shalt  }
0x42: {  	_ =	shalt  }
0x43: {  	_ =	shalt  }
0x44: {  	_ =	shalt  }
0x45: {  	_ =	shalt  }
0x46: {  	_ =	shalt  }
0x47: {  	_ =	shalt  }
0x48: {  	_ =	shalt  }
0x49: {  	_ =	shalt  }
0x4a: {  	_ =	shalt  }
0x4b: {  	_ =	shalt  }
0x4c: {  	_ =	shalt  }
0x4d: {  	_ =	shalt  }
0x4e: {  	_ =	shalt  }
0x4f: {  	_ =	shalt  }
0x50: {  	_ =	shalt  }
0x51: {  	_ =	shalt  }
0x52: {  	_ =	shalt  }
0x53: {  	_ =	shalt  }
0x54: {  	_ =	shalt  }
0x55: {  	_ =	shalt  }
0x56: {  	_ =	shalt  }
0x57: {  	_ =	shalt  }
0x58: {  	_ =	shalt  }
0x59: {  	_ =	shalt  }
0x5a: {  	_ =	shalt  }
0x5b: {  	_ =	shalt  }
0x5c: {  	_ =	shalt  }
0x5d: {  	_ =	shalt  }
0x5e: {  	_ =	shalt  }
0x5f: {  	_ =	shalt  }
0x60: {  	_ =	shalt  }
0x61: {  	_ =	shalt  }
0x62: {  	_ =	shalt  }
0x63: {  	_ =	shalt  }
0x64: {  	_ =	shalt  }
0x65: {  	_ =	shalt  }
0x66: {  	_ =	shalt  }
0x67: {  	_ =	shalt  }
0x68: {  	_ =	shalt  }
0x69: {  	_ =	shalt  }
0x6a: {  	_ =	shalt  }
0x6b: {  	_ =	shalt  }
0x6c: {  	_ =	shalt  }
0x6d: {  	_ =	shalt  }
0x6e: {  	_ =	shalt  }
0x6f: {  	_ =	shalt  }
0x70: {  	_ =	shalt  }
0x71: {  	_ =	shalt  }
0x72: {  	_ =	shalt  }
0x73: {  	_ =	shalt  }
0x74: {  	_ =	shalt  }
0x75: {  	_ =	shalt  }
0x76: {  	_ =	shalt  }
0x77: {  	_ =	shalt  }
0x78: {  	_ =	shalt  }
0x79: {  	_ =	shalt  }
0x7a: {  	_ =	shalt  }
0x7b: {  	_ =	shalt  }
0x7c: {  	_ =	shalt  }
0x7d: {  	_ =	shalt  }
0x7e: {  	_ =	shalt  }
0x7f: {  	_ =	shalt  }
0x80: {  	_ =	shalt  }
0x81: {  	_ =	shalt  }
0x82: {  	_ =	shalt  }
0x83: {  	_ =	shalt  }
0x84: {  	_ =	shalt  }
0x85: {  	_ =	shalt  }
0x86: {  	_ =	shalt  }
0x87: {  	_ =	shalt  }
.Lfunc_end0:
.L_simem_size_0:
called_computation.1_lowered:
.L_overlay_start_0:
0x88: {  	s2 =	sld [smem:$0x3FD9]  }
0x89: {  	s3 =	sld [smem:$0x3FFE];
	_ =	sdelay $0x1  }
0x8a: {  	s1 =	srdreg.scid  }
0x8b: {  	s0 =	sand.u32 $0x1, s1  }
0x8c: {  	s17 =	sshll.u32 s0, $0xA;
	s2 =	sadd.s32 s3, s2  }
0x8d: {  	s2 =	sadd.s32 s2, s17  }
0x8e: {  	[smem:$0x3FC4] =	sst s2  }
0x8f: {  	_ = 	snop  }
0x90: {  	(tm) =	ssettm $0x1  }
0x91: {  	s18 =	sld [smem:$0x3FFB];
	_ =	sdelay $0x3  }
0x92: {  	_ =	strace s18  }
0x93: {  	s2 =	sld [smem:$0x3FFC];
	_ =	sdelay $0x3  }
0x94: {  	_ =	strace s2  }
0x95: {  	s2 =	sld [smem:$0x3FFD];
	_ =	sdelay $0x3  }
0x96: {  	_ =	strace s2  }
0x97: {  	_ =	strace $0x8FFFFFFF  }
0x98: {  	s19 =	sld [smem:$0x3FDB];
	_ =	sdelay $0x1  }
0x99: {  	s20 =	simm.s32 $_scs_section_size  }
0x9a: {  	s4 =	simm.s32 $_size__tile_overlayer_lowered;
	s5 =	simm.s32 $_tile_overlayer_lowered  }
0x9b: {  	s6 =	simm.s32 $0x1BFF;
	s21 =	sshll.u32 s5, $0x1;
	s3 =	sadd.s32 s20, s19  }
0x9c: {  	s22 =	simm.s32 $0x0;
	s4 =	sshll.u32 s4, $0x1;
	s5 =	sadd.s32 s21, s3  }
0x9d: {  	[timem:s22], [sflag:s6] =	dma.local [hbm:s5], s4  }
0x9e: {  	_ =	swait.ge [sflag:s6], s4  }
0x9f: {  	s4 =	ssub.s32 $0x0, s4;
	[sflag:s6] =	ssyncset.done $0x0  }
0xa0: {  	[sflag:s6] =	ssyncadd.s32 s4;
	_ =	sdelay $0x1  }
0xa1: {  	s23 =	simm.s32 $0x1B8B  }
0xa2: {  	_ =	swait.ge [sflag:s23], $0x1  }
0xa3: {  	[sflag:s23] =	ssyncset.done $0x0  }
0xa4: {  	[sflag:s23] =	ssyncadd.s32 $0xFFFFFFFF  }
0xa5: {  	s4 =	sld [smem:$0x0]  }
0xa6: {  	s5 =	sand.u32 $0xFFFFFFFE, s1  }
0xa7: {  	p0 =	sne.s32 s1, s5  }
0xa8: {  	s5 =	sshll.u32 @p0 s5, $0xE  }
0xa9: {  	s5 =	sadd.s32 @p0 $0x11B8D, s5;
	s6 =	sshll.u32 @p0 s4, $0x11  }
0xaa: {  	s5 =	sor.u32 @p0 s6, s5  }
0xab: {  	[sflag:s5] =	ssyncadd.remote.s32 @p0 $0x1;
	_ =	sdelay $0x1  }
0xac: {  	s5 =	simm.s32 @p0 $0x1B8D  }
0xad: {  	_ =	swait.eq @p0 [sflag:s5], $0x1  }
0xae: {  	[sflag:s5] =	ssyncadd.s32 @p0 $0xFFFFFFFF  }
0xaf: {  	s6 =	sshll.u32 @!p0 s1, $0xE  }
0xb0: {  	s6 =	sor.u32 @!p0 $0x4000, s6;
	s5 =	simm.s32 @!p0 $0x1B8D  }
0xb1: {  	s4 =	sshll.u32 @!p0 s4, $0x11;
	s6 =	sadd.s32 @!p0 $0x11B8D, s6;
	_ =	swait.eq @!p0 [sflag:s5], $0x1  }
0xb2: {  	s4 =	sor.u32 @!p0 s4, s6;
	[sflag:s5] =	ssyncadd.s32 @!p0 $0xFFFFFFFF  }
0xb3: {  	s25 =	simm.s32 $0x1B8E;
	s24 =	sld [smem:$0x3FFE];
	[sflag:s4] =	ssyncadd.remote.s32 @!p0 $0x1  }
0xb4: {  	s26 =	simm.s32 $execute0_lowered;
	[smem:$0x3FD2] =	sst s25  }
0xb5: {  	s5 =	sshll.u32 s26, $0x1;
	_ =	strace $0x80000049;
	[dreg:$0x1] =	wrdreg $0xFFFFFFFF  }
0xb6: {  	s28 =	simm.s32 $_size_execute0_lowered;
	s3 =	sadd.s32 s3, s5;
	[dreg:$0x0] =	wrdreg $0x0  }
0xb7: {  	s5 =	sshll.u32 s28, $0x1;
	[dreg:$0x2] =	wrdreg s3  }
0xb8: {  	[dreg:$0x3] =	wrdreg s5  }
0xb9: {  	[dreg:$0x4] =	wrdreg $0xC0  }
0xba: {  	_ =	task [dreg:s22], $0x5FFFF  }
0xbb: {  	[dreg:$0x1] =	wrdreg $0xFFFFFFFF  }
0xbc: {  	[dreg:$0x0] =	wrdreg $0x60  }
0xbd: {  	[dreg:$0x2] =	wrdreg s24  }
0xbe: {  	[dreg:$0x3] =	wrdreg $0xA  }
0xbf: {  	_ =	task.clear_ibuf [dreg:s22], $0x4FFFF;
	_ =	strace $0x90000049  }
0xc0: {  	s29 =	simm.s32 $0xA;
	_ =	strace $0x8000004B  }
0xc1: {  	_ =	swait.ge [sflag:s29], $0x1  }
0xc2: {  	[sflag:s29] =	ssyncadd.s32 $0xFFFFFFFF  }
0xc3: {  	_ =	strace $0x9000004B  }
0xc4: {  	_ =	sfence  }
0xc5: {  	s30 =	sld [smem:$0x0];
	_ =	sdelay $0x2  }
0xc6: {  	s31 =	sshll.u32 s1, $0xD;
	s1 =	sshrl.u32 s1, $0x2  }
0xc7: {  	s4 =	sand.u32 $0x4000, s31;
	s1 =	sadd.s32 s1, s30  }
0xc8: {  	s0 =	sor.u32 s4, s0;
	s1 =	sshll.u32 s1, $0x11  }
0xc9: {  	s0 =	sor.u32 s1, s0  }
0xca: {  	s0 =	sadd.s32 $0x8F2B, s0  }
0xcb: {  	[sflag:s0] =	ssyncadd.remote.s32 $0x1  }
0xcc: {  	_ =	sfence.sel $0xFFFF  }
0xcd: {  	[dreg:$0x0] =	wrdreg $0xFFFFFFFF;
	(pc) =	sbr.abs _section_cstart, $3  }
0xce: {  	[dreg:$0x1] =	wrdreg $0xFFFFFFFF  }
0xcf: {  	_ =	task.clear_ibuf [dreg:s22], $0x2FFFF;
	_ =	strace $0x9FFFFFFF  }
0xd0: {  	(tm) =	ssettm $0x7FFFFFFF  }
0xd1: {  	_ =	shalt  }
tec
execute0_lowered:
.L_overlay_start_1:
0x0: {  	(tag) =	ssettag $0x1  }
0x1: {  	s0 =	rddreg [dreg:$0x0]  }
0x2: {  	s1 =	srdreg.scid;
	s3 =	stileid.u32  }
0x3: {  	s2 =	simm.s32 $0x0;
	s1 =	sand.u32 $0x1, s1;
	s3 =	sshll.u32 s3, $0x1  }
0x4: {  	p0 =	por $0x0, $0x0;
	[smem:$0x7FF] =	sst s2;
	s3 =	sor.u32 s1, s3  }
0x5: {  	s6 =	sadd.s32 $0xCC00, s0;
	s1 =	ssub.s32 $0x2, s1;
	s4 =	smul.u32 $0x320, s3  }
0x6: {  	s5 =	sadd.s32 $0x6800, s0;
	s7 =	smul.u32 $0x1900, s3;
	s8 =	sshrl.u32 s1, $0x1  }
0x7: {  	s0 =	sadd.s32 $0x76E00, s0;
	s3 =	smul.u32 $0x3200, s3;
	s1 =	ssub.s32 s1, s8  }
0x8: {  	_ =	strace $0x8000004A;
	s4 =	sadd.s32 s5, s4;
	s30 =	smax.u32 s1, $0x1  }
0x9: {  	s7 =	sadd.s32 $0xC80, s7;
	s3 =	sadd.s32 s0, s3;
	p1 =	sne.s32 s30, $0x1  }
.Ltmp0:
0xa: {  	[dreg:$0x2] =	wrdreg s4;
	s26 =	sshrl.u32 s7, $0x3;
	(pc) =	sbr.rel @!p1 .LBB2_4-.Ltmp0, $4  }
0xb: {  	[dreg:$0x3] =	wrdreg s3;
	s29 =	sshll.u32 s7, $0x1;
	s3 =	simm.s32 $0x2  }
0xc: {  	s7 =	simm.s32 $0x80;
	s28 =	sadd.s32 s5, s26;
	s31 =	rddreg [dreg:$0x2]  }
0xd: {  	s4 =	simm.s32 $0xC80;
	s0 =	sadd.s32 s0, s29;
	[dreg:$0x4] =	wrdreg s28  }
0xe: {  	s8 =	sadd.s32 $0xFFFFFFFF, s30;
	s5 =	simm.s32 $0x1;
	[dreg:$0x5] =	wrdreg s0  }
0xf: {  	[tilespmem:s2], [sflag:$0x2] =	stream.linear.gather [hbm4b:s31+s2], $0xC80, $0x38;
	[tilespmem:$0xD480] =	vst v63  }
0x10: {  	_ =	swait.ge [sflag:s3], $0xC80  }
0x11: {  	[sflag:s3] =	ssyncset.done $0x0  }
0x12: {  	[sflag:s3] =	ssyncadd.s32 $0xFFFFF380  }
0x13: {  	[tilespmem:s4], [sflag:$0x1] =	stream.indirect.gather [hbm4b:s6+s7], $0x10, s2, s7, $0xb8;
	[tilespmem:$0xD480] =	vst v63  }
0x14: {  	s0 =	simm.s32 $0x1480  }
0x15: {  	[tilespmem:s0], [sflag:$0x1] =	stream.indirect.gather [hbm4b:s6+s7], $0x10, s7, s7, $0xb8;
	[tilespmem:$0xD480] =	vst v63  }
0x16: {  	s2 =	simm.s32 $0x100;
	s4 =	simm.s32 $0x1C80  }
0x17: {  	[tilespmem:s4], [sflag:$0x1] =	stream.indirect.gather [hbm4b:s6+s7], $0x10, s2, s7, $0xb8;
	[tilespmem:$0xD480] =	vst v63  }
0x18: {  	s9 =	simm.s32 $0x180;
	s10 =	simm.s32 $0x2480  }
0x19: {  	[tilespmem:s10], [sflag:$0x1] =	stream.indirect.gather [hbm4b:s6+s7], $0x10, s9, s7, $0xb8;
	[tilespmem:$0xD480] =	vst v63  }
0x1a: {  	s11 =	simm.s32 $0x200;
	s12 =	simm.s32 $0x2C80  }
0x1b: {  	[tilespmem:s12], [sflag:$0x1] =	stream.indirect.gather [hbm4b:s6+s7], $0x10, s11, s7, $0xb8;
	[tilespmem:$0xD480] =	vst v63  }
0x1c: {  	s13 =	simm.s32 $0x280;
	s14 =	simm.s32 $0x3480  }
0x1d: {  	[tilespmem:s14], [sflag:$0x1] =	stream.indirect.gather [hbm4b:s6+s7], $0x10, s13, s7, $0xb8;
	[tilespmem:$0xD480] =	vst v63  }
0x1e: {  	s15 =	simm.s32 $0x300;
	s16 =	simm.s32 $0x3C80  }
0x1f: {  	[tilespmem:s16], [sflag:$0x1] =	stream.indirect.gather [hbm4b:s6+s7], $0x10, s15, s7, $0xb8;
	[tilespmem:$0xD480] =	vst v63  }
0x20: {  	s17 =	simm.s32 $0x380;
	s18 =	simm.s32 $0x4480  }
0x21: {  	[tilespmem:s18], [sflag:$0x1] =	stream.indirect.gather [hbm4b:s6+s7], $0x10, s17, s7, $0xb8;
	[tilespmem:$0xD480] =	vst v63  }
0x22: {  	s19 =	simm.s32 $0x400;
	s22 =	simm.s32 $0x4C80  }
0x23: {  	[tilespmem:s22], [sflag:$0x1] =	stream.indirect.gather [hbm4b:s6+s7], $0x10, s19, s7, $0xb8;
	[tilespmem:$0xD480] =	vst v63  }
0x24: {  	s23 =	simm.s32 $0x480;
	s24 =	simm.s32 $0x5480  }
0x25: {  	[tilespmem:s24], [sflag:$0x1] =	stream.indirect.gather [hbm4b:s6+s7], $0x10, s23, s7, $0xb8;
	[tilespmem:$0xD480] =	vst v63  }
0x26: {  	s25 =	simm.s32 $0x500;
	s26 =	simm.s32 $0x5C80  }
0x27: {  	[tilespmem:s26], [sflag:$0x1] =	stream.indirect.gather [hbm4b:s6+s7], $0x10, s25, s7, $0xb8;
	[tilespmem:$0xD480] =	vst v63  }
0x28: {  	s28 =	simm.s32 $0x580;
	s29 =	simm.s32 $0x6480  }
0x29: {  	[tilespmem:s29], [sflag:$0x1] =	stream.indirect.gather [hbm4b:s6+s7], $0x10, s28, s7, $0xb8;
	[tilespmem:$0xD480] =	vst v63  }
0x2a: {  	s30 =	simm.s32 $0x600;
	s10 =	simm.s32 $0x6C80  }
0x2b: {  	[tilespmem:s10], [sflag:$0x1] =	stream.indirect.gather [hbm4b:s6+s7], $0x10, s30, s7, $0xb8;
	[tilespmem:$0xD480] =	vst v63  }
0x2c: {  	s4 =	simm.s32 $0x7480;
	s14 =	simm.s32 $0x680  }
0x2d: {  	[tilespmem:s4], [sflag:$0x1] =	stream.indirect.gather [hbm4b:s6+s7], $0x10, s14, s7, $0xb8;
	[tilespmem:$0xD480] =	vst v63  }
0x2e: {  	s9 =	simm.s32 $0x700;
	s13 =	simm.s32 $0x7C80  }
0x2f: {  	[tilespmem:s13], [sflag:$0x1] =	stream.indirect.gather [hbm4b:s6+s7], $0x10, s9, s7, $0xb8;
	[tilespmem:$0xD480] =	vst v63  }
0x30: {  	s11 =	simm.s32 $0x780;
	s15 =	simm.s32 $0x8480  }
0x31: {  	[tilespmem:s15], [sflag:$0x1] =	stream.indirect.gather [hbm4b:s6+s7], $0x10, s11, s7, $0xb8;
	[tilespmem:$0xD480] =	vst v63  }
0x32: {  	s12 =	simm.s32 $0x800;
	s17 =	simm.s32 $0x8C80  }
0x33: {  	[tilespmem:s17], [sflag:$0x1] =	stream.indirect.gather [hbm4b:s6+s7], $0x10, s12, s7, $0xb8;
	[tilespmem:$0xD480] =	vst v63  }
0x34: {  	s16 =	simm.s32 $0x880;
	s19 =	simm.s32 $0x9480  }
0x35: {  	[tilespmem:s19], [sflag:$0x1] =	stream.indirect.gather [hbm4b:s6+s7], $0x10, s16, s7, $0xb8;
	[tilespmem:$0xD480] =	vst v63  }
0x36: {  	s20 =	simm.s32 $0x9C80;
	s18 =	simm.s32 $0x900  }
0x37: {  	[tilespmem:s20], [sflag:$0x1] =	stream.indirect.gather [hbm4b:s6+s7], $0x10, s18, s7, $0xb8;
	[tilespmem:$0xD480] =	vst v63  }
0x38: {  	s21 =	simm.s32 $0xA480;
	s20 =	simm.s32 $0x980  }
0x39: {  	[tilespmem:s21], [sflag:$0x1] =	stream.indirect.gather [hbm4b:s6+s7], $0x10, s20, s7, $0xb8;
	[tilespmem:$0xD480] =	vst v63  }
0x3a: {  	s0 =	simm.s32 $0xAC80;
	s21 =	simm.s32 $0xA00  }
0x3b: {  	[tilespmem:s0], [sflag:$0x1] =	stream.indirect.gather [hbm4b:s6+s7], $0x10, s21, s7, $0xb8;
	[tilespmem:$0xD480] =	vst v63  }
0x3c: {  	s31 =	simm.s32 $0xA80;
	s0 =	simm.s32 $0xB480  }
0x3d: {  	[tilespmem:s0], [sflag:$0x1] =	stream.indirect.gather [hbm4b:s6+s7], $0x10, s31, s7, $0xb8;
	[tilespmem:$0xD480] =	vst v63  }
0x3e: {  	s0 =	simm.s32 $0xB00;
	s31 =	simm.s32 $0xBC80  }
0x3f: {  	[tilespmem:s31], [sflag:$0x1] =	stream.indirect.gather [hbm4b:s6+s7], $0x10, s0, s7, $0xb8;
	[tilespmem:$0xD480] =	vst v63  }
0x40: {  	s0 =	simm.s32 $0xB80;
	s31 =	simm.s32 $0xC480  }
0x41: {  	[tilespmem:s31], [sflag:$0x1] =	stream.indirect.gather [hbm4b:s6+s7], $0x10, s0, s7, $0xb8;
	[tilespmem:$0xD480] =	vst v63  }
0x42: {  	s0 =	simm.s32 $0xC00;
	s31 =	simm.s32 $0xCC80  }
0x43: {  	[tilespmem:s31], [sflag:$0x1] =	stream.indirect.gather [hbm4b:s6+s7], $0x10, s0, s7, $0xb8;
	[tilespmem:$0xD480] =	vst v63  }
0x44: {  	_ =	swait.ge [sflag:s5], $0x800  }
0x45: {  	[sflag:s5] =	ssyncset.done $0x0  }
0x46: {  	[sflag:s5] =	ssyncadd.s32 $0xFFFFF800  }
0x47: {  	_ =	swait.ge [sflag:s5], $0x800  }
0x48: {  	[sflag:s5] =	ssyncset.done $0x0  }
0x49: {  	[sflag:s5] =	ssyncadd.s32 $0xFFFFF800  }
0x4a: {  	_ =	swait.ge [sflag:s5], $0x800  }
0x4b: {  	[sflag:s5] =	ssyncset.done $0x0  }
0x4c: {  	[sflag:s5] =	ssyncadd.s32 $0xFFFFF800  }
0x4d: {  	_ =	swait.ge [sflag:s5], $0x800  }
0x4e: {  	[sflag:s5] =	ssyncset.done $0x0  }
0x4f: {  	[sflag:s5] =	ssyncadd.s32 $0xFFFFF800  }
0x50: {  	_ =	swait.ge [sflag:s5], $0x800  }
0x51: {  	[sflag:s5] =	ssyncset.done $0x0  }
0x52: {  	[sflag:s5] =	ssyncadd.s32 $0xFFFFF800  }
0x53: {  	_ =	swait.ge [sflag:s5], $0x800  }
0x54: {  	[sflag:s5] =	ssyncset.done $0x0  }
0x55: {  	[sflag:s5] =	ssyncadd.s32 $0xFFFFF800  }
0x56: {  	_ =	swait.ge [sflag:s5], $0x800  }
0x57: {  	[sflag:s5] =	ssyncset.done $0x0  }
0x58: {  	[sflag:s5] =	ssyncadd.s32 $0xFFFFF800  }
0x59: {  	_ =	swait.ge [sflag:s5], $0x800  }
0x5a: {  	[sflag:s5] =	ssyncset.done $0x0  }
0x5b: {  	[sflag:s5] =	ssyncadd.s32 $0xFFFFF800  }
0x5c: {  	_ =	swait.ge [sflag:s5], $0x800  }
0x5d: {  	[sflag:s5] =	ssyncset.done $0x0  }
0x5e: {  	[sflag:s5] =	ssyncadd.s32 $0xFFFFF800  }
0x5f: {  	_ =	swait.ge [sflag:s5], $0x800  }
0x60: {  	[sflag:s5] =	ssyncset.done $0x0  }
0x61: {  	[sflag:s5] =	ssyncadd.s32 $0xFFFFF800  }
0x62: {  	_ =	swait.ge [sflag:s5], $0x800  }
0x63: {  	[sflag:s5] =	ssyncset.done $0x0  }
0x64: {  	[sflag:s5] =	ssyncadd.s32 $0xFFFFF800  }
0x65: {  	_ =	swait.ge [sflag:s5], $0x800  }
0x66: {  	[sflag:s5] =	ssyncset.done $0x0  }
0x67: {  	[sflag:s5] =	ssyncadd.s32 $0xFFFFF800  }
0x68: {  	_ =	swait.ge [sflag:s5], $0x800  }
0x69: {  	[sflag:s5] =	ssyncset.done $0x0  }
0x6a: {  	[sflag:s5] =	ssyncadd.s32 $0xFFFFF800  }
0x6b: {  	_ =	swait.ge [sflag:s5], $0x800  }
0x6c: {  	[sflag:s5] =	ssyncset.done $0x0  }
0x6d: {  	[sflag:s5] =	ssyncadd.s32 $0xFFFFF800  }
0x6e: {  	_ =	swait.ge [sflag:s5], $0x800  }
0x6f: {  	[sflag:s5] =	ssyncset.done $0x0  }
0x70: {  	[sflag:s5] =	ssyncadd.s32 $0xFFFFF800  }
0x71: {  	_ =	swait.ge [sflag:s5], $0x800  }
0x72: {  	[sflag:s5] =	ssyncset.done $0x0  }
0x73: {  	[sflag:s5] =	ssyncadd.s32 $0xFFFFF800  }
0x74: {  	_ =	swait.ge [sflag:s5], $0x800  }
0x75: {  	[sflag:s5] =	ssyncset.done $0x0  }
0x76: {  	[sflag:s5] =	ssyncadd.s32 $0xFFFFF800  }
0x77: {  	_ =	swait.ge [sflag:s5], $0x800  }
0x78: {  	[sflag:s5] =	ssyncset.done $0x0  }
0x79: {  	[sflag:s5] =	ssyncadd.s32 $0xFFFFF800  }
0x7a: {  	_ =	swait.ge [sflag:s5], $0x800  }
0x7b: {  	[sflag:s5] =	ssyncset.done $0x0  }
0x7c: {  	[sflag:s5] =	ssyncadd.s32 $0xFFFFF800  }
0x7d: {  	_ =	swait.ge [sflag:s5], $0x800  }
0x7e: {  	[sflag:s5] =	ssyncset.done $0x0  }
0x7f: {  	[sflag:s5] =	ssyncadd.s32 $0xFFFFF800  }
0x80: {  	_ =	swait.ge [sflag:s5], $0x800  }
0x81: {  	[sflag:s5] =	ssyncset.done $0x0  }
0x82: {  	[sflag:s5] =	ssyncadd.s32 $0xFFFFF800  }
0x83: {  	_ =	swait.ge [sflag:s5], $0x800  }
0x84: {  	[sflag:s5] =	ssyncset.done $0x0  }
0x85: {  	[sflag:s5] =	ssyncadd.s32 $0xFFFFF800  }
0x86: {  	_ =	swait.ge [sflag:s5], $0x800  }
0x87: {  	[sflag:s5] =	ssyncset.done $0x0  }
0x88: {  	[sflag:s5] =	ssyncadd.s32 $0xFFFFF800  }
0x89: {  	_ =	swait.ge [sflag:s5], $0x800  }
0x8a: {  	[sflag:s5] =	ssyncset.done $0x0  }
0x8b: {  	[sflag:s5] =	ssyncadd.s32 $0xFFFFF800  }
0x8c: {  	_ =	swait.ge [sflag:s5], $0x800  }
0x8d: {  	s1 =	simm.s32 $0x0;
	[sflag:s5] =	ssyncset.done $0x0  }
0x8e: {  	s2 =	simm.s32 $0xC80;
	s31 =	rddreg [dreg:$0x3];
	[sflag:s5] =	ssyncadd.s32 $0xFFFFF800  }
0x8f: {  	[hbm4b:s31+s1] =	stream.linear.scatter [tilespmem:s2], [sflag:$0x2], $0xC800, $0x38;
	[tilespmem:$0xD480] =	vst v63  }
0x90: {  	_ =	swait.ge [sflag:s3], $0xC800  }
0x91: {  	[sflag:s3] =	ssyncset.done $0x0  }
0x92: {  	s31 =	rddreg [dreg:$0x4];
	[sflag:s3] =	ssyncadd.s32 $0xFFFF3800  }
0x93: {  	[tilespmem:s1], [sflag:$0x2] =	stream.linear.gather [hbm4b:s31+s1], $0xC80, $0x38;
	[tilespmem:$0xD480] =	vst v63  }
0x94: {  	_ =	swait.ge [sflag:s3], $0xC80  }
0x95: {  	[sflag:s3] =	ssyncset.done $0x0  }
0x96: {  	[sflag:s3] =	ssyncadd.s32 $0xFFFFF380  }
0x97: {  	[tilespmem:s2], [sflag:$0x1] =	stream.indirect.gather [hbm4b:s6+s7], $0x10, s1, s7, $0xb8;
	[tilespmem:$0xD480] =	vst v63  }
0x98: {  	s1 =	simm.s32 $0x1480  }
0x99: {  	[tilespmem:s1], [sflag:$0x1] =	stream.indirect.gather [hbm4b:s6+s7], $0x10, s7, s7, $0xb8;
	[tilespmem:$0xD480] =	vst v63  }
0x9a: {  	s0 =	simm.s32 $0x100;
	s1 =	simm.s32 $0x1C80  }
0x9b: {  	[tilespmem:s1], [sflag:$0x1] =	stream.indirect.gather [hbm4b:s6+s7], $0x10, s0, s7, $0xb8;
	[tilespmem:$0xD480] =	vst v63  }
0x9c: {  	s0 =	simm.s32 $0x180;
	s1 =	simm.s32 $0x2480  }
0x9d: {  	[tilespmem:s1], [sflag:$0x1] =	stream.indirect.gather [hbm4b:s6+s7], $0x10, s0, s7, $0xb8;
	[tilespmem:$0xD480] =	vst v63  }
0x9e: {  	s0 =	simm.s32 $0x200;
	s1 =	simm.s32 $0x2C80  }
0x9f: {  	[tilespmem:s1], [sflag:$0x1] =	stream.indirect.gather [hbm4b:s6+s7], $0x10, s0, s7, $0xb8;
	[tilespmem:$0xD480] =	vst v63  }
0xa0: {  	s0 =	simm.s32 $0x280;
	s1 =	simm.s32 $0x3480  }
0xa1: {  	[tilespmem:s1], [sflag:$0x1] =	stream.indirect.gather [hbm4b:s6+s7], $0x10, s0, s7, $0xb8;
	[tilespmem:$0xD480] =	vst v63  }
0xa2: {  	s0 =	simm.s32 $0x3C80;
	s1 =	simm.s32 $0x300  }
0xa3: {  	[tilespmem:s0], [sflag:$0x1] =	stream.indirect.gather [hbm4b:s6+s7], $0x10, s1, s7, $0xb8;
	[tilespmem:$0xD480] =	vst v63  }
0xa4: {  	s0 =	simm.s32 $0x4480;
	s1 =	simm.s32 $0x380  }
0xa5: {  	[tilespmem:s0], [sflag:$0x1] =	stream.indirect.gather [hbm4b:s6+s7], $0x10, s1, s7, $0xb8;
	[tilespmem:$0xD480] =	vst v63  }
0xa6: {  	s1 =	simm.s32 $0x400  }
0xa7: {  	[tilespmem:s22], [sflag:$0x1] =	stream.indirect.gather [hbm4b:s6+s7], $0x10, s1, s7, $0xb8;
	[tilespmem:$0xD480] =	vst v63  }
0xa8: {  	_ = 	snop  }
0xa9: {  	[tilespmem:s24], [sflag:$0x1] =	stream.indirect.gather [hbm4b:s6+s7], $0x10, s23, s7, $0xb8;
	[tilespmem:$0xD480] =	vst v63  }
0xaa: {  	_ = 	snop  }
0xab: {  	[tilespmem:s26], [sflag:$0x1] =	stream.indirect.gather [hbm4b:s6+s7], $0x10, s25, s7, $0xb8;
	[tilespmem:$0xD480] =	vst v63  }
0xac: {  	_ = 	snop  }
0xad: {  	[tilespmem:s29], [sflag:$0x1] =	stream.indirect.gather [hbm4b:s6+s7], $0x10, s28, s7, $0xb8;
	[tilespmem:$0xD480] =	vst v63  }
0xae: {  	_ = 	snop  }
0xaf: {  	[tilespmem:s10], [sflag:$0x1] =	stream.indirect.gather [hbm4b:s6+s7], $0x10, s30, s7, $0xb8;
	[tilespmem:$0xD480] =	vst v63  }
0xb0: {  	_ = 	snop  }
0xb1: {  	[tilespmem:s4], [sflag:$0x1] =	stream.indirect.gather [hbm4b:s6+s7], $0x10, s14, s7, $0xb8;
	[tilespmem:$0xD480] =	vst v63  }
0xb2: {  	_ = 	snop  }
0xb3: {  	[tilespmem:s13], [sflag:$0x1] =	stream.indirect.gather [hbm4b:s6+s7], $0x10, s9, s7, $0xb8;
	[tilespmem:$0xD480] =	vst v63  }
0xb4: {  	_ = 	snop  }
0xb5: {  	[tilespmem:s15], [sflag:$0x1] =	stream.indirect.gather [hbm4b:s6+s7], $0x10, s11, s7, $0xb8;
	[tilespmem:$0xD480] =	vst v63  }
0xb6: {  	_ = 	snop  }
0xb7: {  	[tilespmem:s17], [sflag:$0x1] =	stream.indirect.gather [hbm4b:s6+s7], $0x10, s12, s7, $0xb8;
	[tilespmem:$0xD480] =	vst v63  }
0xb8: {  	_ = 	snop  }
0xb9: {  	[tilespmem:s19], [sflag:$0x1] =	stream.indirect.gather [hbm4b:s6+s7], $0x10, s16, s7, $0xb8;
	[tilespmem:$0xD480] =	vst v63  }
0xba: {  	s17 =	simm.s32 $0x9C80  }
0xbb: {  	[tilespmem:s17], [sflag:$0x1] =	stream.indirect.gather [hbm4b:s6+s7], $0x10, s18, s7, $0xb8;
	[tilespmem:$0xD480] =	vst v63  }
0xbc: {  	s19 =	simm.s32 $0xA480  }
0xbd: {  	[tilespmem:s19], [sflag:$0x1] =	stream.indirect.gather [hbm4b:s6+s7], $0x10, s20, s7, $0xb8;
	[tilespmem:$0xD480] =	vst v63  }
0xbe: {  	s20 =	simm.s32 $0xAC80  }
0xbf: {  	[tilespmem:s20], [sflag:$0x1] =	stream.indirect.gather [hbm4b:s6+s7], $0x10, s21, s7, $0xb8;
	[tilespmem:$0xD480] =	vst v63  }
0xc0: {  	s22 =	simm.s32 $0xA80;
	s23 =	simm.s32 $0xB480  }
0xc1: {  	[tilespmem:s23], [sflag:$0x1] =	stream.indirect.gather [hbm4b:s6+s7], $0x10, s22, s7, $0xb8;
	[tilespmem:$0xD480] =	vst v63  }
0xc2: {  	s24 =	simm.s32 $0xBC80;
	s25 =	simm.s32 $0xB00  }
0xc3: {  	[tilespmem:s24], [sflag:$0x1] =	stream.indirect.gather [hbm4b:s6+s7], $0x10, s25, s7, $0xb8;
	[tilespmem:$0xD480] =	vst v63  }
0xc4: {  	s26 =	simm.s32 $0xC480;
	s28 =	simm.s32 $0xB80  }
0xc5: {  	[tilespmem:s26], [sflag:$0x1] =	stream.indirect.gather [hbm4b:s6+s7], $0x10, s28, s7, $0xb8;
	[tilespmem:$0xD480] =	vst v63  }
0xc6: {  	s29 =	simm.s32 $0xCC80;
	s30 =	simm.s32 $0xC00  }
0xc7: {  	[tilespmem:s29], [sflag:$0x1] =	stream.indirect.gather [hbm4b:s6+s7], $0x10, s30, s7, $0xb8;
	[tilespmem:$0xD480] =	vst v63  }
0xc8: {  	_ =	swait.ge [sflag:s5], $0x800  }
0xc9: {  	[sflag:s5] =	ssyncset.done $0x0  }
0xca: {  	[sflag:s5] =	ssyncadd.s32 $0xFFFFF800  }
0xcb: {  	_ =	swait.ge [sflag:s5], $0x800  }
0xcc: {  	[sflag:s5] =	ssyncset.done $0x0  }
0xcd: {  	[sflag:s5] =	ssyncadd.s32 $0xFFFFF800  }
0xce: {  	_ =	swait.ge [sflag:s5], $0x800  }
0xcf: {  	[sflag:s5] =	ssyncset.done $0x0  }
0xd0: {  	[sflag:s5] =	ssyncadd.s32 $0xFFFFF800  }
0xd1: {  	_ =	swait.ge [sflag:s5], $0x800  }
0xd2: {  	[sflag:s5] =	ssyncset.done $0x0  }
0xd3: {  	[sflag:s5] =	ssyncadd.s32 $0xFFFFF800  }
0xd4: {  	_ =	swait.ge [sflag:s5], $0x800  }
0xd5: {  	[sflag:s5] =	ssyncset.done $0x0  }
0xd6: {  	[sflag:s5] =	ssyncadd.s32 $0xFFFFF800  }
0xd7: {  	_ =	swait.ge [sflag:s5], $0x800  }
0xd8: {  	[sflag:s5] =	ssyncset.done $0x0  }
0xd9: {  	[sflag:s5] =	ssyncadd.s32 $0xFFFFF800  }
0xda: {  	_ =	swait.ge [sflag:s5], $0x800  }
0xdb: {  	[sflag:s5] =	ssyncset.done $0x0  }
0xdc: {  	[sflag:s5] =	ssyncadd.s32 $0xFFFFF800  }
0xdd: {  	_ =	swait.ge [sflag:s5], $0x800  }
0xde: {  	[sflag:s5] =	ssyncset.done $0x0  }
0xdf: {  	[sflag:s5] =	ssyncadd.s32 $0xFFFFF800  }
0xe0: {  	_ =	swait.ge [sflag:s5], $0x800  }
0xe1: {  	[sflag:s5] =	ssyncset.done $0x0  }
0xe2: {  	[sflag:s5] =	ssyncadd.s32 $0xFFFFF800  }
0xe3: {  	_ =	swait.ge [sflag:s5], $0x800  }
0xe4: {  	[sflag:s5] =	ssyncset.done $0x0  }
0xe5: {  	[sflag:s5] =	ssyncadd.s32 $0xFFFFF800  }
0xe6: {  	_ =	swait.ge [sflag:s5], $0x800  }
0xe7: {  	[sflag:s5] =	ssyncset.done $0x0  }
0xe8: {  	[sflag:s5] =	ssyncadd.s32 $0xFFFFF800  }
0xe9: {  	_ =	swait.ge [sflag:s5], $0x800  }
0xea: {  	[sflag:s5] =	ssyncset.done $0x0  }
0xeb: {  	[sflag:s5] =	ssyncadd.s32 $0xFFFFF800  }
0xec: {  	_ =	swait.ge [sflag:s5], $0x800  }
0xed: {  	[sflag:s5] =	ssyncset.done $0x0  }
0xee: {  	[sflag:s5] =	ssyncadd.s32 $0xFFFFF800  }
0xef: {  	_ =	swait.ge [sflag:s5], $0x800  }
0xf0: {  	[sflag:s5] =	ssyncset.done $0x0  }
0xf1: {  	[sflag:s5] =	ssyncadd.s32 $0xFFFFF800  }
0xf2: {  	_ =	swait.ge [sflag:s5], $0x800  }
0xf3: {  	[sflag:s5] =	ssyncset.done $0x0  }
0xf4: {  	[sflag:s5] =	ssyncadd.s32 $0xFFFFF800  }
0xf5: {  	_ =	swait.ge [sflag:s5], $0x800  }
0xf6: {  	[sflag:s5] =	ssyncset.done $0x0  }
0xf7: {  	[sflag:s5] =	ssyncadd.s32 $0xFFFFF800  }
0xf8: {  	_ =	swait.ge [sflag:s5], $0x800  }
0xf9: {  	[sflag:s5] =	ssyncset.done $0x0  }
0xfa: {  	[sflag:s5] =	ssyncadd.s32 $0xFFFFF800  }
0xfb: {  	_ =	swait.ge [sflag:s5], $0x800  }
0xfc: {  	[sflag:s5] =	ssyncset.done $0x0  }
0xfd: {  	[sflag:s5] =	ssyncadd.s32 $0xFFFFF800  }
0xfe: {  	_ =	swait.ge [sflag:s5], $0x800  }
0xff: {  	[sflag:s5] =	ssyncset.done $0x0  }
0x100: {  	[sflag:s5] =	ssyncadd.s32 $0xFFFFF800  }
0x101: {  	_ =	swait.ge [sflag:s5], $0x800  }
0x102: {  	[sflag:s5] =	ssyncset.done $0x0  }
0x103: {  	[sflag:s5] =	ssyncadd.s32 $0xFFFFF800  }
0x104: {  	_ =	swait.ge [sflag:s5], $0x800  }
0x105: {  	[sflag:s5] =	ssyncset.done $0x0  }
0x106: {  	[sflag:s5] =	ssyncadd.s32 $0xFFFFF800  }
0x107: {  	_ =	swait.ge [sflag:s5], $0x800  }
0x108: {  	[sflag:s5] =	ssyncset.done $0x0  }
0x109: {  	[sflag:s5] =	ssyncadd.s32 $0xFFFFF800  }
0x10a: {  	_ =	swait.ge [sflag:s5], $0x800  }
0x10b: {  	[sflag:s5] =	ssyncset.done $0x0  }
0x10c: {  	[sflag:s5] =	ssyncadd.s32 $0xFFFFF800  }
0x10d: {  	_ =	swait.ge [sflag:s5], $0x800  }
0x10e: {  	[sflag:s5] =	ssyncset.done $0x0  }
0x10f: {  	[sflag:s5] =	ssyncadd.s32 $0xFFFFF800  }
0x110: {  	p1 =	sne.s32 s8, $0x1;
	_ =	swait.ge [sflag:s5], $0x800  }
.Ltmp1:
0x111: {  	s2 =	simm.s32 $0x0;
	[sflag:s5] =	ssyncset.done $0x0;
	(pc) =	sbr.rel @!p1 .LBB2_4-.Ltmp1, $4  }
0x112: {  	s4 =	simm.s32 $0xC80;
	s31 =	rddreg [dreg:$0x5];
	[sflag:s5] =	ssyncadd.s32 $0xFFFFF800  }
0x113: {  	[hbm4b:s31+s2] =	stream.linear.scatter [tilespmem:s4], [sflag:$0x2], $0xC800, $0x38;
	[tilespmem:$0xD480] =	vst v63  }
0x114: {  	p0 =	por $0x1, $0x1;
	_ =	swait.ge [sflag:s3], $0xC800  }
0x115: {  	s0 =	sadd.s32 $0xFFFFFFFF, s8;
	s31 =	rddreg [dreg:$0x2];
	[sflag:s3] =	ssyncset.done $0x0  }
0x116: {  	s9 =	simm.s32 $0x100;
	s10 =	simm.s32 $0x1C80  }
0x117: {  	s11 =	simm.s32 $0x180;
	s12 =	simm.s32 $0x2480;
	s13 =	simm.s32 $0x200  }
0x118: {  	s14 =	simm.s32 $0x2C80;
	s15 =	simm.s32 $0x280;
	s16 =	simm.s32 $0x3480  }
0x119: {  	s17 =	simm.s32 $0x300;
	s18 =	simm.s32 $0x3C80;
	s19 =	simm.s32 $0x380  }
0x11a: {  	s20 =	simm.s32 $0x4480;
	s21 =	simm.s32 $0x400;
	s22 =	simm.s32 $0x4C80  }
0x11b: {  	s23 =	simm.s32 $0x480;
	s24 =	simm.s32 $0x5480;
	s25 =	simm.s32 $0x500  }
0x11c: {  	s26 =	simm.s32 $0x5C80;
	s28 =	simm.s32 $0x580;
	s29 =	simm.s32 $0x6480  }
.LBB2_3:
0x11d: {  	[sflag:s3] =	ssyncadd.s32 $0xFFFF3800  }
0x11e: {  	[tilespmem:s2], [sflag:$0x2] =	stream.linear.gather [hbm4b:s31+s2], $0xC80, $0x38;
	[tilespmem:$0xD480] =	vst v63  }
0x11f: {  	_ =	swait.ge [sflag:s3], $0xC80  }
0x120: {  	[sflag:s3] =	ssyncset.done $0x0  }
0x121: {  	[sflag:s3] =	ssyncadd.s32 $0xFFFFF380  }
0x122: {  	[tilespmem:s4], [sflag:$0x1] =	stream.indirect.gather [hbm4b:s6+s7], $0x10, s2, s7, $0xb8;
	[tilespmem:$0xD480] =	vst v63  }
0x123: {  	s8 =	simm.s32 $0x1480  }
0x124: {  	[tilespmem:s8], [sflag:$0x1] =	stream.indirect.gather [hbm4b:s6+s7], $0x10, s7, s7, $0xb8;
	[tilespmem:$0xD480] =	vst v63  }
0x125: {  	_ = 	snop  }
0x126: {  	[tilespmem:s10], [sflag:$0x1] =	stream.indirect.gather [hbm4b:s6+s7], $0x10, s9, s7, $0xb8;
	[tilespmem:$0xD480] =	vst v63  }
0x127: {  	_ = 	snop  }
0x128: {  	[tilespmem:s12], [sflag:$0x1] =	stream.indirect.gather [hbm4b:s6+s7], $0x10, s11, s7, $0xb8;
	[tilespmem:$0xD480] =	vst v63  }
0x129: {  	_ = 	snop  }
0x12a: {  	[tilespmem:s14], [sflag:$0x1] =	stream.indirect.gather [hbm4b:s6+s7], $0x10, s13, s7, $0xb8;
	[tilespmem:$0xD480] =	vst v63  }
0x12b: {  	_ = 	snop  }
0x12c: {  	[tilespmem:s16], [sflag:$0x1] =	stream.indirect.gather [hbm4b:s6+s7], $0x10, s15, s7, $0xb8;
	[tilespmem:$0xD480] =	vst v63  }
0x12d: {  	_ = 	snop  }
0x12e: {  	[tilespmem:s18], [sflag:$0x1] =	stream.indirect.gather [hbm4b:s6+s7], $0x10, s17, s7, $0xb8;
	[tilespmem:$0xD480] =	vst v63  }
0x12f: {  	_ = 	snop  }
0x130: {  	[tilespmem:s20], [sflag:$0x1] =	stream.indirect.gather [hbm4b:s6+s7], $0x10, s19, s7, $0xb8;
	[tilespmem:$0xD480] =	vst v63  }
0x131: {  	_ = 	snop  }
0x132: {  	[tilespmem:s22], [sflag:$0x1] =	stream.indirect.gather [hbm4b:s6+s7], $0x10, s21, s7, $0xb8;
	[tilespmem:$0xD480] =	vst v63  }
0x133: {  	_ = 	snop  }
0x134: {  	[tilespmem:s24], [sflag:$0x1] =	stream.indirect.gather [hbm4b:s6+s7], $0x10, s23, s7, $0xb8;
	[tilespmem:$0xD480] =	vst v63  }
0x135: {  	_ = 	snop  }
0x136: {  	[tilespmem:s26], [sflag:$0x1] =	stream.indirect.gather [hbm4b:s6+s7], $0x10, s25, s7, $0xb8;
	[tilespmem:$0xD480] =	vst v63  }
0x137: {  	_ = 	snop  }
0x138: {  	[tilespmem:s29], [sflag:$0x1] =	stream.indirect.gather [hbm4b:s6+s7], $0x10, s28, s7, $0xb8;
	[tilespmem:$0xD480] =	vst v63  }
0x139: {  	s1 =	simm.s32 $0x600;
	s4 =	simm.s32 $0x6C80  }
0x13a: {  	[tilespmem:s4], [sflag:$0x1] =	stream.indirect.gather [hbm4b:s6+s7], $0x10, s1, s7, $0xb8;
	[tilespmem:$0xD480] =	vst v63  }
0x13b: {  	s30 =	simm.s32 $0x680;
	s31 =	simm.s32 $0x7480  }
0x13c: {  	[tilespmem:s31], [sflag:$0x1] =	stream.indirect.gather [hbm4b:s6+s7], $0x10, s30, s7, $0xb8;
	[tilespmem:$0xD480] =	vst v63  }
0x13d: {  	s30 =	simm.s32 $0x700;
	s31 =	simm.s32 $0x7C80  }
0x13e: {  	[tilespmem:s31], [sflag:$0x1] =	stream.indirect.gather [hbm4b:s6+s7], $0x10, s30, s7, $0xb8;
	[tilespmem:$0xD480] =	vst v63  }
0x13f: {  	s30 =	simm.s32 $0x780;
	s31 =	simm.s32 $0x8480  }
0x140: {  	[tilespmem:s31], [sflag:$0x1] =	stream.indirect.gather [hbm4b:s6+s7], $0x10, s30, s7, $0xb8;
	[tilespmem:$0xD480] =	vst v63  }
0x141: {  	s30 =	simm.s32 $0x800;
	s31 =	simm.s32 $0x8C80  }
0x142: {  	[tilespmem:s31], [sflag:$0x1] =	stream.indirect.gather [hbm4b:s6+s7], $0x10, s30, s7, $0xb8;
	[tilespmem:$0xD480] =	vst v63  }
0x143: {  	s30 =	simm.s32 $0x880;
	s31 =	simm.s32 $0x9480  }
0x144: {  	[tilespmem:s31], [sflag:$0x1] =	stream.indirect.gather [hbm4b:s6+s7], $0x10, s30, s7, $0xb8;
	[tilespmem:$0xD480] =	vst v63  }
0x145: {  	s30 =	simm.s32 $0x900;
	s31 =	simm.s32 $0x9C80  }
0x146: {  	[tilespmem:s31], [sflag:$0x1] =	stream.indirect.gather [hbm4b:s6+s7], $0x10, s30, s7, $0xb8;
	[tilespmem:$0xD480] =	vst v63  }
0x147: {  	s31 =	simm.s32 $0x980;
	s30 =	simm.s32 $0xA480  }
0x148: {  	[tilespmem:s30], [sflag:$0x1] =	stream.indirect.gather [hbm4b:s6+s7], $0x10, s31, s7, $0xb8;
	[tilespmem:$0xD480] =	vst v63  }
0x149: {  	s31 =	simm.s32 $0xA00;
	s30 =	simm.s32 $0xAC80  }
0x14a: {  	[tilespmem:s30], [sflag:$0x1] =	stream.indirect.gather [hbm4b:s6+s7], $0x10, s31, s7, $0xb8;
	[tilespmem:$0xD480] =	vst v63  }
0x14b: {  	s31 =	simm.s32 $0xA80;
	s30 =	simm.s32 $0xB480  }
0x14c: {  	[tilespmem:s30], [sflag:$0x1] =	stream.indirect.gather [hbm4b:s6+s7], $0x10, s31, s7, $0xb8;
	[tilespmem:$0xD480] =	vst v63  }
0x14d: {  	s31 =	simm.s32 $0xB00;
	s30 =	simm.s32 $0xBC80  }
0x14e: {  	[tilespmem:s30], [sflag:$0x1] =	stream.indirect.gather [hbm4b:s6+s7], $0x10, s31, s7, $0xb8;
	[tilespmem:$0xD480] =	vst v63  }
0x14f: {  	s31 =	simm.s32 $0xB80;
	s30 =	simm.s32 $0xC480  }
0x150: {  	[tilespmem:s30], [sflag:$0x1] =	stream.indirect.gather [hbm4b:s6+s7], $0x10, s31, s7, $0xb8;
	[tilespmem:$0xD480] =	vst v63  }
0x151: {  	s31 =	simm.s32 $0xC00;
	s30 =	simm.s32 $0xCC80  }
0x152: {  	[tilespmem:s30], [sflag:$0x1] =	stream.indirect.gather [hbm4b:s6+s7], $0x10, s31, s7, $0xb8;
	[tilespmem:$0xD480] =	vst v63  }
0x153: {  	_ =	swait.ge [sflag:s5], $0x800  }
0x154: {  	[sflag:s5] =	ssyncset.done $0x0  }
0x155: {  	[sflag:s5] =	ssyncadd.s32 $0xFFFFF800  }
0x156: {  	_ =	swait.ge [sflag:s5], $0x800  }
0x157: {  	[sflag:s5] =	ssyncset.done $0x0  }
0x158: {  	[sflag:s5] =	ssyncadd.s32 $0xFFFFF800  }
0x159: {  	_ =	swait.ge [sflag:s5], $0x800  }
0x15a: {  	[sflag:s5] =	ssyncset.done $0x0  }
0x15b: {  	[sflag:s5] =	ssyncadd.s32 $0xFFFFF800  }
0x15c: {  	_ =	swait.ge [sflag:s5], $0x800  }
0x15d: {  	[sflag:s5] =	ssyncset.done $0x0  }
0x15e: {  	[sflag:s5] =	ssyncadd.s32 $0xFFFFF800  }
0x15f: {  	_ =	swait.ge [sflag:s5], $0x800  }
0x160: {  	[sflag:s5] =	ssyncset.done $0x0  }
0x161: {  	[sflag:s5] =	ssyncadd.s32 $0xFFFFF800  }
0x162: {  	_ =	swait.ge [sflag:s5], $0x800  }
0x163: {  	[sflag:s5] =	ssyncset.done $0x0  }
0x164: {  	[sflag:s5] =	ssyncadd.s32 $0xFFFFF800  }
0x165: {  	_ =	swait.ge [sflag:s5], $0x800  }
0x166: {  	[sflag:s5] =	ssyncset.done $0x0  }
0x167: {  	[sflag:s5] =	ssyncadd.s32 $0xFFFFF800  }
0x168: {  	_ =	swait.ge [sflag:s5], $0x800  }
0x169: {  	[sflag:s5] =	ssyncset.done $0x0  }
0x16a: {  	[sflag:s5] =	ssyncadd.s32 $0xFFFFF800  }
0x16b: {  	_ =	swait.ge [sflag:s5], $0x800  }
0x16c: {  	[sflag:s5] =	ssyncset.done $0x0  }
0x16d: {  	[sflag:s5] =	ssyncadd.s32 $0xFFFFF800  }
0x16e: {  	_ =	swait.ge [sflag:s5], $0x800  }
0x16f: {  	[sflag:s5] =	ssyncset.done $0x0  }
0x170: {  	[sflag:s5] =	ssyncadd.s32 $0xFFFFF800  }
0x171: {  	_ =	swait.ge [sflag:s5], $0x800  }
0x172: {  	[sflag:s5] =	ssyncset.done $0x0  }
0x173: {  	[sflag:s5] =	ssyncadd.s32 $0xFFFFF800  }
0x174: {  	_ =	swait.ge [sflag:s5], $0x800  }
0x175: {  	[sflag:s5] =	ssyncset.done $0x0  }
0x176: {  	[sflag:s5] =	ssyncadd.s32 $0xFFFFF800  }
0x177: {  	_ =	swait.ge [sflag:s5], $0x800  }
0x178: {  	[sflag:s5] =	ssyncset.done $0x0  }
0x179: {  	[sflag:s5] =	ssyncadd.s32 $0xFFFFF800  }
0x17a: {  	_ =	swait.ge [sflag:s5], $0x800  }
0x17b: {  	[sflag:s5] =	ssyncset.done $0x0  }
0x17c: {  	[sflag:s5] =	ssyncadd.s32 $0xFFFFF800  }
0x17d: {  	_ =	swait.ge [sflag:s5], $0x800  }
0x17e: {  	[sflag:s5] =	ssyncset.done $0x0  }
0x17f: {  	[sflag:s5] =	ssyncadd.s32 $0xFFFFF800  }
0x180: {  	_ =	swait.ge [sflag:s5], $0x800  }
0x181: {  	[sflag:s5] =	ssyncset.done $0x0  }
0x182: {  	[sflag:s5] =	ssyncadd.s32 $0xFFFFF800  }
0x183: {  	_ =	swait.ge [sflag:s5], $0x800  }
0x184: {  	[sflag:s5] =	ssyncset.done $0x0  }
0x185: {  	[sflag:s5] =	ssyncadd.s32 $0xFFFFF800  }
0x186: {  	_ =	swait.ge [sflag:s5], $0x800  }
0x187: {  	[sflag:s5] =	ssyncset.done $0x0  }
0x188: {  	[sflag:s5] =	ssyncadd.s32 $0xFFFFF800  }
0x189: {  	_ =	swait.ge [sflag:s5], $0x800  }
0x18a: {  	[sflag:s5] =	ssyncset.done $0x0  }
0x18b: {  	[sflag:s5] =	ssyncadd.s32 $0xFFFFF800  }
0x18c: {  	_ =	swait.ge [sflag:s5], $0x800  }
0x18d: {  	[sflag:s5] =	ssyncset.done $0x0  }
0x18e: {  	[sflag:s5] =	ssyncadd.s32 $0xFFFFF800  }
0x18f: {  	_ =	swait.ge [sflag:s5], $0x800  }
0x190: {  	[sflag:s5] =	ssyncset.done $0x0  }
0x191: {  	[sflag:s5] =	ssyncadd.s32 $0xFFFFF800  }
0x192: {  	_ =	swait.ge [sflag:s5], $0x800  }
0x193: {  	[sflag:s5] =	ssyncset.done $0x0  }
0x194: {  	[sflag:s5] =	ssyncadd.s32 $0xFFFFF800  }
0x195: {  	_ =	swait.ge [sflag:s5], $0x800  }
0x196: {  	[sflag:s5] =	ssyncset.done $0x0  }
0x197: {  	[sflag:s5] =	ssyncadd.s32 $0xFFFFF800  }
0x198: {  	_ =	swait.ge [sflag:s5], $0x800  }
0x199: {  	[sflag:s5] =	ssyncset.done $0x0  }
0x19a: {  	[sflag:s5] =	ssyncadd.s32 $0xFFFFF800  }
0x19b: {  	_ =	swait.ge [sflag:s5], $0x800  }
0x19c: {  	s2 =	simm.s32 $0xC80;
	[sflag:s5] =	ssyncset.done $0x0  }
0x19d: {  	s1 =	simm.s32 $0x0;
	s31 =	rddreg [dreg:$0x3];
	[sflag:s5] =	ssyncadd.s32 $0xFFFFF800  }
0x19e: {  	[hbm4b:s31+s1] =	stream.linear.scatter [tilespmem:s2], [sflag:$0x2], $0xC800, $0x38;
	[tilespmem:$0xD480] =	vst v63  }
0x19f: {  	_ =	swait.ge [sflag:s3], $0xC800  }
0x1a0: {  	[sflag:s3] =	ssyncset.done $0x0  }
0x1a1: {  	s31 =	rddreg [dreg:$0x4];
	[sflag:s3] =	ssyncadd.s32 $0xFFFF3800  }
0x1a2: {  	[tilespmem:s1], [sflag:$0x2] =	stream.linear.gather [hbm4b:s31+s1], $0xC80, $0x38;
	[tilespmem:$0xD480] =	vst v63  }
0x1a3: {  	_ =	swait.ge [sflag:s3], $0xC80  }
0x1a4: {  	[sflag:s3] =	ssyncset.done $0x0  }
0x1a5: {  	[sflag:s3] =	ssyncadd.s32 $0xFFFFF380  }
0x1a6: {  	[tilespmem:s2], [sflag:$0x1] =	stream.indirect.gather [hbm4b:s6+s7], $0x10, s1, s7, $0xb8;
	[tilespmem:$0xD480] =	vst v63  }
0x1a7: {  	_ = 	snop  }
0x1a8: {  	[tilespmem:s8], [sflag:$0x1] =	stream.indirect.gather [hbm4b:s6+s7], $0x10, s7, s7, $0xb8;
	[tilespmem:$0xD480] =	vst v63  }
0x1a9: {  	_ = 	snop  }
0x1aa: {  	[tilespmem:s10], [sflag:$0x1] =	stream.indirect.gather [hbm4b:s6+s7], $0x10, s9, s7, $0xb8;
	[tilespmem:$0xD480] =	vst v63  }
0x1ab: {  	_ = 	snop  }
0x1ac: {  	[tilespmem:s12], [sflag:$0x1] =	stream.indirect.gather [hbm4b:s6+s7], $0x10, s11, s7, $0xb8;
	[tilespmem:$0xD480] =	vst v63  }
0x1ad: {  	_ = 	snop  }
0x1ae: {  	[tilespmem:s14], [sflag:$0x1] =	stream.indirect.gather [hbm4b:s6+s7], $0x10, s13, s7, $0xb8;
	[tilespmem:$0xD480] =	vst v63  }
0x1af: {  	_ = 	snop  }
0x1b0: {  	[tilespmem:s16], [sflag:$0x1] =	stream.indirect.gather [hbm4b:s6+s7], $0x10, s15, s7, $0xb8;
	[tilespmem:$0xD480] =	vst v63  }
0x1b1: {  	_ = 	snop  }
0x1b2: {  	[tilespmem:s18], [sflag:$0x1] =	stream.indirect.gather [hbm4b:s6+s7], $0x10, s17, s7, $0xb8;
	[tilespmem:$0xD480] =	vst v63  }
0x1b3: {  	_ = 	snop  }
0x1b4: {  	[tilespmem:s20], [sflag:$0x1] =	stream.indirect.gather [hbm4b:s6+s7], $0x10, s19, s7, $0xb8;
	[tilespmem:$0xD480] =	vst v63  }
0x1b5: {  	_ = 	snop  }
0x1b6: {  	[tilespmem:s22], [sflag:$0x1] =	stream.indirect.gather [hbm4b:s6+s7], $0x10, s21, s7, $0xb8;
	[tilespmem:$0xD480] =	vst v63  }
0x1b7: {  	_ = 	snop  }
0x1b8: {  	[tilespmem:s24], [sflag:$0x1] =	stream.indirect.gather [hbm4b:s6+s7], $0x10, s23, s7, $0xb8;
	[tilespmem:$0xD480] =	vst v63  }
0x1b9: {  	_ = 	snop  }
0x1ba: {  	[tilespmem:s26], [sflag:$0x1] =	stream.indirect.gather [hbm4b:s6+s7], $0x10, s25, s7, $0xb8;
	[tilespmem:$0xD480] =	vst v63  }
0x1bb: {  	_ = 	snop  }
0x1bc: {  	[tilespmem:s29], [sflag:$0x1] =	stream.indirect.gather [hbm4b:s6+s7], $0x10, s28, s7, $0xb8;
	[tilespmem:$0xD480] =	vst v63  }
0x1bd: {  	s8 =	simm.s32 $0x600  }
0x1be: {  	[tilespmem:s4], [sflag:$0x1] =	stream.indirect.gather [hbm4b:s6+s7], $0x10, s8, s7, $0xb8;
	[tilespmem:$0xD480] =	vst v63  }
0x1bf: {  	s4 =	simm.s32 $0x680;
	s8 =	simm.s32 $0x7480  }
0x1c0: {  	[tilespmem:s8], [sflag:$0x1] =	stream.indirect.gather [hbm4b:s6+s7], $0x10, s4, s7, $0xb8;
	[tilespmem:$0xD480] =	vst v63  }
0x1c1: {  	s1 =	simm.s32 $0x700;
	s8 =	simm.s32 $0x7C80  }
0x1c2: {  	[tilespmem:s8], [sflag:$0x1] =	stream.indirect.gather [hbm4b:s6+s7], $0x10, s1, s7, $0xb8;
	[tilespmem:$0xD480] =	vst v63  }
0x1c3: {  	s1 =	simm.s32 $0x780;
	s8 =	simm.s32 $0x8480  }
0x1c4: {  	[tilespmem:s8], [sflag:$0x1] =	stream.indirect.gather [hbm4b:s6+s7], $0x10, s1, s7, $0xb8;
	[tilespmem:$0xD480] =	vst v63  }
0x1c5: {  	s1 =	simm.s32 $0x800;
	s8 =	simm.s32 $0x8C80  }
0x1c6: {  	[tilespmem:s8], [sflag:$0x1] =	stream.indirect.gather [hbm4b:s6+s7], $0x10, s1, s7, $0xb8;
	[tilespmem:$0xD480] =	vst v63  }
0x1c7: {  	s1 =	simm.s32 $0x880;
	s8 =	simm.s32 $0x9480  }
0x1c8: {  	[tilespmem:s8], [sflag:$0x1] =	stream.indirect.gather [hbm4b:s6+s7], $0x10, s1, s7, $0xb8;
	[tilespmem:$0xD480] =	vst v63  }
0x1c9: {  	s1 =	simm.s32 $0x9C80;
	s8 =	simm.s32 $0x900  }
0x1ca: {  	[tilespmem:s1], [sflag:$0x1] =	stream.indirect.gather [hbm4b:s6+s7], $0x10, s8, s7, $0xb8;
	[tilespmem:$0xD480] =	vst v63  }
0x1cb: {  	s1 =	simm.s32 $0xA480;
	s8 =	simm.s32 $0x980  }
0x1cc: {  	[tilespmem:s1], [sflag:$0x1] =	stream.indirect.gather [hbm4b:s6+s7], $0x10, s8, s7, $0xb8;
	[tilespmem:$0xD480] =	vst v63  }
0x1cd: {  	s1 =	simm.s32 $0xAC80;
	s8 =	simm.s32 $0xA00  }
0x1ce: {  	[tilespmem:s1], [sflag:$0x1] =	stream.indirect.gather [hbm4b:s6+s7], $0x10, s8, s7, $0xb8;
	[tilespmem:$0xD480] =	vst v63  }
0x1cf: {  	s1 =	simm.s32 $0xB480;
	s8 =	simm.s32 $0xA80  }
0x1d0: {  	[tilespmem:s1], [sflag:$0x1] =	stream.indirect.gather [hbm4b:s6+s7], $0x10, s8, s7, $0xb8;
	[tilespmem:$0xD480] =	vst v63  }
0x1d1: {  	s1 =	simm.s32 $0xBC80;
	s8 =	simm.s32 $0xB00  }
0x1d2: {  	[tilespmem:s1], [sflag:$0x1] =	stream.indirect.gather [hbm4b:s6+s7], $0x10, s8, s7, $0xb8;
	[tilespmem:$0xD480] =	vst v63  }
0x1d3: {  	s1 =	simm.s32 $0xC480;
	s8 =	simm.s32 $0xB80  }
0x1d4: {  	[tilespmem:s1], [sflag:$0x1] =	stream.indirect.gather [hbm4b:s6+s7], $0x10, s8, s7, $0xb8;
	[tilespmem:$0xD480] =	vst v63  }
0x1d5: {  	s8 =	simm.s32 $0xC00  }
0x1d6: {  	[tilespmem:s30], [sflag:$0x1] =	stream.indirect.gather [hbm4b:s6+s7], $0x10, s8, s7, $0xb8;
	[tilespmem:$0xD480] =	vst v63  }
0x1d7: {  	_ =	swait.ge [sflag:s5], $0x800  }
0x1d8: {  	[sflag:s5] =	ssyncset.done $0x0  }
0x1d9: {  	[sflag:s5] =	ssyncadd.s32 $0xFFFFF800  }
0x1da: {  	_ =	swait.ge [sflag:s5], $0x800  }
0x1db: {  	[sflag:s5] =	ssyncset.done $0x0  }
0x1dc: {  	[sflag:s5] =	ssyncadd.s32 $0xFFFFF800  }
0x1dd: {  	_ =	swait.ge [sflag:s5], $0x800  }
0x1de: {  	[sflag:s5] =	ssyncset.done $0x0  }
0x1df: {  	[sflag:s5] =	ssyncadd.s32 $0xFFFFF800  }
0x1e0: {  	_ =	swait.ge [sflag:s5], $0x800  }
0x1e1: {  	[sflag:s5] =	ssyncset.done $0x0  }
0x1e2: {  	[sflag:s5] =	ssyncadd.s32 $0xFFFFF800  }
0x1e3: {  	_ =	swait.ge [sflag:s5], $0x800  }
0x1e4: {  	[sflag:s5] =	ssyncset.done $0x0  }
0x1e5: {  	[sflag:s5] =	ssyncadd.s32 $0xFFFFF800  }
0x1e6: {  	_ =	swait.ge [sflag:s5], $0x800  }
0x1e7: {  	[sflag:s5] =	ssyncset.done $0x0  }
0x1e8: {  	[sflag:s5] =	ssyncadd.s32 $0xFFFFF800  }
0x1e9: {  	_ =	swait.ge [sflag:s5], $0x800  }
0x1ea: {  	[sflag:s5] =	ssyncset.done $0x0  }
0x1eb: {  	[sflag:s5] =	ssyncadd.s32 $0xFFFFF800  }
0x1ec: {  	_ =	swait.ge [sflag:s5], $0x800  }
0x1ed: {  	[sflag:s5] =	ssyncset.done $0x0  }
0x1ee: {  	[sflag:s5] =	ssyncadd.s32 $0xFFFFF800  }
0x1ef: {  	_ =	swait.ge [sflag:s5], $0x800  }
0x1f0: {  	[sflag:s5] =	ssyncset.done $0x0  }
0x1f1: {  	[sflag:s5] =	ssyncadd.s32 $0xFFFFF800  }
0x1f2: {  	_ =	swait.ge [sflag:s5], $0x800  }
0x1f3: {  	[sflag:s5] =	ssyncset.done $0x0  }
0x1f4: {  	[sflag:s5] =	ssyncadd.s32 $0xFFFFF800  }
0x1f5: {  	_ =	swait.ge [sflag:s5], $0x800  }
0x1f6: {  	[sflag:s5] =	ssyncset.done $0x0  }
0x1f7: {  	[sflag:s5] =	ssyncadd.s32 $0xFFFFF800  }
0x1f8: {  	_ =	swait.ge [sflag:s5], $0x800  }
0x1f9: {  	[sflag:s5] =	ssyncset.done $0x0  }
0x1fa: {  	[sflag:s5] =	ssyncadd.s32 $0xFFFFF800  }
0x1fb: {  	_ =	swait.ge [sflag:s5], $0x800  }
0x1fc: {  	[sflag:s5] =	ssyncset.done $0x0  }
0x1fd: {  	[sflag:s5] =	ssyncadd.s32 $0xFFFFF800  }
0x1fe: {  	_ =	swait.ge [sflag:s5], $0x800  }
0x1ff: {  	[sflag:s5] =	ssyncset.done $0x0  }
0x200: {  	[sflag:s5] =	ssyncadd.s32 $0xFFFFF800  }
0x201: {  	_ =	swait.ge [sflag:s5], $0x800  }
0x202: {  	[sflag:s5] =	ssyncset.done $0x0  }
0x203: {  	[sflag:s5] =	ssyncadd.s32 $0xFFFFF800  }
0x204: {  	_ =	swait.ge [sflag:s5], $0x800  }
0x205: {  	[sflag:s5] =	ssyncset.done $0x0  }
0x206: {  	[sflag:s5] =	ssyncadd.s32 $0xFFFFF800  }
0x207: {  	_ =	swait.ge [sflag:s5], $0x800  }
0x208: {  	[sflag:s5] =	ssyncset.done $0x0  }
0x209: {  	[sflag:s5] =	ssyncadd.s32 $0xFFFFF800  }
0x20a: {  	_ =	swait.ge [sflag:s5], $0x800  }
0x20b: {  	[sflag:s5] =	ssyncset.done $0x0  }
0x20c: {  	[sflag:s5] =	ssyncadd.s32 $0xFFFFF800  }
0x20d: {  	_ =	swait.ge [sflag:s5], $0x800  }
0x20e: {  	[sflag:s5] =	ssyncset.done $0x0  }
0x20f: {  	[sflag:s5] =	ssyncadd.s32 $0xFFFFF800  }
0x210: {  	_ =	swait.ge [sflag:s5], $0x800  }
0x211: {  	[sflag:s5] =	ssyncset.done $0x0  }
0x212: {  	[sflag:s5] =	ssyncadd.s32 $0xFFFFF800  }
0x213: {  	_ =	swait.ge [sflag:s5], $0x800  }
0x214: {  	[sflag:s5] =	ssyncset.done $0x0  }
0x215: {  	[sflag:s5] =	ssyncadd.s32 $0xFFFFF800  }
0x216: {  	_ =	swait.ge [sflag:s5], $0x800  }
0x217: {  	[sflag:s5] =	ssyncset.done $0x0  }
0x218: {  	[sflag:s5] =	ssyncadd.s32 $0xFFFFF800  }
0x219: {  	_ =	swait.ge [sflag:s5], $0x800  }
0x21a: {  	[sflag:s5] =	ssyncset.done $0x0  }
0x21b: {  	[sflag:s5] =	ssyncadd.s32 $0xFFFFF800  }
0x21c: {  	_ =	swait.ge [sflag:s5], $0x800  }
0x21d: {  	[sflag:s5] =	ssyncset.done $0x0  }
0x21e: {  	[sflag:s5] =	ssyncadd.s32 $0xFFFFF800  }
0x21f: {  	p1 =	sne.s32 s0, $0x1;
	_ =	swait.ge [sflag:s5], $0x800  }
.Ltmp2:
0x220: {  	s2 =	simm.s32 $0x0;
	[sflag:s5] =	ssyncset.done $0x0;
	(pc) =	sbr.rel @p1 .LBB2_3-.Ltmp2, $4  }
0x221: {  	s4 =	simm.s32 $0xC80;
	s31 =	rddreg [dreg:$0x5];
	[sflag:s5] =	ssyncadd.s32 $0xFFFFF800  }
0x222: {  	[hbm4b:s31+s2] =	stream.linear.scatter [tilespmem:s4], [sflag:$0x2], $0xC800, $0x38;
	[tilespmem:$0xD480] =	vst v63  }
0x223: {  	_ =	swait.ge [sflag:s3], $0xC800  }
0x224: {  	s0 =	sadd.s32 $0xFFFFFFFF, s0;
	s31 =	rddreg [dreg:$0x2];
	[sflag:s3] =	ssyncset.done $0x0  }
.LBB2_4:
0x225: {  	[sflag:s3] =	ssyncadd.s32 @p0 $0xFFFF3800  }
0x226: {  	[tilespmem:s2], [sflag:$0x2] =	stream.linear.gather [hbm4b:s31+s2], $0xC80, $0x38;
	[tilespmem:$0xD480] =	vst v63  }
0x227: {  	_ =	swait.ge [sflag:s3], $0xC80  }
0x228: {  	[sflag:s3] =	ssyncset.done $0x0  }
0x229: {  	[sflag:s3] =	ssyncadd.s32 $0xFFFFF380  }
0x22a: {  	[tilespmem:s4], [sflag:$0x1] =	stream.indirect.gather [hbm4b:s6+s7], $0x10, s2, s7, $0xb8;
	[tilespmem:$0xD480] =	vst v63  }
0x22b: {  	s0 =	simm.s32 $0x1480  }
0x22c: {  	[tilespmem:s0], [sflag:$0x1] =	stream.indirect.gather [hbm4b:s6+s7], $0x10, s7, s7, $0xb8;
	[tilespmem:$0xD480] =	vst v63  }
0x22d: {  	s8 =	simm.s32 $0x100;
	s1 =	simm.s32 $0x1C80  }
0x22e: {  	[tilespmem:s1], [sflag:$0x1] =	stream.indirect.gather [hbm4b:s6+s7], $0x10, s8, s7, $0xb8;
	[tilespmem:$0xD480] =	vst v63  }
0x22f: {  	s9 =	simm.s32 $0x180;
	s10 =	simm.s32 $0x2480  }
0x230: {  	[tilespmem:s10], [sflag:$0x1] =	stream.indirect.gather [hbm4b:s6+s7], $0x10, s9, s7, $0xb8;
	[tilespmem:$0xD480] =	vst v63  }
0x231: {  	s11 =	simm.s32 $0x200;
	s12 =	simm.s32 $0x2C80  }
0x232: {  	[tilespmem:s12], [sflag:$0x1] =	stream.indirect.gather [hbm4b:s6+s7], $0x10, s11, s7, $0xb8;
	[tilespmem:$0xD480] =	vst v63  }
0x233: {  	s13 =	simm.s32 $0x280;
	s14 =	simm.s32 $0x3480  }
0x234: {  	[tilespmem:s14], [sflag:$0x1] =	stream.indirect.gather [hbm4b:s6+s7], $0x10, s13, s7, $0xb8;
	[tilespmem:$0xD480] =	vst v63  }
0x235: {  	s15 =	simm.s32 $0x300;
	s16 =	simm.s32 $0x3C80  }
0x236: {  	[tilespmem:s16], [sflag:$0x1] =	stream.indirect.gather [hbm4b:s6+s7], $0x10, s15, s7, $0xb8;
	[tilespmem:$0xD480] =	vst v63  }
0x237: {  	s17 =	simm.s32 $0x380;
	s18 =	simm.s32 $0x4480  }
0x238: {  	[tilespmem:s18], [sflag:$0x1] =	stream.indirect.gather [hbm4b:s6+s7], $0x10, s17, s7, $0xb8;
	[tilespmem:$0xD480] =	vst v63  }
0x239: {  	s19 =	simm.s32 $0x400;
	s20 =	simm.s32 $0x4C80  }
0x23a: {  	[tilespmem:s20], [sflag:$0x1] =	stream.indirect.gather [hbm4b:s6+s7], $0x10, s19, s7, $0xb8;
	[tilespmem:$0xD480] =	vst v63  }
0x23b: {  	s21 =	simm.s32 $0x480;
	s22 =	simm.s32 $0x5480  }
0x23c: {  	[tilespmem:s22], [sflag:$0x1] =	stream.indirect.gather [hbm4b:s6+s7], $0x10, s21, s7, $0xb8;
	[tilespmem:$0xD480] =	vst v63  }
0x23d: {  	s23 =	simm.s32 $0x500;
	s24 =	simm.s32 $0x5C80  }
0x23e: {  	[tilespmem:s24], [sflag:$0x1] =	stream.indirect.gather [hbm4b:s6+s7], $0x10, s23, s7, $0xb8;
	[tilespmem:$0xD480] =	vst v63  }
0x23f: {  	s25 =	simm.s32 $0x580;
	s26 =	simm.s32 $0x6480  }
0x240: {  	[tilespmem:s26], [sflag:$0x1] =	stream.indirect.gather [hbm4b:s6+s7], $0x10, s25, s7, $0xb8;
	[tilespmem:$0xD480] =	vst v63  }
0x241: {  	s28 =	simm.s32 $0x600;
	s29 =	simm.s32 $0x6C80  }
0x242: {  	[tilespmem:s29], [sflag:$0x1] =	stream.indirect.gather [hbm4b:s6+s7], $0x10, s28, s7, $0xb8;
	[tilespmem:$0xD480] =	vst v63  }
0x243: {  	s30 =	simm.s32 $0x680;
	s29 =	simm.s32 $0x7480  }
0x244: {  	[tilespmem:s29], [sflag:$0x1] =	stream.indirect.gather [hbm4b:s6+s7], $0x10, s30, s7, $0xb8;
	[tilespmem:$0xD480] =	vst v63  }
0x245: {  	s26 =	simm.s32 $0x7C80;
	s30 =	simm.s32 $0x700  }
0x246: {  	[tilespmem:s26], [sflag:$0x1] =	stream.indirect.gather [hbm4b:s6+s7], $0x10, s30, s7, $0xb8;
	[tilespmem:$0xD480] =	vst v63  }
0x247: {  	s24 =	simm.s32 $0x8480;
	s28 =	simm.s32 $0x780  }
0x248: {  	[tilespmem:s24], [sflag:$0x1] =	stream.indirect.gather [hbm4b:s6+s7], $0x10, s28, s7, $0xb8;
	[tilespmem:$0xD480] =	vst v63  }
0x249: {  	s22 =	simm.s32 $0x8C80;
	s25 =	simm.s32 $0x800  }
0x24a: {  	[tilespmem:s22], [sflag:$0x1] =	stream.indirect.gather [hbm4b:s6+s7], $0x10, s25, s7, $0xb8;
	[tilespmem:$0xD480] =	vst v63  }
0x24b: {  	s20 =	simm.s32 $0x9480;
	s23 =	simm.s32 $0x880  }
0x24c: {  	[tilespmem:s20], [sflag:$0x1] =	stream.indirect.gather [hbm4b:s6+s7], $0x10, s23, s7, $0xb8;
	[tilespmem:$0xD480] =	vst v63  }
0x24d: {  	s18 =	simm.s32 $0x9C80;
	s21 =	simm.s32 $0x900  }
0x24e: {  	[tilespmem:s18], [sflag:$0x1] =	stream.indirect.gather [hbm4b:s6+s7], $0x10, s21, s7, $0xb8;
	[tilespmem:$0xD480] =	vst v63  }
0x24f: {  	s16 =	simm.s32 $0xA480;
	s19 =	simm.s32 $0x980  }
0x250: {  	[tilespmem:s16], [sflag:$0x1] =	stream.indirect.gather [hbm4b:s6+s7], $0x10, s19, s7, $0xb8;
	[tilespmem:$0xD480] =	vst v63  }
0x251: {  	s14 =	simm.s32 $0xAC80;
	s17 =	simm.s32 $0xA00  }
0x252: {  	[tilespmem:s14], [sflag:$0x1] =	stream.indirect.gather [hbm4b:s6+s7], $0x10, s17, s7, $0xb8;
	[tilespmem:$0xD480] =	vst v63  }
0x253: {  	s12 =	simm.s32 $0xB480;
	s15 =	simm.s32 $0xA80  }
0x254: {  	[tilespmem:s12], [sflag:$0x1] =	stream.indirect.gather [hbm4b:s6+s7], $0x10, s15, s7, $0xb8;
	[tilespmem:$0xD480] =	vst v63  }
0x255: {  	s10 =	simm.s32 $0xBC80;
	s13 =	simm.s32 $0xB00  }
0x256: {  	[tilespmem:s10], [sflag:$0x1] =	stream.indirect.gather [hbm4b:s6+s7], $0x10, s13, s7, $0xb8;
	[tilespmem:$0xD480] =	vst v63  }
0x257: {  	s8 =	simm.s32 $0xC480;
	s11 =	simm.s32 $0xB80  }
0x258: {  	[tilespmem:s8], [sflag:$0x1] =	stream.indirect.gather [hbm4b:s6+s7], $0x10, s11, s7, $0xb8;
	[tilespmem:$0xD480] =	vst v63  }
0x259: {  	s1 =	simm.s32 $0xCC80;
	s9 =	simm.s32 $0xC00  }
0x25a: {  	[tilespmem:s1], [sflag:$0x1] =	stream.indirect.gather [hbm4b:s6+s7], $0x10, s9, s7, $0xb8;
	[tilespmem:$0xD480] =	vst v63  }
0x25b: {  	_ =	swait.ge [sflag:s5], $0x800  }
0x25c: {  	[sflag:s5] =	ssyncset.done $0x0  }
0x25d: {  	[sflag:s5] =	ssyncadd.s32 $0xFFFFF800  }
0x25e: {  	_ =	swait.ge [sflag:s5], $0x800  }
0x25f: {  	[sflag:s5] =	ssyncset.done $0x0  }
0x260: {  	[sflag:s5] =	ssyncadd.s32 $0xFFFFF800  }
0x261: {  	_ =	swait.ge [sflag:s5], $0x800  }
0x262: {  	[sflag:s5] =	ssyncset.done $0x0  }
0x263: {  	[sflag:s5] =	ssyncadd.s32 $0xFFFFF800  }
0x264: {  	_ =	swait.ge [sflag:s5], $0x800  }
0x265: {  	[sflag:s5] =	ssyncset.done $0x0  }
0x266: {  	[sflag:s5] =	ssyncadd.s32 $0xFFFFF800  }
0x267: {  	_ =	swait.ge [sflag:s5], $0x800  }
0x268: {  	[sflag:s5] =	ssyncset.done $0x0  }
0x269: {  	[sflag:s5] =	ssyncadd.s32 $0xFFFFF800  }
0x26a: {  	_ =	swait.ge [sflag:s5], $0x800  }
0x26b: {  	[sflag:s5] =	ssyncset.done $0x0  }
0x26c: {  	[sflag:s5] =	ssyncadd.s32 $0xFFFFF800  }
0x26d: {  	_ =	swait.ge [sflag:s5], $0x800  }
0x26e: {  	[sflag:s5] =	ssyncset.done $0x0  }
0x26f: {  	[sflag:s5] =	ssyncadd.s32 $0xFFFFF800  }
0x270: {  	_ =	swait.ge [sflag:s5], $0x800  }
0x271: {  	[sflag:s5] =	ssyncset.done $0x0  }
0x272: {  	[sflag:s5] =	ssyncadd.s32 $0xFFFFF800  }
0x273: {  	_ =	swait.ge [sflag:s5], $0x800  }
0x274: {  	[sflag:s5] =	ssyncset.done $0x0  }
0x275: {  	[sflag:s5] =	ssyncadd.s32 $0xFFFFF800  }
0x276: {  	_ =	swait.ge [sflag:s5], $0x800  }
0x277: {  	[sflag:s5] =	ssyncset.done $0x0  }
0x278: {  	[sflag:s5] =	ssyncadd.s32 $0xFFFFF800  }
0x279: {  	_ =	swait.ge [sflag:s5], $0x800  }
0x27a: {  	[sflag:s5] =	ssyncset.done $0x0  }
0x27b: {  	[sflag:s5] =	ssyncadd.s32 $0xFFFFF800  }
0x27c: {  	_ =	swait.ge [sflag:s5], $0x800  }
0x27d: {  	[sflag:s5] =	ssyncset.done $0x0  }
0x27e: {  	[sflag:s5] =	ssyncadd.s32 $0xFFFFF800  }
0x27f: {  	_ =	swait.ge [sflag:s5], $0x800  }
0x280: {  	[sflag:s5] =	ssyncset.done $0x0  }
0x281: {  	[sflag:s5] =	ssyncadd.s32 $0xFFFFF800  }
0x282: {  	_ =	swait.ge [sflag:s5], $0x800  }
0x283: {  	[sflag:s5] =	ssyncset.done $0x0  }
0x284: {  	[sflag:s5] =	ssyncadd.s32 $0xFFFFF800  }
0x285: {  	_ =	swait.ge [sflag:s5], $0x800  }
0x286: {  	[sflag:s5] =	ssyncset.done $0x0  }
0x287: {  	[sflag:s5] =	ssyncadd.s32 $0xFFFFF800  }
0x288: {  	_ =	swait.ge [sflag:s5], $0x800  }
0x289: {  	[sflag:s5] =	ssyncset.done $0x0  }
0x28a: {  	[sflag:s5] =	ssyncadd.s32 $0xFFFFF800  }
0x28b: {  	_ =	swait.ge [sflag:s5], $0x800  }
0x28c: {  	[sflag:s5] =	ssyncset.done $0x0  }
0x28d: {  	[sflag:s5] =	ssyncadd.s32 $0xFFFFF800  }
0x28e: {  	_ =	swait.ge [sflag:s5], $0x800  }
0x28f: {  	[sflag:s5] =	ssyncset.done $0x0  }
0x290: {  	[sflag:s5] =	ssyncadd.s32 $0xFFFFF800  }
0x291: {  	_ =	swait.ge [sflag:s5], $0x800  }
0x292: {  	[sflag:s5] =	ssyncset.done $0x0  }
0x293: {  	[sflag:s5] =	ssyncadd.s32 $0xFFFFF800  }
0x294: {  	_ =	swait.ge [sflag:s5], $0x800  }
0x295: {  	[sflag:s5] =	ssyncset.done $0x0  }
0x296: {  	[sflag:s5] =	ssyncadd.s32 $0xFFFFF800  }
0x297: {  	_ =	swait.ge [sflag:s5], $0x800  }
0x298: {  	[sflag:s5] =	ssyncset.done $0x0  }
0x299: {  	[sflag:s5] =	ssyncadd.s32 $0xFFFFF800  }
0x29a: {  	_ =	swait.ge [sflag:s5], $0x800  }
0x29b: {  	[sflag:s5] =	ssyncset.done $0x0  }
0x29c: {  	[sflag:s5] =	ssyncadd.s32 $0xFFFFF800  }
0x29d: {  	_ =	swait.ge [sflag:s5], $0x800  }
0x29e: {  	[sflag:s5] =	ssyncset.done $0x0  }
0x29f: {  	[sflag:s5] =	ssyncadd.s32 $0xFFFFF800  }
0x2a0: {  	_ =	swait.ge [sflag:s5], $0x800  }
0x2a1: {  	[sflag:s5] =	ssyncset.done $0x0  }
0x2a2: {  	[sflag:s5] =	ssyncadd.s32 $0xFFFFF800  }
0x2a3: {  	_ =	swait.ge [sflag:s5], $0x800  }
0x2a4: {  	[sflag:s5] =	ssyncset.done $0x0  }
0x2a5: {  	s31 =	rddreg [dreg:$0x3];
	[sflag:s5] =	ssyncadd.s32 $0xFFFFF800  }
0x2a6: {  	[hbm4b:s31+s2] =	stream.linear.scatter [tilespmem:s4], [sflag:$0x2], $0xC800, $0x38;
	[tilespmem:$0xD480] =	vst v63  }
0x2a7: {  	_ =	swait.ge [sflag:s3], $0xC800  }
0x2a8: {  	[sflag:s3] =	ssyncset.done $0x0  }
0x2a9: {  	s31 =	rddreg [dreg:$0x4];
	[sflag:s3] =	ssyncadd.s32 $0xFFFF3800  }
0x2aa: {  	[tilespmem:s2], [sflag:$0x2] =	stream.linear.gather [hbm4b:s31+s2], $0xC80, $0x38;
	[tilespmem:$0xD480] =	vst v63  }
0x2ab: {  	_ =	swait.ge [sflag:s3], $0xC80  }
0x2ac: {  	[sflag:s3] =	ssyncset.done $0x0  }
0x2ad: {  	[sflag:s3] =	ssyncadd.s32 $0xFFFFF380  }
0x2ae: {  	[tilespmem:s4], [sflag:$0x1] =	stream.indirect.gather [hbm4b:s6+s7], $0x10, s2, s7, $0xb8;
	[tilespmem:$0xD480] =	vst v63  }
0x2af: {  	s31 =	simm.s32 $0x1480  }
0x2b0: {  	[tilespmem:s31], [sflag:$0x1] =	stream.indirect.gather [hbm4b:s6+s7], $0x10, s7, s7, $0xb8;
	[tilespmem:$0xD480] =	vst v63  }
0x2b1: {  	s0 =	simm.s32 $0x100;
	s31 =	simm.s32 $0x1C80  }
0x2b2: {  	[tilespmem:s31], [sflag:$0x1] =	stream.indirect.gather [hbm4b:s6+s7], $0x10, s0, s7, $0xb8;
	[tilespmem:$0xD480] =	vst v63  }
0x2b3: {  	s0 =	simm.s32 $0x180;
	s31 =	simm.s32 $0x2480  }
0x2b4: {  	[tilespmem:s31], [sflag:$0x1] =	stream.indirect.gather [hbm4b:s6+s7], $0x10, s0, s7, $0xb8;
	[tilespmem:$0xD480] =	vst v63  }
0x2b5: {  	s0 =	simm.s32 $0x200;
	s31 =	simm.s32 $0x2C80  }
0x2b6: {  	[tilespmem:s31], [sflag:$0x1] =	stream.indirect.gather [hbm4b:s6+s7], $0x10, s0, s7, $0xb8;
	[tilespmem:$0xD480] =	vst v63  }
0x2b7: {  	s0 =	simm.s32 $0x280;
	s31 =	simm.s32 $0x3480  }
0x2b8: {  	[tilespmem:s31], [sflag:$0x1] =	stream.indirect.gather [hbm4b:s6+s7], $0x10, s0, s7, $0xb8;
	[tilespmem:$0xD480] =	vst v63  }
0x2b9: {  	s0 =	simm.s32 $0x300;
	s31 =	simm.s32 $0x3C80  }
0x2ba: {  	[tilespmem:s31], [sflag:$0x1] =	stream.indirect.gather [hbm4b:s6+s7], $0x10, s0, s7, $0xb8;
	[tilespmem:$0xD480] =	vst v63  }
0x2bb: {  	s0 =	simm.s32 $0x380;
	s31 =	simm.s32 $0x4480  }
0x2bc: {  	[tilespmem:s31], [sflag:$0x1] =	stream.indirect.gather [hbm4b:s6+s7], $0x10, s0, s7, $0xb8;
	[tilespmem:$0xD480] =	vst v63  }
0x2bd: {  	s0 =	simm.s32 $0x400;
	s31 =	simm.s32 $0x4C80  }
0x2be: {  	[tilespmem:s31], [sflag:$0x1] =	stream.indirect.gather [hbm4b:s6+s7], $0x10, s0, s7, $0xb8;
	[tilespmem:$0xD480] =	vst v63  }
0x2bf: {  	s0 =	simm.s32 $0x480;
	s31 =	simm.s32 $0x5480  }
0x2c0: {  	[tilespmem:s31], [sflag:$0x1] =	stream.indirect.gather [hbm4b:s6+s7], $0x10, s0, s7, $0xb8;
	[tilespmem:$0xD480] =	vst v63  }
0x2c1: {  	s0 =	simm.s32 $0x500;
	s31 =	simm.s32 $0x5C80  }
0x2c2: {  	[tilespmem:s31], [sflag:$0x1] =	stream.indirect.gather [hbm4b:s6+s7], $0x10, s0, s7, $0xb8;
	[tilespmem:$0xD480] =	vst v63  }
0x2c3: {  	s0 =	simm.s32 $0x580;
	s31 =	simm.s32 $0x6480  }
0x2c4: {  	[tilespmem:s31], [sflag:$0x1] =	stream.indirect.gather [hbm4b:s6+s7], $0x10, s0, s7, $0xb8;
	[tilespmem:$0xD480] =	vst v63  }
0x2c5: {  	s0 =	simm.s32 $0x600;
	s31 =	simm.s32 $0x6C80  }
0x2c6: {  	[tilespmem:s31], [sflag:$0x1] =	stream.indirect.gather [hbm4b:s6+s7], $0x10, s0, s7, $0xb8;
	[tilespmem:$0xD480] =	vst v63  }
0x2c7: {  	s31 =	simm.s32 $0x680  }
0x2c8: {  	[tilespmem:s29], [sflag:$0x1] =	stream.indirect.gather [hbm4b:s6+s7], $0x10, s31, s7, $0xb8;
	[tilespmem:$0xD480] =	vst v63  }
0x2c9: {  	_ = 	snop  }
0x2ca: {  	[tilespmem:s26], [sflag:$0x1] =	stream.indirect.gather [hbm4b:s6+s7], $0x10, s30, s7, $0xb8;
	[tilespmem:$0xD480] =	vst v63  }
0x2cb: {  	_ = 	snop  }
0x2cc: {  	[tilespmem:s24], [sflag:$0x1] =	stream.indirect.gather [hbm4b:s6+s7], $0x10, s28, s7, $0xb8;
	[tilespmem:$0xD480] =	vst v63  }
0x2cd: {  	_ = 	snop  }
0x2ce: {  	[tilespmem:s22], [sflag:$0x1] =	stream.indirect.gather [hbm4b:s6+s7], $0x10, s25, s7, $0xb8;
	[tilespmem:$0xD480] =	vst v63  }
0x2cf: {  	_ = 	snop  }
0x2d0: {  	[tilespmem:s20], [sflag:$0x1] =	stream.indirect.gather [hbm4b:s6+s7], $0x10, s23, s7, $0xb8;
	[tilespmem:$0xD480] =	vst v63  }
0x2d1: {  	_ = 	snop  }
0x2d2: {  	[tilespmem:s18], [sflag:$0x1] =	stream.indirect.gather [hbm4b:s6+s7], $0x10, s21, s7, $0xb8;
	[tilespmem:$0xD480] =	vst v63  }
0x2d3: {  	_ = 	snop  }
0x2d4: {  	[tilespmem:s16], [sflag:$0x1] =	stream.indirect.gather [hbm4b:s6+s7], $0x10, s19, s7, $0xb8;
	[tilespmem:$0xD480] =	vst v63  }
0x2d5: {  	_ = 	snop  }
0x2d6: {  	[tilespmem:s14], [sflag:$0x1] =	stream.indirect.gather [hbm4b:s6+s7], $0x10, s17, s7, $0xb8;
	[tilespmem:$0xD480] =	vst v63  }
0x2d7: {  	_ = 	snop  }
0x2d8: {  	[tilespmem:s12], [sflag:$0x1] =	stream.indirect.gather [hbm4b:s6+s7], $0x10, s15, s7, $0xb8;
	[tilespmem:$0xD480] =	vst v63  }
0x2d9: {  	_ = 	snop  }
0x2da: {  	[tilespmem:s10], [sflag:$0x1] =	stream.indirect.gather [hbm4b:s6+s7], $0x10, s13, s7, $0xb8;
	[tilespmem:$0xD480] =	vst v63  }
0x2db: {  	_ = 	snop  }
0x2dc: {  	[tilespmem:s8], [sflag:$0x1] =	stream.indirect.gather [hbm4b:s6+s7], $0x10, s11, s7, $0xb8;
	[tilespmem:$0xD480] =	vst v63  }
0x2dd: {  	_ = 	snop  }
0x2de: {  	[tilespmem:s1], [sflag:$0x1] =	stream.indirect.gather [hbm4b:s6+s7], $0x10, s9, s7, $0xb8;
	[tilespmem:$0xD480] =	vst v63  }
0x2df: {  	_ =	swait.ge [sflag:s5], $0x800  }
0x2e0: {  	[sflag:s5] =	ssyncset.done $0x0  }
0x2e1: {  	[sflag:s5] =	ssyncadd.s32 $0xFFFFF800  }
0x2e2: {  	_ =	swait.ge [sflag:s5], $0x800  }
0x2e3: {  	[sflag:s5] =	ssyncset.done $0x0  }
0x2e4: {  	[sflag:s5] =	ssyncadd.s32 $0xFFFFF800  }
0x2e5: {  	_ =	swait.ge [sflag:s5], $0x800  }
0x2e6: {  	[sflag:s5] =	ssyncset.done $0x0  }
0x2e7: {  	[sflag:s5] =	ssyncadd.s32 $0xFFFFF800  }
0x2e8: {  	_ =	swait.ge [sflag:s5], $0x800  }
0x2e9: {  	[sflag:s5] =	ssyncset.done $0x0  }
0x2ea: {  	[sflag:s5] =	ssyncadd.s32 $0xFFFFF800  }
0x2eb: {  	_ =	swait.ge [sflag:s5], $0x800  }
0x2ec: {  	[sflag:s5] =	ssyncset.done $0x0  }
0x2ed: {  	[sflag:s5] =	ssyncadd.s32 $0xFFFFF800  }
0x2ee: {  	_ =	swait.ge [sflag:s5], $0x800  }
0x2ef: {  	[sflag:s5] =	ssyncset.done $0x0  }
0x2f0: {  	[sflag:s5] =	ssyncadd.s32 $0xFFFFF800  }
0x2f1: {  	_ =	swait.ge [sflag:s5], $0x800  }
0x2f2: {  	[sflag:s5] =	ssyncset.done $0x0  }
0x2f3: {  	[sflag:s5] =	ssyncadd.s32 $0xFFFFF800  }
0x2f4: {  	_ =	swait.ge [sflag:s5], $0x800  }
0x2f5: {  	[sflag:s5] =	ssyncset.done $0x0  }
0x2f6: {  	[sflag:s5] =	ssyncadd.s32 $0xFFFFF800  }
0x2f7: {  	_ =	swait.ge [sflag:s5], $0x800  }
0x2f8: {  	[sflag:s5] =	ssyncset.done $0x0  }
0x2f9: {  	[sflag:s5] =	ssyncadd.s32 $0xFFFFF800  }
0x2fa: {  	_ =	swait.ge [sflag:s5], $0x800  }
0x2fb: {  	[sflag:s5] =	ssyncset.done $0x0  }
0x2fc: {  	[sflag:s5] =	ssyncadd.s32 $0xFFFFF800  }
0x2fd: {  	_ =	swait.ge [sflag:s5], $0x800  }
0x2fe: {  	[sflag:s5] =	ssyncset.done $0x0  }
0x2ff: {  	[sflag:s5] =	ssyncadd.s32 $0xFFFFF800  }
0x300: {  	_ =	swait.ge [sflag:s5], $0x800  }
0x301: {  	[sflag:s5] =	ssyncset.done $0x0  }
0x302: {  	[sflag:s5] =	ssyncadd.s32 $0xFFFFF800  }
0x303: {  	_ =	swait.ge [sflag:s5], $0x800  }
0x304: {  	[sflag:s5] =	ssyncset.done $0x0  }
0x305: {  	[sflag:s5] =	ssyncadd.s32 $0xFFFFF800  }
0x306: {  	_ =	swait.ge [sflag:s5], $0x800  }
0x307: {  	[sflag:s5] =	ssyncset.done $0x0  }
0x308: {  	[sflag:s5] =	ssyncadd.s32 $0xFFFFF800  }
0x309: {  	_ =	swait.ge [sflag:s5], $0x800  }
0x30a: {  	[sflag:s5] =	ssyncset.done $0x0  }
0x30b: {  	[sflag:s5] =	ssyncadd.s32 $0xFFFFF800  }
0x30c: {  	_ =	swait.ge [sflag:s5], $0x800  }
0x30d: {  	[sflag:s5] =	ssyncset.done $0x0  }
0x30e: {  	[sflag:s5] =	ssyncadd.s32 $0xFFFFF800  }
0x30f: {  	_ =	swait.ge [sflag:s5], $0x800  }
0x310: {  	[sflag:s5] =	ssyncset.done $0x0  }
0x311: {  	[sflag:s5] =	ssyncadd.s32 $0xFFFFF800  }
0x312: {  	_ =	swait.ge [sflag:s5], $0x800  }
0x313: {  	[sflag:s5] =	ssyncset.done $0x0  }
0x314: {  	[sflag:s5] =	ssyncadd.s32 $0xFFFFF800  }
0x315: {  	_ =	swait.ge [sflag:s5], $0x800  }
0x316: {  	[sflag:s5] =	ssyncset.done $0x0  }
0x317: {  	[sflag:s5] =	ssyncadd.s32 $0xFFFFF800  }
0x318: {  	_ =	swait.ge [sflag:s5], $0x800  }
0x319: {  	[sflag:s5] =	ssyncset.done $0x0  }
0x31a: {  	[sflag:s5] =	ssyncadd.s32 $0xFFFFF800  }
0x31b: {  	_ =	swait.ge [sflag:s5], $0x800  }
0x31c: {  	[sflag:s5] =	ssyncset.done $0x0  }
0x31d: {  	[sflag:s5] =	ssyncadd.s32 $0xFFFFF800  }
0x31e: {  	_ =	swait.ge [sflag:s5], $0x800  }
0x31f: {  	[sflag:s5] =	ssyncset.done $0x0  }
0x320: {  	[sflag:s5] =	ssyncadd.s32 $0xFFFFF800  }
0x321: {  	_ =	swait.ge [sflag:s5], $0x800  }
0x322: {  	[sflag:s5] =	ssyncset.done $0x0  }
0x323: {  	[sflag:s5] =	ssyncadd.s32 $0xFFFFF800  }
0x324: {  	_ =	swait.ge [sflag:s5], $0x800  }
0x325: {  	[sflag:s5] =	ssyncset.done $0x0  }
0x326: {  	[sflag:s5] =	ssyncadd.s32 $0xFFFFF800  }
0x327: {  	_ =	swait.ge [sflag:s5], $0x800  }
0x328: {  	[sflag:s5] =	ssyncset.done $0x0  }
0x329: {  	s30 =	rddreg [dreg:$0x5];
	[sflag:s5] =	ssyncadd.s32 $0xFFFFF800  }
0x32a: {  	[hbm4b:s30+s2] =	stream.linear.scatter [tilespmem:s4], [sflag:$0x2], $0xC800, $0x38;
	[tilespmem:$0xD480] =	vst v63  }
0x32b: {  	_ =	swait.ge [sflag:s3], $0xC800  }
0x32c: {  	[sflag:s3] =	ssyncset.done $0x0  }
0x32d: {  	[sflag:s3] =	ssyncadd.s32 $0xFFFF3800  }
0x32e: {  	_ =	sfence.sel $0x180000  }
0x32f: {  	[bflag:$0x0] =	sbarrier.arrive $0xFFFF  }
0x330: {  	_ =	strace $0x9000004A  }
0x331: {  	s31 =	stileid.u32;
	[bflag:$0x2] =	sbarrier.arrive $0xFFFF  }
0x332: {  	p0 =	sne.s32 s31, $0x0;
	s0 =	rddreg [dreg:$0x1]  }
0x333: {  	s0 =	sadd.s32 @!p0 $0x100000, s0  }
0x334: {  	[sflag:s0] =	ssyncadd.tile.s32 @!p0 $0x1;
	_ =	shalt  }
.Lfunc_end2:
_tile_overlayer_lowered:
.L_overlay_start_2:
0x335: {  	(tag) =	ssettag $0x2  }
0x336: {  	s0 =	rddreg [dreg:$0x0];
	s2 =	stileid.u32  }
0x337: {  	s1 =	rddreg [dreg:$0x1];
	p0 =	sne.s32 s2, $0x0  }
0x338: {  	s3 =	rddreg [dreg:$0x2];
	[bflag:$0x3] =	sbarrier.arrive $0xFFFF;
	s2 =	simm.s32 @!p0 $0x1C02  }
0x339: {  	[timem:s3], [sflag:s2] =	dma.local @!p0 [hbm:s0], s1  }
0x33a: {  	s0 =	simm.s32 @!p0 $0x2  }
0x33b: {  	_ =	swait.ge @!p0 [sflag:s0], s1  }
0x33c: {  	s1 =	ssub.s32 @!p0 $0x0, s1;
	[sflag:s0] =	ssyncset.done @!p0 $0x0  }
0x33d: {  	[sflag:s0] =	ssyncadd.s32 @!p0 s1  }
0x33e: {  	[bflag:$0x3] =	sbarrier.arrive $0xFFFF  }
0x33f: {  	_ =	shalt  }

// kernel: kernel.8.cloned.1.call-start
scs
__scs_entry_jumppad:
0x0: {  	(pc) =	sbr.rel $0x88, $3  }
0x1: {  	(tag) =	ssettag $0x0;
	lr =	simm.s32 $0x1  }
0x2: {  	[smem:$0x3F9D] =	sst lr;
	_ =	strace $0xD0000000  }
0x3: {  	_ = 	snop  }
0x4: {  	_ = 	snop  }
0x5: {  	_ = 	snop  }
0x6: {  	_ = 	snop  }
0x7: {  	_ = 	snop  }
__scs_overlays_trampoline_lowered:
0x8: {  	[smem:$0x3FAC] =	sst s0  }
0x9: {  	[smem:$0x3FAD] =	sst s1  }
0xa: {  	[smem:$0x3FAE] =	sst s2  }
0xb: {  	[smem:$0x3FAF] =	sst s3  }
0xc: {  	[smem:$0x3FB0] =	sst s4  }
0xd: {  	[smem:$0x3FB1] =	sst s5  }
0xe: {  	[smem:$0x3FB2] =	sst s6  }
0xf: {  	[smem:$0x3FB3] =	sst s7  }
0x10: {  	[smem:$0x3FB4] =	sst s8  }
0x11: {  	[smem:$0x3FB5] =	sst s9;
	s0 =	simm.s32 @!p0 $0x0  }
0x12: {  	s1 =	sld [smem:$0x3F9B];
	s0 =	simm.s32 @p0 $0x1  }
0x13: {  	[smem:$0x3FB6] =	sst s0;
	s0 =	simm.s32 @!p1 $0x0  }
0x14: {  	s2 =	sld [smem:$0x3F9A];
	s0 =	simm.s32 @p1 $0x1  }
0x15: {  	[smem:$0x3FB7] =	sst s0;
	s0 =	simm.s32 @!p2 $0x0  }
0x16: {  	s3 =	sld [smem:$0x3FDB];
	s0 =	simm.s32 @p2 $0x1  }
0x17: {  	s4 =	simm.s32 $0x1BF5;
	[smem:$0x3FB9] =	sst s0  }
0x18: {  	s0 =	sld [smem:$0x3F9C];
	_ =	swait.ge [sflag:s4], $0x0  }
0x19: {  	s7 =	sld [smem:$0x3F9D]  }
0x1a: {  	s8 =	sadd.s32 $0xFFFFE003, lr  }
0x1b: {  	s9 =	sadd.s32 $0xFFFFFEF7, lr;
	s5 =	simm.s32 $0xFFFFFFFF;
	p2 =	slt.u32 s8, $0xFFFFF086  }
0x1c: {  	p1 =	slt.u32 s9, $0xF7A;
	s5 =	simm.s32 @!p2 $0x0  }
0x1d: {  	s5 =	simm.s32 @p1 $0x1;
	p0 =	seq.s32 s7, s2  }
0x1e: {  	s7 =	smul.u32 @!p0 $0xF7A, s2;
	p2 =	seq.s32 @!p0 s5, $0x0  }
0x1f: {  	s9 =	smul.u32 $0xF7A, s1;
	s8 =	simm.s32 @!p0 $0x1BF5;
	p2 =	por !p2, p0  }
0x20: {  	[sflag:s8] =	ssyncset.s32 @!p0 $0xFFFFF086;
	s6 =	sadd.s32 @!p0 s3, s7;
	s7 =	simm.s32 @!p0 $0x108  }
0x21: {  	s3 =	sadd.s32 s3, s9;
	s6 =	sadd.s32 @!p0 $0x88, s6;
	s7 =	simm.s32 @p2 $0x1082  }
0x22: {  	[simem:s7], [sflag:s8] =	dma.local @!p0 [hbm:s6], $0xF7A  }
0x23: {  	s9 =	sor.u32 $0xD0000000, s2;
	s6 =	simm.s32 $0x108;
	_ =	swait.ge @!p0 [sflag:s8], $0x0  }
0x24: {  	s3 =	sadd.s32 $0x88, s3;
	s6 =	simm.s32 @!p1 $0x1082;
	[sflag:s4] =	ssyncset.s32 $0xFFFFF086  }
0x25: {  	[simem:s6], [sflag:s4] =	dma.local [hbm:s3], $0xF7A  }
0x26: {  	[smem:$0x3F9D] =	sst s1;
	(tag) =	ssettag s2;
	_ =	strace s9  }
0x27: {  	s1 =	sld [smem:$0x3FAD]  }
0x28: {  	s2 =	sld [smem:$0x3FAE]  }
0x29: {  	s4 =	sld [smem:$0x3FB0]  }
0x2a: {  	p0 =	seq.s32 s5, $0x0;
	s5 =	sld [smem:$0x3FB1]  }
0x2b: {  	s6 =	sld [smem:$0x3FB2]  }
0x2c: {  	s7 =	sld [smem:$0x3FB3]  }
0x2d: {  	s3 =	simm.s32 $0x108;
	s8 =	sld [smem:$0x3FB4]  }
0x2e: {  	s3 =	simm.s32 @!p0 $0x1082;
	s9 =	sld [smem:$0x3FB5]  }
0x2f: {  	lr =	sadd.s32 s0, s3;
	s0 =	sld [smem:$0x3FAC]  }
0x30: {  	s3 =	sld [smem:$0x3FAF]  }
0x31: {  	[smem:$0x3FB8] =	sst s10  }
0x32: {  	s10 =	sld [smem:$0x3FB6];
	_ =	sdelay $0x3  }
0x33: {  	p0 =	seq.s32 s10, $0x1;
	s10 =	sld [smem:$0x3FB8];
	_ =	sdelay $0x3  }
0x34: {  	[smem:$0x3FB8] =	sst s10  }
0x35: {  	s10 =	sld [smem:$0x3FB7];
	_ =	sdelay $0x3  }
0x36: {  	p1 =	seq.s32 s10, $0x1;
	s10 =	sld [smem:$0x3FB8];
	_ =	sdelay $0x3  }
0x37: {  	[smem:$0x3FB8] =	sst s10  }
0x38: {  	s10 =	sld [smem:$0x3FB9]  }
0x39: {  	_ = 	snop;
	(pc) =	sbr.ind lr, $3  }
0x3a: {  	_ = 	snop  }
0x3b: {  	_ = 	snop  }
0x3c: {  	p2 =	seq.s32 s10, $0x1;
	s10 =	sld [smem:$0x3FB8]  }
0x3d: {  	_ =	shalt  }
0x3e: {  	_ =	shalt  }
0x3f: {  	_ =	shalt  }
0x40: {  	_ =	shalt  }
0x41: {  	_ =	shalt  }
0x42: {  	_ =	shalt  }
0x43: {  	_ =	shalt  }
0x44: {  	_ =	shalt  }
0x45: {  	_ =	shalt  }
0x46: {  	_ =	shalt  }
0x47: {  	_ =	shalt  }
0x48: {  	_ =	shalt  }
0x49: {  	_ =	shalt  }
0x4a: {  	_ =	shalt  }
0x4b: {  	_ =	shalt  }
0x4c: {  	_ =	shalt  }
0x4d: {  	_ =	shalt  }
0x4e: {  	_ =	shalt  }
0x4f: {  	_ =	shalt  }
0x50: {  	_ =	shalt  }
0x51: {  	_ =	shalt  }
0x52: {  	_ =	shalt  }
0x53: {  	_ =	shalt  }
0x54: {  	_ =	shalt  }
0x55: {  	_ =	shalt  }
0x56: {  	_ =	shalt  }
0x57: {  	_ =	shalt  }
0x58: {  	_ =	shalt  }
0x59: {  	_ =	shalt  }
0x5a: {  	_ =	shalt  }
0x5b: {  	_ =	shalt  }
0x5c: {  	_ =	shalt  }
0x5d: {  	_ =	shalt  }
0x5e: {  	_ =	shalt  }
0x5f: {  	_ =	shalt  }
0x60: {  	_ =	shalt  }
0x61: {  	_ =	shalt  }
0x62: {  	_ =	shalt  }
0x63: {  	_ =	shalt  }
0x64: {  	_ =	shalt  }
0x65: {  	_ =	shalt  }
0x66: {  	_ =	shalt  }
0x67: {  	_ =	shalt  }
0x68: {  	_ =	shalt  }
0x69: {  	_ =	shalt  }
0x6a: {  	_ =	shalt  }
0x6b: {  	_ =	shalt  }
0x6c: {  	_ =	shalt  }
0x6d: {  	_ =	shalt  }
0x6e: {  	_ =	shalt  }
0x6f: {  	_ =	shalt  }
0x70: {  	_ =	shalt  }
0x71: {  	_ =	shalt  }
0x72: {  	_ =	shalt  }
0x73: {  	_ =	shalt  }
0x74: {  	_ =	shalt  }
0x75: {  	_ =	shalt  }
0x76: {  	_ =	shalt  }
0x77: {  	_ =	shalt  }
0x78: {  	_ =	shalt  }
0x79: {  	_ =	shalt  }
0x7a: {  	_ =	shalt  }
0x7b: {  	_ =	shalt  }
0x7c: {  	_ =	shalt  }
0x7d: {  	_ =	shalt  }
0x7e: {  	_ =	shalt  }
0x7f: {  	_ =	shalt  }
0x80: {  	_ =	shalt  }
0x81: {  	_ =	shalt  }
0x82: {  	_ =	shalt  }
0x83: {  	_ =	shalt  }
0x84: {  	_ =	shalt  }
0x85: {  	_ =	shalt  }
0x86: {  	_ =	shalt  }
0x87: {  	_ =	shalt  }
.Lfunc_end0:
.L_simem_size_0:
called_computation.2_lowered:
.L_overlay_start_0:
0x88: {  	s2 =	sld [smem:$0x3FD9]  }
0x89: {  	s3 =	sld [smem:$0x3FFE];
	_ =	sdelay $0x1  }
0x8a: {  	s1 =	srdreg.scid  }
0x8b: {  	s0 =	sand.u32 $0x1, s1  }
0x8c: {  	s17 =	sshll.u32 s0, $0xA;
	s2 =	sadd.s32 s3, s2  }
0x8d: {  	s2 =	sadd.s32 s2, s17  }
0x8e: {  	[smem:$0x3FC4] =	sst s2  }
0x8f: {  	_ = 	snop  }
0x90: {  	s2 =	sld [smem:$0x3FD0];
	(tm) =	ssettm $0x1  }
0x91: {  	s18 =	sld [smem:$0x3FFB];
	_ =	sdelay $0x3  }
0x92: {  	_ =	strace s18  }
0x93: {  	s3 =	sld [smem:$0x3FFC];
	_ =	sdelay $0x3  }
0x94: {  	_ =	strace s3  }
0x95: {  	s3 =	sld [smem:$0x3FFD];
	_ =	sdelay $0x3  }
0x96: {  	_ =	strace s3  }
0x97: {  	_ =	strace $0x8FFFFFFF  }
0x98: {  	s19 =	sld [smem:$0x3FDB];
	_ =	sdelay $0x1  }
0x99: {  	s4 =	simm.s32 $_scs_section_size  }
0x9a: {  	s5 =	simm.s32 $_size__tile_overlayer_lowered;
	s6 =	simm.s32 $_tile_overlayer_lowered  }
0x9b: {  	s22 =	simm.s32 $0x1BFF;
	s21 =	sshll.u32 s6, $0x1;
	s3 =	sadd.s32 s4, s19  }
0x9c: {  	s7 =	simm.s32 $0x0;
	s20 =	sshll.u32 s5, $0x1;
	s5 =	sadd.s32 s21, s3  }
0x9d: {  	[timem:s7], [sflag:s22] =	dma.local [hbm:s5], s20  }
0x9e: {  	_ =	swait.ge [sflag:s22], s20  }
0x9f: {  	s4 =	ssub.s32 $0x0, s20;
	[sflag:s22] =	ssyncset.done $0x0  }
0xa0: {  	[sflag:s22] =	ssyncadd.s32 s4;
	_ =	sdelay $0x1  }
0xa1: {  	s23 =	simm.s32 $0x1B8B  }
0xa2: {  	_ =	swait.ge [sflag:s23], $0x1  }
0xa3: {  	[sflag:s23] =	ssyncset.done $0x0  }
0xa4: {  	s25 =	simm.s32 $0x1B8E;
	s24 =	sld [smem:$0x3FFE];
	[sflag:s23] =	ssyncadd.s32 $0xFFFFFFFF  }
0xa5: {  	s26 =	simm.s32 $execute0_lowered;
	[smem:$0x3FD2] =	sst s25  }
0xa6: {  	s5 =	sshll.u32 s26, $0x1;
	_ =	strace $0x8000004C;
	[dreg:$0x1] =	wrdreg $0xFFFFFFFF  }
0xa7: {  	s28 =	simm.s32 $_size_execute0_lowered;
	s3 =	sadd.s32 s3, s5;
	[dreg:$0x0] =	wrdreg $0x0  }
0xa8: {  	s5 =	sshll.u32 s28, $0x1;
	[dreg:$0x2] =	wrdreg s3  }
0xa9: {  	[dreg:$0x3] =	wrdreg s5  }
0xaa: {  	[dreg:$0x4] =	wrdreg $0xC0  }
0xab: {  	_ =	task [dreg:s7], $0x5FFFF  }
0xac: {  	[dreg:$0x1] =	wrdreg $0xFFFFFFFF  }
0xad: {  	[dreg:$0x0] =	wrdreg $0x60  }
0xae: {  	[dreg:$0x2] =	wrdreg s2  }
0xaf: {  	[dreg:$0x3] =	wrdreg s24  }
0xb0: {  	[dreg:$0x4] =	wrdreg $0x9  }
0xb1: {  	_ =	task.clear_ibuf [dreg:s7], $0x5FFFF;
	_ =	strace $0x9000004C  }
0xb2: {  	s29 =	simm.s32 $0x9;
	_ =	strace $0x8000004E  }
0xb3: {  	_ =	swait.ge [sflag:s29], $0x1  }
0xb4: {  	[sflag:s29] =	ssyncadd.s32 $0xFFFFFFFF  }
0xb5: {  	_ =	strace $0x9000004E  }
0xb6: {  	_ =	sfence  }
0xb7: {  	s30 =	sld [smem:$0x0];
	_ =	sdelay $0x2  }
0xb8: {  	s31 =	sshll.u32 s1, $0xD;
	s1 =	sshrl.u32 s1, $0x2  }
0xb9: {  	s3 =	sand.u32 $0x4000, s31;
	s1 =	sadd.s32 s1, s30  }
0xba: {  	s0 =	sor.u32 s3, s0;
	s1 =	sshll.u32 s1, $0x11  }
0xbb: {  	s0 =	sor.u32 s1, s0  }
0xbc: {  	s0 =	sadd.s32 $0x8F2B, s0  }
0xbd: {  	[sflag:s0] =	ssyncadd.remote.s32 $0x1  }
0xbe: {  	_ =	sfence.sel $0xFFFF  }
0xbf: {  	[dreg:$0x0] =	wrdreg $0xFFFFFFFF;
	(pc) =	sbr.abs _section_cstart, $3  }
0xc0: {  	[dreg:$0x1] =	wrdreg $0xFFFFFFFF  }
0xc1: {  	_ =	task.clear_ibuf [dreg:s7], $0x2FFFF;
	_ =	strace $0x9FFFFFFF  }
0xc2: {  	(tm) =	ssettm $0x7FFFFFFF  }
0xc3: {  	_ =	shalt  }
tec
execute0_lowered:
.L_overlay_start_1:
0x0: {  	(tag) =	ssettag $0x1  }
0x1: {  	s9 =	rddreg [dreg:$0x0]  }
0x2: {  	s0 =	rddreg [dreg:$0x1];
	s2 =	simm.s32 $0x0  }
0x3: {  	s17 =	srdreg.scid;
	s10 =	stileid.u32;
	s30 =	simm.s32 $0x8580  }
0x4: {  	s31 =	simm.s32 $0x8D80;
	s14 =	simm.s32 $0xA580;
	s16 =	simm.s32 $0xAD80  }
0x5: {  	s11 =	simm.s32 $0xE580;
	s12 =	simm.s32 $0xED80;
	s13 =	simm.s32 $0xF580  }
0x6: {  	[smem:$0x7FF] =	sst s2;
	s1 =	sadd.s32 $0x600, s0;
	s3 =	sadd.s32 $0x6800, s0  }
0x7: {  	s4 =	sadd.s32 $0x800, s0;
	s18 =	sadd.s32 $0x2200, s0;
	s7 =	sadd.s32 $0x585AE00, s0  }
0x8: {  	s6 =	sshll.u32 s10, $0x1;
	_ =	strace $0x8000004D;
	[dreg:$0x3] =	wrdreg s1  }
0x9: {  	s8 =	sadd.s32 $0xCC00, s0;
	s23 =	sshll.u32 s10, $0x4;
	[dreg:$0x4] =	wrdreg s4  }
0xa: {  	s10 =	simm.s32 $0xDD80;
	s1 =	sand.u32 $0x1, s17;
	[dreg:$0x5] =	wrdreg s18  }
0xb: {  	s4 =	sand.u32 $0xC0, s23;
	s18 =	simm.s32 $0xCD80;
	s17 =	simm.s32 $0x1  }
0xc: {  	s23 =	simm.s32 $0x0;
	s19 =	ssub.s32 $0x2, s1;
	s1 =	sor.u32 s1, s6  }
0xd: {  	s29 =	sshrl.u32 s4, $0x2;
	s4 =	simm.s32 $0x9D80;
	s6 =	simm.s32 $0xBD80  }
0xe: {  	s5 =	sshrl.u32 s19, $0x1;
	s21 =	sshll.u32 s1, $0x1;
	s22 =	smul.u32 $0x320, s1  }
0xf: {  	s1 =	sshllo.u32 s1, $0x1;
	[dreg:$0xb] =	wrdreg s29;
	s20 =	ssub.s32 s19, s5  }
0x10: {  	s15 =	sand.u32 $0xE, s21;
	s24 =	smul.u32 $0x190, s1;
	s21 =	simm.s32 $0x80  }
0x11: {  	s19 =	simm.s32 $0x10580;
	s25 =	sadd.s32 s9, s22;
	s5 =	sadd.s32 s3, s22  }
0x12: {  	s22 =	sand.u32 $0xF, s1;
	s0 =	smax.u32 s20, $0x1;
	s20 =	simm.s32 $0x4580  }
.Ltmp0:
0x13: {  	s1 =	simm.s32 $0xC580;
	[dreg:$0x6] =	wrdreg s25;
	(pc) =	sbr.rel .LBB2_1-.Ltmp0, $4  }
0x14: {  	v0 =	vlaneseq.u32;
	v1 =	vmov s15;
	s15 =	simm.s32 $0x2;
	[dreg:$0x7] =	wrdreg s5;
	s26 =	sadd.s32 s9, s24  }
0x15: {  	s28 =	sadd.s32 s3, s24;
	[dreg:$0xa] =	wrdreg s0;
	s25 =	simm.s32 $0x10D80;
	vm0 =	veq.s32 v1, v0;
	v1 =	vimm.s32 $0x1000  }
0x16: {  	s0 =	simm.s32 $0x9580;
	s3 =	simm.s32 $0xB580;
	v4 =	vmov s22;
	[dreg:$0x8] =	wrdreg s26  }
0x17: {  	v2 =	vimm.s32 $0x0;
	v3 =	vimm.s32 $0x800;
	s9 =	simm.s32 $0xD580;
	s5 =	simm.s32 $0xFD80;
	[dreg:$0x9] =	wrdreg s28;
	vm1 =	veq.s32 v4, v0  }
.LBB2_13:
0x18: {  	_ =	swait.ge [sflag:s17], $0x800  }
0x19: {  	[sflag:s17] =	ssyncset.done $0x0  }
0x1a: {  	[sflag:s17] =	ssyncadd.s32 $0xFFFFF800  }
0x1b: {  	_ =	swait.ge [sflag:s17], $0x800  }
0x1c: {  	[sflag:s17] =	ssyncset.done $0x0  }
0x1d: {  	[sflag:s17] =	ssyncadd.s32 $0xFFFFF800  }
0x1e: {  	_ =	swait.ge [sflag:s17], $0x800  }
0x1f: {  	[sflag:s17] =	ssyncset.done $0x0  }
0x20: {  	[sflag:s17] =	ssyncadd.s32 $0xFFFFF800  }
0x21: {  	_ =	swait.ge [sflag:s17], $0x800  }
0x22: {  	[sflag:s17] =	ssyncset.done $0x0  }
0x23: {  	[sflag:s17] =	ssyncadd.s32 $0xFFFFF800  }
0x24: {  	_ =	swait.ge [sflag:s17], $0x800  }
0x25: {  	[sflag:s17] =	ssyncset.done $0x0  }
0x26: {  	[sflag:s17] =	ssyncadd.s32 $0xFFFFF800  }
0x27: {  	_ =	swait.ge [sflag:s17], $0x800  }
0x28: {  	[sflag:s17] =	ssyncset.done $0x0  }
0x29: {  	[sflag:s17] =	ssyncadd.s32 $0xFFFFF800  }
0x2a: {  	_ =	swait.ge [sflag:s17], $0x800  }
0x2b: {  	[sflag:s17] =	ssyncset.done $0x0  }
0x2c: {  	[sflag:s17] =	ssyncadd.s32 $0xFFFFF800  }
0x2d: {  	_ =	swait.ge [sflag:s17], $0x800  }
0x2e: {  	[sflag:s17] =	ssyncset.done $0x0  }
0x2f: {  	[sflag:s17] =	ssyncadd.s32 $0xFFFFF800  }
0x30: {  	_ =	swait.ge [sflag:s17], $0x800  }
0x31: {  	[sflag:s17] =	ssyncset.done $0x0  }
0x32: {  	[sflag:s17] =	ssyncadd.s32 $0xFFFFF800  }
0x33: {  	_ =	swait.ge [sflag:s17], $0x800  }
0x34: {  	[sflag:s17] =	ssyncset.done $0x0  }
0x35: {  	[sflag:s17] =	ssyncadd.s32 $0xFFFFF800  }
0x36: {  	_ =	swait.ge [sflag:s17], $0x800  }
0x37: {  	[sflag:s17] =	ssyncset.done $0x0  }
0x38: {  	[sflag:s17] =	ssyncadd.s32 $0xFFFFF800  }
0x39: {  	_ =	swait.ge [sflag:s17], $0x800  }
0x3a: {  	[sflag:s17] =	ssyncset.done $0x0  }
0x3b: {  	[sflag:s17] =	ssyncadd.s32 $0xFFFFF800  }
0x3c: {  	_ =	swait.ge [sflag:s17], $0x800  }
0x3d: {  	[sflag:s17] =	ssyncset.done $0x0  }
0x3e: {  	[sflag:s17] =	ssyncadd.s32 $0xFFFFF800  }
0x3f: {  	_ =	swait.ge [sflag:s17], $0x800  }
0x40: {  	[sflag:s17] =	ssyncset.done $0x0  }
0x41: {  	[sflag:s17] =	ssyncadd.s32 $0xFFFFF800  }
0x42: {  	_ =	swait.ge [sflag:s17], $0x800  }
0x43: {  	[sflag:s17] =	ssyncset.done $0x0  }
0x44: {  	[sflag:s17] =	ssyncadd.s32 $0xFFFFF800  }
0x45: {  	_ =	swait.ge [sflag:s17], $0x800  }
0x46: {  	[sflag:s17] =	ssyncset.done $0x0  }
0x47: {  	[sflag:s17] =	ssyncadd.s32 $0xFFFFF800  }
0x48: {  	_ =	swait.ge [sflag:s17], $0x800  }
0x49: {  	[sflag:s17] =	ssyncset.done $0x0  }
0x4a: {  	[sflag:s17] =	ssyncadd.s32 $0xFFFFF800  }
0x4b: {  	_ =	swait.ge [sflag:s17], $0x800  }
0x4c: {  	[sflag:s17] =	ssyncset.done $0x0  }
0x4d: {  	[sflag:s17] =	ssyncadd.s32 $0xFFFFF800  }
0x4e: {  	_ =	swait.ge [sflag:s17], $0x800  }
0x4f: {  	[sflag:s17] =	ssyncset.done $0x0  }
0x50: {  	[sflag:s17] =	ssyncadd.s32 $0xFFFFF800  }
0x51: {  	_ =	swait.ge [sflag:s17], $0x800  }
0x52: {  	[sflag:s17] =	ssyncset.done $0x0  }
0x53: {  	[sflag:s17] =	ssyncadd.s32 $0xFFFFF800  }
0x54: {  	_ =	swait.ge [sflag:s17], $0x800  }
0x55: {  	[sflag:s17] =	ssyncset.done $0x0  }
0x56: {  	[sflag:s17] =	ssyncadd.s32 $0xFFFFF800  }
0x57: {  	_ =	swait.ge [sflag:s17], $0x800  }
0x58: {  	[sflag:s17] =	ssyncset.done $0x0  }
0x59: {  	[sflag:s17] =	ssyncadd.s32 $0xFFFFF800  }
0x5a: {  	_ =	swait.ge [sflag:s17], $0x800  }
0x5b: {  	[sflag:s17] =	ssyncset.done $0x0  }
0x5c: {  	[sflag:s17] =	ssyncadd.s32 $0xFFFFF800  }
0x5d: {  	_ =	swait.ge [sflag:s17], $0x800  }
0x5e: {  	[sflag:s17] =	ssyncset.done $0x0  }
0x5f: {  	[sflag:s17] =	ssyncadd.s32 $0xFFFFF800  }
0x60: {  	_ =	swait.ge [sflag:s17], $0x800  }
0x61: {  	[sflag:s17] =	ssyncset.done $0x0  }
0x62: {  	s25 =	simm.s32 $0x10D80;
	[sflag:s17] =	ssyncadd.s32 $0xFFFFF800  }
0x63: {  	[hbm4b:s8+s21] =	stream.indirect.scatter [tilespmem:s20], [sflag:$0x2], $0x10, s25, s21, $0xb8;
	[tilespmem:$0x11A60] =	vst v63  }
0x64: {  	s22 =	simm.s32 $0x4D80;
	s23 =	simm.s32 $0x10E00  }
0x65: {  	[hbm4b:s8+s21] =	stream.indirect.scatter [tilespmem:s22], [sflag:$0x2], $0x10, s23, s21, $0xb8;
	[tilespmem:$0x11A60] =	vst v63  }
0x66: {  	s24 =	simm.s32 $0x5580;
	s26 =	simm.s32 $0x10E80  }
0x67: {  	[hbm4b:s8+s21] =	stream.indirect.scatter [tilespmem:s24], [sflag:$0x2], $0x10, s26, s21, $0xb8;
	[tilespmem:$0x11A60] =	vst v63  }
0x68: {  	s28 =	simm.s32 $0x5D80;
	s29 =	simm.s32 $0x10F00  }
0x69: {  	[hbm4b:s8+s21] =	stream.indirect.scatter [tilespmem:s28], [sflag:$0x2], $0x10, s29, s21, $0xb8;
	[tilespmem:$0x11A60] =	vst v63  }
0x6a: {  	s24 =	simm.s32 $0x6580;
	s26 =	simm.s32 $0x10F80  }
0x6b: {  	[hbm4b:s8+s21] =	stream.indirect.scatter [tilespmem:s24], [sflag:$0x2], $0x10, s26, s21, $0xb8;
	[tilespmem:$0x11A60] =	vst v63  }
0x6c: {  	s28 =	simm.s32 $0x6D80;
	s29 =	simm.s32 $0x11000  }
0x6d: {  	[hbm4b:s8+s21] =	stream.indirect.scatter [tilespmem:s28], [sflag:$0x2], $0x10, s29, s21, $0xb8;
	[tilespmem:$0x11A60] =	vst v63  }
0x6e: {  	s24 =	simm.s32 $0x7580;
	s26 =	simm.s32 $0x11080  }
0x6f: {  	[hbm4b:s8+s21] =	stream.indirect.scatter [tilespmem:s24], [sflag:$0x2], $0x10, s26, s21, $0xb8;
	[tilespmem:$0x11A60] =	vst v63  }
0x70: {  	s28 =	simm.s32 $0x7D80;
	s29 =	simm.s32 $0x11100  }
0x71: {  	[hbm4b:s8+s21] =	stream.indirect.scatter [tilespmem:s28], [sflag:$0x2], $0x10, s29, s21, $0xb8;
	[tilespmem:$0x11A60] =	vst v63  }
0x72: {  	s24 =	simm.s32 $0x11180  }
0x73: {  	[hbm4b:s8+s21] =	stream.indirect.scatter [tilespmem:s30], [sflag:$0x2], $0x10, s24, s21, $0xb8;
	[tilespmem:$0x11A60] =	vst v63  }
0x74: {  	s26 =	simm.s32 $0x11200  }
0x75: {  	[hbm4b:s8+s21] =	stream.indirect.scatter [tilespmem:s31], [sflag:$0x2], $0x10, s26, s21, $0xb8;
	[tilespmem:$0x11A60] =	vst v63  }
0x76: {  	s28 =	simm.s32 $0x11280  }
0x77: {  	[hbm4b:s8+s21] =	stream.indirect.scatter [tilespmem:s0], [sflag:$0x2], $0x10, s28, s21, $0xb8;
	[tilespmem:$0x11A60] =	vst v63  }
0x78: {  	s29 =	simm.s32 $0x11300  }
0x79: {  	[hbm4b:s8+s21] =	stream.indirect.scatter [tilespmem:s4], [sflag:$0x2], $0x10, s29, s21, $0xb8;
	[tilespmem:$0x11A60] =	vst v63  }
0x7a: {  	s23 =	simm.s32 $0x11380  }
0x7b: {  	[hbm4b:s8+s21] =	stream.indirect.scatter [tilespmem:s14], [sflag:$0x2], $0x10, s23, s21, $0xb8;
	[tilespmem:$0x11A60] =	vst v63  }
0x7c: {  	s24 =	simm.s32 $0x11400  }
0x7d: {  	[hbm4b:s8+s21] =	stream.indirect.scatter [tilespmem:s16], [sflag:$0x2], $0x10, s24, s21, $0xb8;
	[tilespmem:$0x11A60] =	vst v63  }
0x7e: {  	s26 =	simm.s32 $0x11480  }
0x7f: {  	[hbm4b:s8+s21] =	stream.indirect.scatter [tilespmem:s3], [sflag:$0x2], $0x10, s26, s21, $0xb8;
	[tilespmem:$0x11A60] =	vst v63  }
0x80: {  	s28 =	simm.s32 $0x11500  }
0x81: {  	[hbm4b:s8+s21] =	stream.indirect.scatter [tilespmem:s6], [sflag:$0x2], $0x10, s28, s21, $0xb8;
	[tilespmem:$0x11A60] =	vst v63  }
0x82: {  	s29 =	simm.s32 $0x11580  }
0x83: {  	[hbm4b:s8+s21] =	stream.indirect.scatter [tilespmem:s1], [sflag:$0x2], $0x10, s29, s21, $0xb8;
	[tilespmem:$0x11A60] =	vst v63  }
0x84: {  	s23 =	simm.s32 $0x11600  }
0x85: {  	[hbm4b:s8+s21] =	stream.indirect.scatter [tilespmem:s18], [sflag:$0x2], $0x10, s23, s21, $0xb8;
	[tilespmem:$0x11A60] =	vst v63  }
0x86: {  	s24 =	simm.s32 $0x11680  }
0x87: {  	[hbm4b:s8+s21] =	stream.indirect.scatter [tilespmem:s9], [sflag:$0x2], $0x10, s24, s21, $0xb8;
	[tilespmem:$0x11A60] =	vst v63  }
0x88: {  	s26 =	simm.s32 $0x11700  }
0x89: {  	[hbm4b:s8+s21] =	stream.indirect.scatter [tilespmem:s10], [sflag:$0x2], $0x10, s26, s21, $0xb8;
	[tilespmem:$0x11A60] =	vst v63  }
0x8a: {  	s28 =	simm.s32 $0x11780  }
0x8b: {  	[hbm4b:s8+s21] =	stream.indirect.scatter [tilespmem:s11], [sflag:$0x2], $0x10, s28, s21, $0xb8;
	[tilespmem:$0x11A60] =	vst v63  }
0x8c: {  	s29 =	simm.s32 $0x11800  }
0x8d: {  	[hbm4b:s8+s21] =	stream.indirect.scatter [tilespmem:s12], [sflag:$0x2], $0x10, s29, s21, $0xb8;
	[tilespmem:$0x11A60] =	vst v63  }
0x8e: {  	s23 =	simm.s32 $0x11880  }
0x8f: {  	[hbm4b:s8+s21] =	stream.indirect.scatter [tilespmem:s13], [sflag:$0x2], $0x10, s23, s21, $0xb8;
	[tilespmem:$0x11A60] =	vst v63  }
0x90: {  	s24 =	simm.s32 $0x11900  }
0x91: {  	[hbm4b:s8+s21] =	stream.indirect.scatter [tilespmem:s5], [sflag:$0x2], $0x10, s24, s21, $0xb8;
	[tilespmem:$0x11A60] =	vst v63  }
0x92: {  	s26 =	simm.s32 $0x11980  }
0x93: {  	[hbm4b:s8+s21] =	stream.indirect.scatter [tilespmem:s19], [sflag:$0x2], $0x10, s26, s21, $0xb8;
	[tilespmem:$0x11A60] =	vst v63  }
0x94: {  	_ =	swait.ge [sflag:s15], $0x800  }
0x95: {  	[sflag:s15] =	ssyncset.done $0x0  }
0x96: {  	[sflag:s15] =	ssyncadd.s32 $0xFFFFF800  }
0x97: {  	_ =	swait.ge [sflag:s15], $0x800  }
0x98: {  	[sflag:s15] =	ssyncset.done $0x0  }
0x99: {  	[sflag:s15] =	ssyncadd.s32 $0xFFFFF800  }
0x9a: {  	_ =	swait.ge [sflag:s15], $0x800  }
0x9b: {  	[sflag:s15] =	ssyncset.done $0x0  }
0x9c: {  	[sflag:s15] =	ssyncadd.s32 $0xFFFFF800  }
0x9d: {  	_ =	swait.ge [sflag:s15], $0x800  }
0x9e: {  	[sflag:s15] =	ssyncset.done $0x0  }
0x9f: {  	[sflag:s15] =	ssyncadd.s32 $0xFFFFF800  }
0xa0: {  	_ =	swait.ge [sflag:s15], $0x800  }
0xa1: {  	[sflag:s15] =	ssyncset.done $0x0  }
0xa2: {  	[sflag:s15] =	ssyncadd.s32 $0xFFFFF800  }
0xa3: {  	_ =	swait.ge [sflag:s15], $0x800  }
0xa4: {  	[sflag:s15] =	ssyncset.done $0x0  }
0xa5: {  	[sflag:s15] =	ssyncadd.s32 $0xFFFFF800  }
0xa6: {  	_ =	swait.ge [sflag:s15], $0x800  }
0xa7: {  	[sflag:s15] =	ssyncset.done $0x0  }
0xa8: {  	[sflag:s15] =	ssyncadd.s32 $0xFFFFF800  }
0xa9: {  	_ =	swait.ge [sflag:s15], $0x800  }
0xaa: {  	[sflag:s15] =	ssyncset.done $0x0  }
0xab: {  	[sflag:s15] =	ssyncadd.s32 $0xFFFFF800  }
0xac: {  	_ =	swait.ge [sflag:s15], $0x800  }
0xad: {  	[sflag:s15] =	ssyncset.done $0x0  }
0xae: {  	[sflag:s15] =	ssyncadd.s32 $0xFFFFF800  }
0xaf: {  	_ =	swait.ge [sflag:s15], $0x800  }
0xb0: {  	[sflag:s15] =	ssyncset.done $0x0  }
0xb1: {  	[sflag:s15] =	ssyncadd.s32 $0xFFFFF800  }
0xb2: {  	_ =	swait.ge [sflag:s15], $0x800  }
0xb3: {  	[sflag:s15] =	ssyncset.done $0x0  }
0xb4: {  	[sflag:s15] =	ssyncadd.s32 $0xFFFFF800  }
0xb5: {  	_ =	swait.ge [sflag:s15], $0x800  }
0xb6: {  	[sflag:s15] =	ssyncset.done $0x0  }
0xb7: {  	[sflag:s15] =	ssyncadd.s32 $0xFFFFF800  }
0xb8: {  	_ =	swait.ge [sflag:s15], $0x800  }
0xb9: {  	[sflag:s15] =	ssyncset.done $0x0  }
0xba: {  	[sflag:s15] =	ssyncadd.s32 $0xFFFFF800  }
0xbb: {  	_ =	swait.ge [sflag:s15], $0x800  }
0xbc: {  	[sflag:s15] =	ssyncset.done $0x0  }
0xbd: {  	[sflag:s15] =	ssyncadd.s32 $0xFFFFF800  }
0xbe: {  	_ =	swait.ge [sflag:s15], $0x800  }
0xbf: {  	[sflag:s15] =	ssyncset.done $0x0  }
0xc0: {  	[sflag:s15] =	ssyncadd.s32 $0xFFFFF800  }
0xc1: {  	_ =	swait.ge [sflag:s15], $0x800  }
0xc2: {  	[sflag:s15] =	ssyncset.done $0x0  }
0xc3: {  	[sflag:s15] =	ssyncadd.s32 $0xFFFFF800  }
0xc4: {  	_ =	swait.ge [sflag:s15], $0x800  }
0xc5: {  	[sflag:s15] =	ssyncset.done $0x0  }
0xc6: {  	[sflag:s15] =	ssyncadd.s32 $0xFFFFF800  }
0xc7: {  	_ =	swait.ge [sflag:s15], $0x800  }
0xc8: {  	[sflag:s15] =	ssyncset.done $0x0  }
0xc9: {  	[sflag:s15] =	ssyncadd.s32 $0xFFFFF800  }
0xca: {  	_ =	swait.ge [sflag:s15], $0x800  }
0xcb: {  	[sflag:s15] =	ssyncset.done $0x0  }
0xcc: {  	[sflag:s15] =	ssyncadd.s32 $0xFFFFF800  }
0xcd: {  	_ =	swait.ge [sflag:s15], $0x800  }
0xce: {  	[sflag:s15] =	ssyncset.done $0x0  }
0xcf: {  	[sflag:s15] =	ssyncadd.s32 $0xFFFFF800  }
0xd0: {  	_ =	swait.ge [sflag:s15], $0x800  }
0xd1: {  	[sflag:s15] =	ssyncset.done $0x0  }
0xd2: {  	[sflag:s15] =	ssyncadd.s32 $0xFFFFF800  }
0xd3: {  	_ =	swait.ge [sflag:s15], $0x800  }
0xd4: {  	[sflag:s15] =	ssyncset.done $0x0  }
0xd5: {  	[sflag:s15] =	ssyncadd.s32 $0xFFFFF800  }
0xd6: {  	_ =	swait.ge [sflag:s15], $0x800  }
0xd7: {  	[sflag:s15] =	ssyncset.done $0x0  }
0xd8: {  	[sflag:s15] =	ssyncadd.s32 $0xFFFFF800  }
0xd9: {  	_ =	swait.ge [sflag:s15], $0x800  }
0xda: {  	[sflag:s15] =	ssyncset.done $0x0  }
0xdb: {  	[sflag:s15] =	ssyncadd.s32 $0xFFFFF800  }
0xdc: {  	_ =	swait.ge [sflag:s15], $0x800  }
0xdd: {  	s28 =	rddreg [dreg:$0xc]  }
0xde: {  	s29 =	rddreg [dreg:$0xa];
	s23 =	sadd.s32 $0x1, s28  }
0xdf: {  	p0 =	sne.s32 s23, s29  }
.Ltmp1:
0xe0: {  	_ = 	snop;
	(pc) =	sbr.rel @!p0 .LBB2_14-.Ltmp1, $3  }
0xe1: {  	_ =	sdelay $0x1  }
0xe2: {  	[sflag:s15] =	ssyncset.done $0x0  }
0xe3: {  	[sflag:s15] =	ssyncadd.s32 $0xFFFFF800  }
.LBB2_1:
0xe4: {  	[dreg:$0xc] =	wrdreg s23  }
0xe5: {  	s22 =	rddreg [dreg:$0x3];
	s26 =	simm.s32 $0x11A00;
	s24 =	simm.s32 $0x3  }
0xe6: {  	[tilespmem:s26], [sflag:$0x3] =	stream.linear.gather [hbm4b:s22+s2], $0x40, $0x38;
	[tilespmem:$0x11A60] =	vst v63  }
0xe7: {  	_ =	swait.ge [sflag:s24], $0x40  }
0xe8: {  	[sflag:s24] =	ssyncset.done $0x0  }
0xe9: {  	s29 =	simm.s32 $0x11A40;
	s28 =	rddreg [dreg:$0x5];
	[sflag:s24] =	ssyncadd.s32 $0xFFFFFFC0  }
0xea: {  	[tilespmem:s29], [sflag:$0x3] =	stream.linear.gather [hbm4b:s28+s2], $0x20, $0x38;
	[tilespmem:$0x11A60] =	vst v63  }
0xeb: {  	_ =	swait.ge [sflag:s24], $0x20  }
0xec: {  	[sflag:s24] =	ssyncset.done $0x0  }
0xed: {  	s26 =	rddreg [dreg:$0xb];
	[sflag:s24] =	ssyncadd.s32 $0xFFFFFFE0  }
0xee: {  	v4 =	vld [tilespmem:s26+$0x11A00];
	_ =	sdelay $0x4  }
0xef: {  	v4 =	vnsel vm0, $0x0, v4  }
0xf0: {  	(xrf0) =	vadd.scan.msk.s32 $0xffff, v4;
	_ =	sdelay $0x5  }
0xf1: {  	v4, _, _ =	vpop (xrf0)  }
0xf2: {  	(v2sf) =	vpush v4, $0xF;
	_ =	sdelay $0xe  }
0xf3: {  	s28 =	spop (v2sf)  }
0xf4: {  	s29 =	rddreg [dreg:$0x0];
	s22 =	sshrl.u32 s28, $0x3  }
0xf5: {  	s22 =	sadd.s32 s29, s22  }
0xf6: {  	[tilespmem:s2], [sflag:$0x3] =	stream.linear.gather [hbm4b:s22+s2], $0x2000, $0x38;
	[tilespmem:$0x11A60] =	vst v63  }
0xf7: {  	_ =	swait.ge [sflag:s24], $0x2000  }
0xf8: {  	[sflag:s24] =	ssyncset.done $0x0  }
0xf9: {  	s26 =	simm.s32 $0x2000;
	s23 =	rddreg [dreg:$0x6];
	[sflag:s24] =	ssyncadd.s32 $0xFFFFE000  }
0xfa: {  	[tilespmem:s26], [sflag:$0x3] =	stream.linear.gather [hbm4b:s23+s2], $0xC80, $0x38;
	[tilespmem:$0x11A60] =	vst v63  }
0xfb: {  	_ =	swait.ge [sflag:s24], $0xC80  }
0xfc: {  	[sflag:s24] =	ssyncset.done $0x0  }
0xfd: {  	s28 =	rddreg [dreg:$0x7];
	[sflag:s24] =	ssyncadd.s32 $0xFFFFF380  }
0xfe: {  	[tilespmem:s25], [sflag:$0x3] =	stream.linear.gather [hbm4b:s28+s2], $0xC80, $0x38;
	[tilespmem:$0x11A60] =	vst v63  }
0xff: {  	_ =	swait.ge [sflag:s24], $0xC80  }
0x100: {  	[sflag:s24] =	ssyncset.done $0x0  }
.Ltmp2:
0x101: {  	s29 =	rddreg [dreg:$0x4];
	[sflag:s24] =	ssyncadd.s32 $0xFFFFF380;
	(pc) =	sbr.rel .LBB2_2-.Ltmp2, $4  }
0x102: {  	[tilespmem:s20], [sflag:$0x3] =	stream.linear.gather [hbm4b:s29+s2], $0xC800, $0x38;
	[tilespmem:$0x11A60] =	vst v63  }
0x103: {  	_ =	swait.ge [sflag:s24], $0xC800  }
0x104: {  	[sflag:s24] =	ssyncset.done $0x0  }
0x105: {  	v4 =	vbroadcast v4, $0xF;
	s22 =	simm.s32 $0x0;
	[sflag:s24] =	ssyncadd.s32 $0xFFFF3800  }
.LBB2_6:
0x106: {  	[tilespmem:s20], [sflag:$0x1] =	stream.indirect.gather.add.f32 [hbm:s7], $0x10, s24, s21, $0xb8;
	[tilespmem:$0x11A60] =	vst v63  }
0x107: {  	s26 =	sadd.s32 $0x2D00, s23;
	s25 =	simm.s32 $0x4D80  }
0x108: {  	[tilespmem:s25], [sflag:$0x1] =	stream.indirect.gather.add.f32 [hbm:s7], $0x10, s26, s21, $0xb8;
	[tilespmem:$0x11A60] =	vst v63  }
0x109: {  	s28 =	sadd.s32 $0x2D80, s23;
	s29 =	simm.s32 $0x5580  }
0x10a: {  	[tilespmem:s29], [sflag:$0x1] =	stream.indirect.gather.add.f32 [hbm:s7], $0x10, s28, s21, $0xb8;
	[tilespmem:$0x11A60] =	vst v63  }
0x10b: {  	s25 =	sadd.s32 $0x2E00, s23;
	s26 =	simm.s32 $0x5D80  }
0x10c: {  	[tilespmem:s26], [sflag:$0x1] =	stream.indirect.gather.add.f32 [hbm:s7], $0x10, s25, s21, $0xb8;
	[tilespmem:$0x11A60] =	vst v63  }
0x10d: {  	s28 =	sadd.s32 $0x2E80, s23;
	s29 =	simm.s32 $0x6580  }
0x10e: {  	[tilespmem:s29], [sflag:$0x1] =	stream.indirect.gather.add.f32 [hbm:s7], $0x10, s28, s21, $0xb8;
	[tilespmem:$0x11A60] =	vst v63  }
0x10f: {  	s25 =	sadd.s32 $0x2F00, s23;
	s26 =	simm.s32 $0x6D80  }
0x110: {  	[tilespmem:s26], [sflag:$0x1] =	stream.indirect.gather.add.f32 [hbm:s7], $0x10, s25, s21, $0xb8;
	[tilespmem:$0x11A60] =	vst v63  }
0x111: {  	s28 =	sadd.s32 $0x2F80, s23;
	s29 =	simm.s32 $0x7580  }
0x112: {  	[tilespmem:s29], [sflag:$0x1] =	stream.indirect.gather.add.f32 [hbm:s7], $0x10, s28, s21, $0xb8;
	[tilespmem:$0x11A60] =	vst v63  }
0x113: {  	s26 =	sor.u32 $0x3000, s23;
	s28 =	simm.s32 $0x7D80  }
0x114: {  	[tilespmem:s28], [sflag:$0x1] =	stream.indirect.gather.add.f32 [hbm:s7], $0x10, s26, s21, $0xb8;
	[tilespmem:$0x11A60] =	vst v63  }
0x115: {  	s29 =	sadd.s32 $0x3080, s23  }
0x116: {  	[tilespmem:s30], [sflag:$0x1] =	stream.indirect.gather.add.f32 [hbm:s7], $0x10, s29, s21, $0xb8;
	[tilespmem:$0x11A60] =	vst v63  }
0x117: {  	s25 =	sadd.s32 $0x3100, s23  }
0x118: {  	[tilespmem:s31], [sflag:$0x1] =	stream.indirect.gather.add.f32 [hbm:s7], $0x10, s25, s21, $0xb8;
	[tilespmem:$0x11A60] =	vst v63  }
0x119: {  	s26 =	sadd.s32 $0x3180, s23  }
0x11a: {  	[tilespmem:s0], [sflag:$0x1] =	stream.indirect.gather.add.f32 [hbm:s7], $0x10, s26, s21, $0xb8;
	[tilespmem:$0x11A60] =	vst v63  }
0x11b: {  	s28 =	sadd.s32 $0x3200, s23  }
0x11c: {  	[tilespmem:s4], [sflag:$0x1] =	stream.indirect.gather.add.f32 [hbm:s7], $0x10, s28, s21, $0xb8;
	[tilespmem:$0x11A60] =	vst v63  }
0x11d: {  	s29 =	sadd.s32 $0x3280, s23  }
0x11e: {  	[tilespmem:s14], [sflag:$0x1] =	stream.indirect.gather.add.f32 [hbm:s7], $0x10, s29, s21, $0xb8;
	[tilespmem:$0x11A60] =	vst v63  }
0x11f: {  	s25 =	sadd.s32 $0x3300, s23  }
0x120: {  	[tilespmem:s16], [sflag:$0x1] =	stream.indirect.gather.add.f32 [hbm:s7], $0x10, s25, s21, $0xb8;
	[tilespmem:$0x11A60] =	vst v63  }
0x121: {  	s26 =	sadd.s32 $0x3380, s23  }
0x122: {  	[tilespmem:s3], [sflag:$0x1] =	stream.indirect.gather.add.f32 [hbm:s7], $0x10, s26, s21, $0xb8;
	[tilespmem:$0x11A60] =	vst v63  }
0x123: {  	s28 =	sadd.s32 $0x3400, s23  }
0x124: {  	[tilespmem:s6], [sflag:$0x1] =	stream.indirect.gather.add.f32 [hbm:s7], $0x10, s28, s21, $0xb8;
	[tilespmem:$0x11A60] =	vst v63  }
0x125: {  	s29 =	sadd.s32 $0x3480, s23  }
0x126: {  	[tilespmem:s1], [sflag:$0x1] =	stream.indirect.gather.add.f32 [hbm:s7], $0x10, s29, s21, $0xb8;
	[tilespmem:$0x11A60] =	vst v63  }
0x127: {  	s25 =	sadd.s32 $0x3500, s23  }
0x128: {  	[tilespmem:s18], [sflag:$0x1] =	stream.indirect.gather.add.f32 [hbm:s7], $0x10, s25, s21, $0xb8;
	[tilespmem:$0x11A60] =	vst v63  }
0x129: {  	s26 =	sadd.s32 $0x3580, s23  }
0x12a: {  	[tilespmem:s9], [sflag:$0x1] =	stream.indirect.gather.add.f32 [hbm:s7], $0x10, s26, s21, $0xb8;
	[tilespmem:$0x11A60] =	vst v63  }
0x12b: {  	s28 =	sadd.s32 $0x3600, s23  }
0x12c: {  	[tilespmem:s10], [sflag:$0x1] =	stream.indirect.gather.add.f32 [hbm:s7], $0x10, s28, s21, $0xb8;
	[tilespmem:$0x11A60] =	vst v63  }
0x12d: {  	s29 =	sadd.s32 $0x3680, s23  }
0x12e: {  	[tilespmem:s11], [sflag:$0x1] =	stream.indirect.gather.add.f32 [hbm:s7], $0x10, s29, s21, $0xb8;
	[tilespmem:$0x11A60] =	vst v63  }
0x12f: {  	s22 =	sadd.s32 $0x1, s22;
	s25 =	sadd.s32 $0x3700, s23  }
0x130: {  	[tilespmem:s12], [sflag:$0x1] =	stream.indirect.gather.add.f32 [hbm:s7], $0x10, s25, s21, $0xb8;
	[tilespmem:$0x11A60] =	vst v63  }
0x131: {  	p0 =	sne.s32 s22, $0x1B;
	s26 =	sadd.s32 $0x3780, s23  }
0x132: {  	[tilespmem:s13], [sflag:$0x1] =	stream.indirect.gather.add.f32 [hbm:s7], $0x10, s26, s21, $0xb8;
	[tilespmem:$0x11A60] =	vst v63  }
.Ltmp3:
0x133: {  	_ = 	snop;
	(pc) =	sbr.rel @!p0 .LBB2_7-.Ltmp3, $4  }
0x134: {  	s28 =	sadd.s32 $0x3800, s23  }
0x135: {  	[tilespmem:s5], [sflag:$0x1] =	stream.indirect.gather.add.f32 [hbm:s7], $0x10, s28, s21, $0xb8;
	[tilespmem:$0x11A60] =	vst v63  }
0x136: {  	s29 =	sadd.s32 $0x3880, s23  }
0x137: {  	[tilespmem:s19], [sflag:$0x1] =	stream.indirect.gather.add.f32 [hbm:s7], $0x10, s29, s21, $0xb8;
	[tilespmem:$0x11A60] =	vst v63  }
.LBB2_2:
0x138: {  	s23 =	sand.u32 $0x10, s22  }
0x139: {  	v5 =	vld [tilespmem:s23+$0x11A40];
	_ =	sdelay $0x1  }
0x13a: {  	s28 =	sand.u32 $0xF, s22  }
0x13b: {  	v6 =	vmov s28  }
0x13c: {  	vm2 =	veq.s32 v6, v0  }
0x13d: {  	v5 =	vnsel vm2, $0x0, v5  }
0x13e: {  	(xrf0) =	vadd.scan.msk.s32 $0xffff, v5;
	_ =	sdelay $0x3  }
0x13f: {  	s24 =	smul.u32 $0x32000, s22;
	s29 =	sand.u32 $0x1, s22  }
0x140: {  	p0 =	seq.s32 s29, $0x1;
	s23 =	simm.s32 $0xC80  }
0x141: {  	s25 =	sadd.s32 $0x30D40, s24;
	s23 =	simm.s32 @!p0 $0x0;
	v5, _, _ =	vpop (xrf0)  }
0x142: {  	s26 =	simm.s32 $0x0;
	v6 =	vadd.s32 s24, v4;
	v7 =	vmov s25;
	s24 =	sadd.s32 $0x2C80, s23;
	s25 =	simm.s32 $0x0;
	v5 =	vbroadcast v5, $0xF  }
.LBB2_3:
0x143: {  	s28 =	sshra.s32 s25, $0x2  }
0x144: {  	v8 =	vld [tilespmem:s28+$0x2000]  }
0x145: {  	v9 =	vld.idx.msk [tilespmem:v1+s2+$0x0], $0xffff;
	_ =	sdelay $0x3  }
0x146: {  	v8 =	vadd.s32 v5, v8  }
0x147: {  	vm2 =	vlt.s32 v9, v8  }
0x148: {  	v9 =	vsel vm2, $0x1800, v3;
	_ =	sdelay $0x4  }
0x149: {  	v10 =	vld.idx.msk [tilespmem:v9+s2+$0x0], $0xffff;
	_ =	sdelay $0x4  }
0x14a: {  	v11 =	vsel vm2, $0x2000, v1;
	vm3 =	vlt.s32 v10, v8  }
0x14b: {  	v41 =	vsel vm2, $0x1001, v2;
	v12 =	vor.u32 $0x1, v9;
	v9 =	vsel vm3, v11, v9  }
0x14c: {  	v10 =	vsel vm3, v12, v41;
	v11 =	vadd.s32 $0xFFFFFFFF, v9  }
0x14d: {  	v12 =	vxor.u32 v11, v10  }
0x14e: {  	v11 =	vor.u32 v11, v10;
	v12 =	vshrl.u32 v12, $0x1  }
0x14f: {  	v11 =	vsub.s32 v11, v12;
	_ =	sdelay $0x4  }
0x150: {  	v12 =	vld.idx.msk [tilespmem:v11+s2+$0x0], $0xffff;
	_ =	sdelay $0x4  }
0x151: {  	v42 =	vor.u32 $0x1, v11;
	vm2 =	vlt.s32 v12, v8  }
0x152: {  	v10 =	vsel vm2, v42, v10;
	v9 =	vsel vm2, v9, v11  }
0x153: {  	v11 =	vxor.u32 v9, v10  }
0x154: {  	v12 =	vand.u32 v9, v10;
	v11 =	vshrl.u32 v11, $0x1  }
0x155: {  	v11 =	vadd.s32 v11, v12;
	_ =	sdelay $0x4  }
0x156: {  	v12 =	vld.idx.msk [tilespmem:v11+s2+$0x0], $0xffff;
	_ =	sdelay $0x4  }
0x157: {  	v43 =	vadd.s32 $0x1, v11;
	vm2 =	vlt.s32 v12, v8  }
0x158: {  	v10 =	vsel vm2, v43, v10;
	v9 =	vsel vm2, v9, v11  }
0x159: {  	v11 =	vadd.s32 v9, v10  }
0x15a: {  	v11 =	vshrl.u32 v11, $0x1;
	_ =	sdelay $0x4  }
0x15b: {  	v44 =	vld.idx.msk [tilespmem:v11+s2+$0x0], $0xffff;
	_ =	sdelay $0x4  }
0x15c: {  	v45 =	vadd.s32 $0x1, v11;
	vm2 =	vlt.s32 v44, v8  }
0x15d: {  	v10 =	vsel vm2, v45, v10;
	v9 =	vsel vm2, v9, v11  }
0x15e: {  	v11 =	vadd.s32 v9, v10  }
0x15f: {  	v11 =	vshrl.u32 v11, $0x1;
	_ =	sdelay $0x4  }
0x160: {  	v46 =	vld.idx.msk [tilespmem:v11+s2+$0x0], $0xffff;
	_ =	sdelay $0x4  }
0x161: {  	v47 =	vadd.s32 $0x1, v11;
	vm2 =	vlt.s32 v46, v8  }
0x162: {  	v10 =	vsel vm2, v47, v10;
	v9 =	vsel vm2, v9, v11  }
0x163: {  	v11 =	vadd.s32 v9, v10  }
0x164: {  	v11 =	vshrl.u32 v11, $0x1;
	_ =	sdelay $0x4  }
0x165: {  	v48 =	vld.idx.msk [tilespmem:v11+s2+$0x0], $0xffff;
	_ =	sdelay $0x4  }
0x166: {  	v49 =	vadd.s32 $0x1, v11;
	vm2 =	vlt.s32 v48, v8  }
0x167: {  	v10 =	vsel vm2, v49, v10;
	v9 =	vsel vm2, v9, v11  }
0x168: {  	v11 =	vadd.s32 v9, v10  }
0x169: {  	v11 =	vshrl.u32 v11, $0x1;
	_ =	sdelay $0x4  }
0x16a: {  	v50 =	vld.idx.msk [tilespmem:v11+s2+$0x0], $0xffff;
	_ =	sdelay $0x4  }
0x16b: {  	v51 =	vadd.s32 $0x1, v11;
	vm2 =	vlt.s32 v50, v8  }
0x16c: {  	v10 =	vsel vm2, v51, v10;
	v9 =	vsel vm2, v9, v11  }
0x16d: {  	v11 =	vadd.s32 v9, v10  }
0x16e: {  	v11 =	vshrl.u32 v11, $0x1;
	_ =	sdelay $0x4  }
0x16f: {  	v52 =	vld.idx.msk [tilespmem:v11+s2+$0x0], $0xffff;
	_ =	sdelay $0x4  }
0x170: {  	v53 =	vadd.s32 $0x1, v11;
	vm2 =	vlt.s32 v52, v8  }
0x171: {  	v10 =	vsel vm2, v53, v10;
	v9 =	vsel vm2, v9, v11  }
0x172: {  	v11 =	vadd.s32 v9, v10  }
0x173: {  	v11 =	vshrl.u32 v11, $0x1;
	_ =	sdelay $0x4  }
0x174: {  	v54 =	vld.idx.msk [tilespmem:v11+s2+$0x0], $0xffff;
	_ =	sdelay $0x4  }
0x175: {  	v55 =	vadd.s32 $0x1, v11;
	vm2 =	vlt.s32 v54, v8  }
0x176: {  	v10 =	vsel vm2, v55, v10;
	v9 =	vsel vm2, v9, v11  }
0x177: {  	v11 =	vadd.s32 v9, v10  }
0x178: {  	v11 =	vshrl.u32 v11, $0x1;
	_ =	sdelay $0x4  }
0x179: {  	v56 =	vld.idx.msk [tilespmem:v11+s2+$0x0], $0xffff;
	_ =	sdelay $0x4  }
0x17a: {  	v57 =	vadd.s32 $0x1, v11;
	vm2 =	vlt.s32 v56, v8  }
0x17b: {  	v10 =	vsel vm2, v57, v10;
	v9 =	vsel vm2, v9, v11  }
0x17c: {  	v11 =	vadd.s32 v9, v10  }
0x17d: {  	v11 =	vshrl.u32 v11, $0x1;
	_ =	sdelay $0x4  }
0x17e: {  	v58 =	vld.idx.msk [tilespmem:v11+s2+$0x0], $0xffff;
	_ =	sdelay $0x4  }
0x17f: {  	v59 =	vadd.s32 $0x1, v11;
	vm2 =	vlt.s32 v58, v8  }
0x180: {  	v10 =	vsel vm2, v59, v10;
	v9 =	vsel vm2, v9, v11  }
0x181: {  	v11 =	vadd.s32 v9, v10  }
0x182: {  	v11 =	vshrl.u32 v11, $0x1;
	_ =	sdelay $0x4  }
0x183: {  	v60 =	vld.idx.msk [tilespmem:v11+s2+$0x0], $0xffff;
	_ =	sdelay $0x4  }
0x184: {  	v61 =	vadd.s32 $0x1, v11;
	vm2 =	vlt.s32 v60, v8  }
0x185: {  	v10 =	vsel vm2, v61, v10;
	v9 =	vsel vm2, v9, v11  }
0x186: {  	v9 =	vadd.s32 v9, v10  }
0x187: {  	v9 =	vshrl.u32 v9, $0x1;
	_ =	sdelay $0x4  }
0x188: {  	v62 =	vld.idx.msk [tilespmem:v9+s2+$0x0], $0xffff;
	_ =	sdelay $0x4  }
0x189: {  	v9 =	vadd.s32 $0x1, v9;
	vm2 =	vlt.s32 v62, v8  }
0x18a: {  	v9 =	vsel vm2, v9, v10  }
0x18b: {  	v10 =	vmin.u32 v9, $0x1FFF;
	_ =	sdelay $0x4  }
0x18c: {  	v63 =	vld.idx.msk [tilespmem:v10+s2+$0x0], $0xffff;
	_ =	sdelay $0x2  }
0x18d: {  	p0 =	sne.s32 s26, $0xC70  }
.Ltmp4:
0x18e: {  	s29 =	sand.u32 $0x3E00, s25;
	(pc) =	sbr.rel @p0 .LBB2_3-.Ltmp4, $4  }
0x18f: {  	s28 =	sshrl.u32 s29, $0x2;
	vm2 =	vlt.u32 v9, $0x2000;
	vm3 =	veq.s32 v63, v8  }
0x190: {  	s29 =	sand.u32 $0x70, s26;
	s28 =	sadd.s32 s28, s24;
	v8 =	vadd.s32 v10, v6;
	vm2 =	vmand vm3, vm2  }
0x191: {  	s28 =	sadd.s32 s29, s28;
	v8 =	vsel vm2, v8, v7  }
0x192: {  	s25 =	sadd.s32 $0x40, s25;
	s26 =	sadd.s32 $0x10, s26;
	[tilespmem:s28+$0x0] =	vst v8  }
0x193: {  	p0 =	seq.s32 s22, $0x0  }
.Ltmp5:
0x194: {  	_ = 	snop;
	(pc) =	sbr.rel @p0 .LBB2_6-.Ltmp5, $1  }
0x195: {  	_ =	sdelay $0x3  }
0x196: {  	_ =	swait.ge [sflag:s17], $0x800  }
0x197: {  	[sflag:s17] =	ssyncset.done $0x0  }
0x198: {  	[sflag:s17] =	ssyncadd.s32 $0xFFFFF800  }
0x199: {  	_ =	swait.ge [sflag:s17], $0x800  }
0x19a: {  	[sflag:s17] =	ssyncset.done $0x0  }
0x19b: {  	[sflag:s17] =	ssyncadd.s32 $0xFFFFF800  }
0x19c: {  	_ =	swait.ge [sflag:s17], $0x800  }
0x19d: {  	[sflag:s17] =	ssyncset.done $0x0  }
0x19e: {  	[sflag:s17] =	ssyncadd.s32 $0xFFFFF800  }
0x19f: {  	_ =	swait.ge [sflag:s17], $0x800  }
0x1a0: {  	[sflag:s17] =	ssyncset.done $0x0  }
0x1a1: {  	[sflag:s17] =	ssyncadd.s32 $0xFFFFF800  }
0x1a2: {  	_ =	swait.ge [sflag:s17], $0x800  }
0x1a3: {  	[sflag:s17] =	ssyncset.done $0x0  }
0x1a4: {  	[sflag:s17] =	ssyncadd.s32 $0xFFFFF800  }
0x1a5: {  	_ =	swait.ge [sflag:s17], $0x800  }
0x1a6: {  	[sflag:s17] =	ssyncset.done $0x0  }
0x1a7: {  	[sflag:s17] =	ssyncadd.s32 $0xFFFFF800  }
0x1a8: {  	_ =	swait.ge [sflag:s17], $0x800  }
0x1a9: {  	[sflag:s17] =	ssyncset.done $0x0  }
0x1aa: {  	[sflag:s17] =	ssyncadd.s32 $0xFFFFF800  }
0x1ab: {  	_ =	swait.ge [sflag:s17], $0x800  }
0x1ac: {  	[sflag:s17] =	ssyncset.done $0x0  }
0x1ad: {  	[sflag:s17] =	ssyncadd.s32 $0xFFFFF800  }
0x1ae: {  	_ =	swait.ge [sflag:s17], $0x800  }
0x1af: {  	[sflag:s17] =	ssyncset.done $0x0  }
0x1b0: {  	[sflag:s17] =	ssyncadd.s32 $0xFFFFF800  }
0x1b1: {  	_ =	swait.ge [sflag:s17], $0x800  }
0x1b2: {  	[sflag:s17] =	ssyncset.done $0x0  }
0x1b3: {  	[sflag:s17] =	ssyncadd.s32 $0xFFFFF800  }
0x1b4: {  	_ =	swait.ge [sflag:s17], $0x800  }
0x1b5: {  	[sflag:s17] =	ssyncset.done $0x0  }
0x1b6: {  	[sflag:s17] =	ssyncadd.s32 $0xFFFFF800  }
0x1b7: {  	_ =	swait.ge [sflag:s17], $0x800  }
0x1b8: {  	[sflag:s17] =	ssyncset.done $0x0  }
0x1b9: {  	[sflag:s17] =	ssyncadd.s32 $0xFFFFF800  }
0x1ba: {  	_ =	swait.ge [sflag:s17], $0x800  }
0x1bb: {  	[sflag:s17] =	ssyncset.done $0x0  }
0x1bc: {  	[sflag:s17] =	ssyncadd.s32 $0xFFFFF800  }
0x1bd: {  	_ =	swait.ge [sflag:s17], $0x800  }
0x1be: {  	[sflag:s17] =	ssyncset.done $0x0  }
0x1bf: {  	[sflag:s17] =	ssyncadd.s32 $0xFFFFF800  }
0x1c0: {  	_ =	swait.ge [sflag:s17], $0x800  }
0x1c1: {  	[sflag:s17] =	ssyncset.done $0x0  }
0x1c2: {  	[sflag:s17] =	ssyncadd.s32 $0xFFFFF800  }
0x1c3: {  	_ =	swait.ge [sflag:s17], $0x800  }
0x1c4: {  	[sflag:s17] =	ssyncset.done $0x0  }
0x1c5: {  	[sflag:s17] =	ssyncadd.s32 $0xFFFFF800  }
0x1c6: {  	_ =	swait.ge [sflag:s17], $0x800  }
0x1c7: {  	[sflag:s17] =	ssyncset.done $0x0  }
0x1c8: {  	[sflag:s17] =	ssyncadd.s32 $0xFFFFF800  }
0x1c9: {  	_ =	swait.ge [sflag:s17], $0x800  }
0x1ca: {  	[sflag:s17] =	ssyncset.done $0x0  }
0x1cb: {  	[sflag:s17] =	ssyncadd.s32 $0xFFFFF800  }
0x1cc: {  	_ =	swait.ge [sflag:s17], $0x800  }
0x1cd: {  	[sflag:s17] =	ssyncset.done $0x0  }
0x1ce: {  	[sflag:s17] =	ssyncadd.s32 $0xFFFFF800  }
0x1cf: {  	_ =	swait.ge [sflag:s17], $0x800  }
0x1d0: {  	[sflag:s17] =	ssyncset.done $0x0  }
0x1d1: {  	[sflag:s17] =	ssyncadd.s32 $0xFFFFF800  }
0x1d2: {  	_ =	swait.ge [sflag:s17], $0x800  }
0x1d3: {  	[sflag:s17] =	ssyncset.done $0x0  }
0x1d4: {  	[sflag:s17] =	ssyncadd.s32 $0xFFFFF800  }
0x1d5: {  	_ =	swait.ge [sflag:s17], $0x800  }
0x1d6: {  	[sflag:s17] =	ssyncset.done $0x0  }
0x1d7: {  	[sflag:s17] =	ssyncadd.s32 $0xFFFFF800  }
0x1d8: {  	_ =	swait.ge [sflag:s17], $0x800  }
0x1d9: {  	[sflag:s17] =	ssyncset.done $0x0  }
0x1da: {  	[sflag:s17] =	ssyncadd.s32 $0xFFFFF800  }
0x1db: {  	_ =	swait.ge [sflag:s17], $0x800  }
.Ltmp6:
0x1dc: {  	[sflag:s17] =	ssyncset.done $0x0;
	(pc) =	sbr.rel .LBB2_6-.Ltmp6, $4  }
0x1dd: {  	[sflag:s17] =	ssyncadd.s32 $0xFFFFF800  }
0x1de: {  	_ =	swait.ge [sflag:s17], $0x800  }
0x1df: {  	[sflag:s17] =	ssyncset.done $0x0  }
0x1e0: {  	[sflag:s17] =	ssyncadd.s32 $0xFFFFF800  }
.LBB2_7:
0x1e1: {  	_ =	swait.ge [sflag:s17], $0x800  }
0x1e2: {  	[sflag:s17] =	ssyncset.done $0x0  }
0x1e3: {  	[sflag:s17] =	ssyncadd.s32 $0xFFFFF800  }
0x1e4: {  	_ =	swait.ge [sflag:s17], $0x800  }
0x1e5: {  	[sflag:s17] =	ssyncset.done $0x0  }
0x1e6: {  	[sflag:s17] =	ssyncadd.s32 $0xFFFFF800  }
0x1e7: {  	_ =	swait.ge [sflag:s17], $0x800  }
0x1e8: {  	[sflag:s17] =	ssyncset.done $0x0  }
0x1e9: {  	[sflag:s17] =	ssyncadd.s32 $0xFFFFF800  }
0x1ea: {  	_ =	swait.ge [sflag:s17], $0x800  }
0x1eb: {  	[sflag:s17] =	ssyncset.done $0x0  }
0x1ec: {  	[sflag:s17] =	ssyncadd.s32 $0xFFFFF800  }
0x1ed: {  	_ =	swait.ge [sflag:s17], $0x800  }
0x1ee: {  	[sflag:s17] =	ssyncset.done $0x0  }
0x1ef: {  	[sflag:s17] =	ssyncadd.s32 $0xFFFFF800  }
0x1f0: {  	_ =	swait.ge [sflag:s17], $0x800  }
0x1f1: {  	[sflag:s17] =	ssyncset.done $0x0  }
0x1f2: {  	[sflag:s17] =	ssyncadd.s32 $0xFFFFF800  }
0x1f3: {  	_ =	swait.ge [sflag:s17], $0x800  }
0x1f4: {  	[sflag:s17] =	ssyncset.done $0x0  }
0x1f5: {  	[sflag:s17] =	ssyncadd.s32 $0xFFFFF800  }
0x1f6: {  	_ =	swait.ge [sflag:s17], $0x800  }
0x1f7: {  	[sflag:s17] =	ssyncset.done $0x0  }
0x1f8: {  	[sflag:s17] =	ssyncadd.s32 $0xFFFFF800  }
0x1f9: {  	_ =	swait.ge [sflag:s17], $0x800  }
0x1fa: {  	[sflag:s17] =	ssyncset.done $0x0  }
0x1fb: {  	[sflag:s17] =	ssyncadd.s32 $0xFFFFF800  }
0x1fc: {  	_ =	swait.ge [sflag:s17], $0x800  }
0x1fd: {  	[sflag:s17] =	ssyncset.done $0x0  }
0x1fe: {  	[sflag:s17] =	ssyncadd.s32 $0xFFFFF800  }
0x1ff: {  	_ =	swait.ge [sflag:s17], $0x800  }
0x200: {  	[sflag:s17] =	ssyncset.done $0x0  }
0x201: {  	[sflag:s17] =	ssyncadd.s32 $0xFFFFF800  }
0x202: {  	_ =	swait.ge [sflag:s17], $0x800  }
0x203: {  	[sflag:s17] =	ssyncset.done $0x0  }
0x204: {  	[sflag:s17] =	ssyncadd.s32 $0xFFFFF800  }
0x205: {  	_ =	swait.ge [sflag:s17], $0x800  }
0x206: {  	[sflag:s17] =	ssyncset.done $0x0  }
0x207: {  	[sflag:s17] =	ssyncadd.s32 $0xFFFFF800  }
0x208: {  	_ =	swait.ge [sflag:s17], $0x800  }
0x209: {  	[sflag:s17] =	ssyncset.done $0x0  }
0x20a: {  	[sflag:s17] =	ssyncadd.s32 $0xFFFFF800  }
0x20b: {  	_ =	swait.ge [sflag:s17], $0x800  }
0x20c: {  	[sflag:s17] =	ssyncset.done $0x0  }
0x20d: {  	[sflag:s17] =	ssyncadd.s32 $0xFFFFF800  }
0x20e: {  	_ =	swait.ge [sflag:s17], $0x800  }
0x20f: {  	[sflag:s17] =	ssyncset.done $0x0  }
0x210: {  	[sflag:s17] =	ssyncadd.s32 $0xFFFFF800  }
0x211: {  	_ =	swait.ge [sflag:s17], $0x800  }
0x212: {  	[sflag:s17] =	ssyncset.done $0x0  }
0x213: {  	[sflag:s17] =	ssyncadd.s32 $0xFFFFF800  }
0x214: {  	_ =	swait.ge [sflag:s17], $0x800  }
0x215: {  	[sflag:s17] =	ssyncset.done $0x0  }
0x216: {  	[sflag:s17] =	ssyncadd.s32 $0xFFFFF800  }
0x217: {  	_ =	swait.ge [sflag:s17], $0x800  }
0x218: {  	[sflag:s17] =	ssyncset.done $0x0  }
0x219: {  	[sflag:s17] =	ssyncadd.s32 $0xFFFFF800  }
0x21a: {  	_ =	swait.ge [sflag:s17], $0x800  }
0x21b: {  	[sflag:s17] =	ssyncset.done $0x0  }
0x21c: {  	[sflag:s17] =	ssyncadd.s32 $0xFFFFF800  }
0x21d: {  	_ =	swait.ge [sflag:s17], $0x800  }
0x21e: {  	[sflag:s17] =	ssyncset.done $0x0  }
0x21f: {  	[sflag:s17] =	ssyncadd.s32 $0xFFFFF800  }
0x220: {  	_ =	swait.ge [sflag:s17], $0x800  }
0x221: {  	[sflag:s17] =	ssyncset.done $0x0  }
0x222: {  	[sflag:s17] =	ssyncadd.s32 $0xFFFFF800  }
0x223: {  	_ =	swait.ge [sflag:s17], $0x800  }
0x224: {  	[sflag:s17] =	ssyncset.done $0x0  }
0x225: {  	[sflag:s17] =	ssyncadd.s32 $0xFFFFF800  }
0x226: {  	_ =	swait.ge [sflag:s17], $0x800  }
0x227: {  	[sflag:s17] =	ssyncset.done $0x0  }
0x228: {  	[sflag:s17] =	ssyncadd.s32 $0xFFFFF800  }
0x229: {  	_ =	swait.ge [sflag:s17], $0x800  }
0x22a: {  	[sflag:s17] =	ssyncset.done $0x0  }
0x22b: {  	s26 =	simm.s32 $0x10D80;
	[sflag:s17] =	ssyncadd.s32 $0xFFFFF800  }
0x22c: {  	[hbm4b:s8+s21] =	stream.indirect.scatter [tilespmem:s20], [sflag:$0x2], $0x10, s26, s21, $0xb8;
	[tilespmem:$0x11A60] =	vst v63  }
0x22d: {  	s22 =	simm.s32 $0x4D80;
	s23 =	simm.s32 $0x10E00  }
0x22e: {  	[hbm4b:s8+s21] =	stream.indirect.scatter [tilespmem:s22], [sflag:$0x2], $0x10, s23, s21, $0xb8;
	[tilespmem:$0x11A60] =	vst v63  }
0x22f: {  	s24 =	simm.s32 $0x5580;
	s25 =	simm.s32 $0x10E80  }
0x230: {  	[hbm4b:s8+s21] =	stream.indirect.scatter [tilespmem:s24], [sflag:$0x2], $0x10, s25, s21, $0xb8;
	[tilespmem:$0x11A60] =	vst v63  }
0x231: {  	s28 =	simm.s32 $0x5D80;
	s29 =	simm.s32 $0x10F00  }
0x232: {  	[hbm4b:s8+s21] =	stream.indirect.scatter [tilespmem:s28], [sflag:$0x2], $0x10, s29, s21, $0xb8;
	[tilespmem:$0x11A60] =	vst v63  }
0x233: {  	s24 =	simm.s32 $0x6580;
	s25 =	simm.s32 $0x10F80  }
0x234: {  	[hbm4b:s8+s21] =	stream.indirect.scatter [tilespmem:s24], [sflag:$0x2], $0x10, s25, s21, $0xb8;
	[tilespmem:$0x11A60] =	vst v63  }
0x235: {  	s28 =	simm.s32 $0x6D80;
	s29 =	simm.s32 $0x11000  }
0x236: {  	[hbm4b:s8+s21] =	stream.indirect.scatter [tilespmem:s28], [sflag:$0x2], $0x10, s29, s21, $0xb8;
	[tilespmem:$0x11A60] =	vst v63  }
0x237: {  	s23 =	simm.s32 $0x7580;
	s24 =	simm.s32 $0x11080  }
0x238: {  	[hbm4b:s8+s21] =	stream.indirect.scatter [tilespmem:s23], [sflag:$0x2], $0x10, s24, s21, $0xb8;
	[tilespmem:$0x11A60] =	vst v63  }
0x239: {  	s25 =	simm.s32 $0x7D80;
	s28 =	simm.s32 $0x11100  }
0x23a: {  	[hbm4b:s8+s21] =	stream.indirect.scatter [tilespmem:s25], [sflag:$0x2], $0x10, s28, s21, $0xb8;
	[tilespmem:$0x11A60] =	vst v63  }
0x23b: {  	s29 =	simm.s32 $0x11180  }
0x23c: {  	[hbm4b:s8+s21] =	stream.indirect.scatter [tilespmem:s30], [sflag:$0x2], $0x10, s29, s21, $0xb8;
	[tilespmem:$0x11A60] =	vst v63  }
0x23d: {  	s23 =	simm.s32 $0x11200  }
0x23e: {  	[hbm4b:s8+s21] =	stream.indirect.scatter [tilespmem:s31], [sflag:$0x2], $0x10, s23, s21, $0xb8;
	[tilespmem:$0x11A60] =	vst v63  }
0x23f: {  	s24 =	simm.s32 $0x11280  }
0x240: {  	[hbm4b:s8+s21] =	stream.indirect.scatter [tilespmem:s0], [sflag:$0x2], $0x10, s24, s21, $0xb8;
	[tilespmem:$0x11A60] =	vst v63  }
0x241: {  	s25 =	simm.s32 $0x11300  }
0x242: {  	[hbm4b:s8+s21] =	stream.indirect.scatter [tilespmem:s4], [sflag:$0x2], $0x10, s25, s21, $0xb8;
	[tilespmem:$0x11A60] =	vst v63  }
0x243: {  	s28 =	simm.s32 $0x11380  }
0x244: {  	[hbm4b:s8+s21] =	stream.indirect.scatter [tilespmem:s14], [sflag:$0x2], $0x10, s28, s21, $0xb8;
	[tilespmem:$0x11A60] =	vst v63  }
0x245: {  	s29 =	simm.s32 $0x11400  }
0x246: {  	[hbm4b:s8+s21] =	stream.indirect.scatter [tilespmem:s16], [sflag:$0x2], $0x10, s29, s21, $0xb8;
	[tilespmem:$0x11A60] =	vst v63  }
0x247: {  	s23 =	simm.s32 $0x11480  }
0x248: {  	[hbm4b:s8+s21] =	stream.indirect.scatter [tilespmem:s3], [sflag:$0x2], $0x10, s23, s21, $0xb8;
	[tilespmem:$0x11A60] =	vst v63  }
0x249: {  	s24 =	simm.s32 $0x11500  }
0x24a: {  	[hbm4b:s8+s21] =	stream.indirect.scatter [tilespmem:s6], [sflag:$0x2], $0x10, s24, s21, $0xb8;
	[tilespmem:$0x11A60] =	vst v63  }
0x24b: {  	s25 =	simm.s32 $0x11580  }
0x24c: {  	[hbm4b:s8+s21] =	stream.indirect.scatter [tilespmem:s1], [sflag:$0x2], $0x10, s25, s21, $0xb8;
	[tilespmem:$0x11A60] =	vst v63  }
0x24d: {  	s28 =	simm.s32 $0x11600  }
0x24e: {  	[hbm4b:s8+s21] =	stream.indirect.scatter [tilespmem:s18], [sflag:$0x2], $0x10, s28, s21, $0xb8;
	[tilespmem:$0x11A60] =	vst v63  }
0x24f: {  	s29 =	simm.s32 $0x11680  }
0x250: {  	[hbm4b:s8+s21] =	stream.indirect.scatter [tilespmem:s9], [sflag:$0x2], $0x10, s29, s21, $0xb8;
	[tilespmem:$0x11A60] =	vst v63  }
0x251: {  	s23 =	simm.s32 $0x11700  }
0x252: {  	[hbm4b:s8+s21] =	stream.indirect.scatter [tilespmem:s10], [sflag:$0x2], $0x10, s23, s21, $0xb8;
	[tilespmem:$0x11A60] =	vst v63  }
0x253: {  	s24 =	simm.s32 $0x11780  }
0x254: {  	[hbm4b:s8+s21] =	stream.indirect.scatter [tilespmem:s11], [sflag:$0x2], $0x10, s24, s21, $0xb8;
	[tilespmem:$0x11A60] =	vst v63  }
0x255: {  	s25 =	simm.s32 $0x11800  }
0x256: {  	[hbm4b:s8+s21] =	stream.indirect.scatter [tilespmem:s12], [sflag:$0x2], $0x10, s25, s21, $0xb8;
	[tilespmem:$0x11A60] =	vst v63  }
0x257: {  	s28 =	simm.s32 $0x11880  }
0x258: {  	[hbm4b:s8+s21] =	stream.indirect.scatter [tilespmem:s13], [sflag:$0x2], $0x10, s28, s21, $0xb8;
	[tilespmem:$0x11A60] =	vst v63  }
0x259: {  	s29 =	simm.s32 $0x11900  }
0x25a: {  	[hbm4b:s8+s21] =	stream.indirect.scatter [tilespmem:s5], [sflag:$0x2], $0x10, s29, s21, $0xb8;
	[tilespmem:$0x11A60] =	vst v63  }
0x25b: {  	s23 =	simm.s32 $0x11980  }
0x25c: {  	[hbm4b:s8+s21] =	stream.indirect.scatter [tilespmem:s19], [sflag:$0x2], $0x10, s23, s21, $0xb8;
	[tilespmem:$0x11A60] =	vst v63  }
0x25d: {  	_ =	swait.ge [sflag:s15], $0x800  }
0x25e: {  	[sflag:s15] =	ssyncset.done $0x0  }
0x25f: {  	[sflag:s15] =	ssyncadd.s32 $0xFFFFF800  }
0x260: {  	_ =	swait.ge [sflag:s15], $0x800  }
0x261: {  	[sflag:s15] =	ssyncset.done $0x0  }
0x262: {  	[sflag:s15] =	ssyncadd.s32 $0xFFFFF800  }
0x263: {  	_ =	swait.ge [sflag:s15], $0x800  }
0x264: {  	[sflag:s15] =	ssyncset.done $0x0  }
0x265: {  	[sflag:s15] =	ssyncadd.s32 $0xFFFFF800  }
0x266: {  	_ =	swait.ge [sflag:s15], $0x800  }
0x267: {  	[sflag:s15] =	ssyncset.done $0x0  }
0x268: {  	[sflag:s15] =	ssyncadd.s32 $0xFFFFF800  }
0x269: {  	_ =	swait.ge [sflag:s15], $0x800  }
0x26a: {  	[sflag:s15] =	ssyncset.done $0x0  }
0x26b: {  	[sflag:s15] =	ssyncadd.s32 $0xFFFFF800  }
0x26c: {  	_ =	swait.ge [sflag:s15], $0x800  }
0x26d: {  	[sflag:s15] =	ssyncset.done $0x0  }
0x26e: {  	[sflag:s15] =	ssyncadd.s32 $0xFFFFF800  }
0x26f: {  	_ =	swait.ge [sflag:s15], $0x800  }
0x270: {  	[sflag:s15] =	ssyncset.done $0x0  }
0x271: {  	[sflag:s15] =	ssyncadd.s32 $0xFFFFF800  }
0x272: {  	_ =	swait.ge [sflag:s15], $0x800  }
0x273: {  	[sflag:s15] =	ssyncset.done $0x0  }
0x274: {  	[sflag:s15] =	ssyncadd.s32 $0xFFFFF800  }
0x275: {  	_ =	swait.ge [sflag:s15], $0x800  }
0x276: {  	[sflag:s15] =	ssyncset.done $0x0  }
0x277: {  	[sflag:s15] =	ssyncadd.s32 $0xFFFFF800  }
0x278: {  	_ =	swait.ge [sflag:s15], $0x800  }
0x279: {  	[sflag:s15] =	ssyncset.done $0x0  }
0x27a: {  	[sflag:s15] =	ssyncadd.s32 $0xFFFFF800  }
0x27b: {  	_ =	swait.ge [sflag:s15], $0x800  }
0x27c: {  	[sflag:s15] =	ssyncset.done $0x0  }
0x27d: {  	[sflag:s15] =	ssyncadd.s32 $0xFFFFF800  }
0x27e: {  	_ =	swait.ge [sflag:s15], $0x800  }
0x27f: {  	[sflag:s15] =	ssyncset.done $0x0  }
0x280: {  	[sflag:s15] =	ssyncadd.s32 $0xFFFFF800  }
0x281: {  	_ =	swait.ge [sflag:s15], $0x800  }
0x282: {  	[sflag:s15] =	ssyncset.done $0x0  }
0x283: {  	[sflag:s15] =	ssyncadd.s32 $0xFFFFF800  }
0x284: {  	_ =	swait.ge [sflag:s15], $0x800  }
0x285: {  	[sflag:s15] =	ssyncset.done $0x0  }
0x286: {  	[sflag:s15] =	ssyncadd.s32 $0xFFFFF800  }
0x287: {  	_ =	swait.ge [sflag:s15], $0x800  }
0x288: {  	[sflag:s15] =	ssyncset.done $0x0  }
0x289: {  	[sflag:s15] =	ssyncadd.s32 $0xFFFFF800  }
0x28a: {  	_ =	swait.ge [sflag:s15], $0x800  }
0x28b: {  	[sflag:s15] =	ssyncset.done $0x0  }
0x28c: {  	[sflag:s15] =	ssyncadd.s32 $0xFFFFF800  }
0x28d: {  	_ =	swait.ge [sflag:s15], $0x800  }
0x28e: {  	[sflag:s15] =	ssyncset.done $0x0  }
0x28f: {  	[sflag:s15] =	ssyncadd.s32 $0xFFFFF800  }
0x290: {  	_ =	swait.ge [sflag:s15], $0x800  }
0x291: {  	[sflag:s15] =	ssyncset.done $0x0  }
0x292: {  	[sflag:s15] =	ssyncadd.s32 $0xFFFFF800  }
0x293: {  	_ =	swait.ge [sflag:s15], $0x800  }
0x294: {  	[sflag:s15] =	ssyncset.done $0x0  }
0x295: {  	[sflag:s15] =	ssyncadd.s32 $0xFFFFF800  }
0x296: {  	_ =	swait.ge [sflag:s15], $0x800  }
0x297: {  	[sflag:s15] =	ssyncset.done $0x0  }
0x298: {  	[sflag:s15] =	ssyncadd.s32 $0xFFFFF800  }
0x299: {  	_ =	swait.ge [sflag:s15], $0x800  }
0x29a: {  	[sflag:s15] =	ssyncset.done $0x0  }
0x29b: {  	[sflag:s15] =	ssyncadd.s32 $0xFFFFF800  }
0x29c: {  	_ =	swait.ge [sflag:s15], $0x800  }
0x29d: {  	[sflag:s15] =	ssyncset.done $0x0  }
0x29e: {  	[sflag:s15] =	ssyncadd.s32 $0xFFFFF800  }
0x29f: {  	_ =	swait.ge [sflag:s15], $0x800  }
0x2a0: {  	[sflag:s15] =	ssyncset.done $0x0  }
0x2a1: {  	[sflag:s15] =	ssyncadd.s32 $0xFFFFF800  }
0x2a2: {  	_ =	swait.ge [sflag:s15], $0x800  }
0x2a3: {  	[sflag:s15] =	ssyncset.done $0x0  }
0x2a4: {  	[sflag:s15] =	ssyncadd.s32 $0xFFFFF800  }
0x2a5: {  	_ =	swait.ge [sflag:s15], $0x800  }
0x2a6: {  	[sflag:s15] =	ssyncset.done $0x0  }
0x2a7: {  	s24 =	rddreg [dreg:$0xb];
	[sflag:s15] =	ssyncadd.s32 $0xFFFFF800  }
0x2a8: {  	v4 =	vld [tilespmem:s24+$0x11A00];
	_ =	sdelay $0x4  }
0x2a9: {  	v4 =	vnsel vm1, $0x0, v4  }
0x2aa: {  	(xrf0) =	vadd.scan.msk.s32 $0xffff, v4;
	_ =	sdelay $0x5  }
0x2ab: {  	v4, _, _ =	vpop (xrf0)  }
0x2ac: {  	(v2sf) =	vpush v4, $0xF;
	_ =	sdelay $0xe  }
0x2ad: {  	s25 =	spop (v2sf)  }
0x2ae: {  	s28 =	rddreg [dreg:$0x0];
	s22 =	sshrl.u32 s25, $0x3  }
0x2af: {  	s24 =	simm.s32 $0x3;
	s23 =	sadd.s32 s28, s22;
	s22 =	simm.s32 $0x0  }
0x2b0: {  	[tilespmem:s22], [sflag:$0x3] =	stream.linear.gather [hbm4b:s23+s22], $0x2000, $0x38;
	[tilespmem:$0x11A60] =	vst v63  }
0x2b1: {  	_ =	swait.ge [sflag:s24], $0x2000  }
0x2b2: {  	[sflag:s24] =	ssyncset.done $0x0  }
0x2b3: {  	s25 =	simm.s32 $0x2000;
	s29 =	rddreg [dreg:$0x8];
	[sflag:s24] =	ssyncadd.s32 $0xFFFFE000  }
0x2b4: {  	[tilespmem:s25], [sflag:$0x3] =	stream.linear.gather [hbm4b:s29+s22], $0xC80, $0x38;
	[tilespmem:$0x11A60] =	vst v63  }
0x2b5: {  	_ =	swait.ge [sflag:s24], $0xC80  }
0x2b6: {  	[sflag:s24] =	ssyncset.done $0x0  }
0x2b7: {  	s28 =	rddreg [dreg:$0x9];
	[sflag:s24] =	ssyncadd.s32 $0xFFFFF380  }
0x2b8: {  	[tilespmem:s26], [sflag:$0x3] =	stream.linear.gather [hbm4b:s28+s22], $0xC80, $0x38;
	[tilespmem:$0x11A60] =	vst v63  }
0x2b9: {  	_ =	swait.ge [sflag:s24], $0xC80  }
0x2ba: {  	[sflag:s24] =	ssyncset.done $0x0  }
.Ltmp7:
0x2bb: {  	s29 =	rddreg [dreg:$0x4];
	[sflag:s24] =	ssyncadd.s32 $0xFFFFF380;
	(pc) =	sbr.rel .LBB2_8-.Ltmp7, $4  }
0x2bc: {  	[tilespmem:s20], [sflag:$0x3] =	stream.linear.gather [hbm4b:s29+s22], $0xC800, $0x38;
	[tilespmem:$0x11A60] =	vst v63  }
0x2bd: {  	_ =	swait.ge [sflag:s24], $0xC800  }
0x2be: {  	[sflag:s24] =	ssyncset.done $0x0  }
0x2bf: {  	v4 =	vbroadcast v4, $0xF;
	[sflag:s24] =	ssyncadd.s32 $0xFFFF3800  }
.LBB2_12:
0x2c0: {  	[tilespmem:s20], [sflag:$0x1] =	stream.indirect.gather.add.f32 [hbm:s7], $0x10, s24, s21, $0xb8;
	[tilespmem:$0x11A60] =	vst v63  }
0x2c1: {  	s26 =	sadd.s32 $0x2D00, s23;
	s25 =	simm.s32 $0x4D80  }
0x2c2: {  	[tilespmem:s25], [sflag:$0x1] =	stream.indirect.gather.add.f32 [hbm:s7], $0x10, s26, s21, $0xb8;
	[tilespmem:$0x11A60] =	vst v63  }
0x2c3: {  	s28 =	sadd.s32 $0x2D80, s23;
	s29 =	simm.s32 $0x5580  }
0x2c4: {  	[tilespmem:s29], [sflag:$0x1] =	stream.indirect.gather.add.f32 [hbm:s7], $0x10, s28, s21, $0xb8;
	[tilespmem:$0x11A60] =	vst v63  }
0x2c5: {  	s25 =	sadd.s32 $0x2E00, s23;
	s26 =	simm.s32 $0x5D80  }
0x2c6: {  	[tilespmem:s26], [sflag:$0x1] =	stream.indirect.gather.add.f32 [hbm:s7], $0x10, s25, s21, $0xb8;
	[tilespmem:$0x11A60] =	vst v63  }
0x2c7: {  	s28 =	sadd.s32 $0x2E80, s23;
	s29 =	simm.s32 $0x6580  }
0x2c8: {  	[tilespmem:s29], [sflag:$0x1] =	stream.indirect.gather.add.f32 [hbm:s7], $0x10, s28, s21, $0xb8;
	[tilespmem:$0x11A60] =	vst v63  }
0x2c9: {  	s25 =	sadd.s32 $0x2F00, s23;
	s26 =	simm.s32 $0x6D80  }
0x2ca: {  	[tilespmem:s26], [sflag:$0x1] =	stream.indirect.gather.add.f32 [hbm:s7], $0x10, s25, s21, $0xb8;
	[tilespmem:$0x11A60] =	vst v63  }
0x2cb: {  	s28 =	sadd.s32 $0x2F80, s23;
	s29 =	simm.s32 $0x7580  }
0x2cc: {  	[tilespmem:s29], [sflag:$0x1] =	stream.indirect.gather.add.f32 [hbm:s7], $0x10, s28, s21, $0xb8;
	[tilespmem:$0x11A60] =	vst v63  }
0x2cd: {  	s26 =	sor.u32 $0x3000, s23;
	s28 =	simm.s32 $0x7D80  }
0x2ce: {  	[tilespmem:s28], [sflag:$0x1] =	stream.indirect.gather.add.f32 [hbm:s7], $0x10, s26, s21, $0xb8;
	[tilespmem:$0x11A60] =	vst v63  }
0x2cf: {  	s29 =	sadd.s32 $0x3080, s23  }
0x2d0: {  	[tilespmem:s30], [sflag:$0x1] =	stream.indirect.gather.add.f32 [hbm:s7], $0x10, s29, s21, $0xb8;
	[tilespmem:$0x11A60] =	vst v63  }
0x2d1: {  	s25 =	sadd.s32 $0x3100, s23  }
0x2d2: {  	[tilespmem:s31], [sflag:$0x1] =	stream.indirect.gather.add.f32 [hbm:s7], $0x10, s25, s21, $0xb8;
	[tilespmem:$0x11A60] =	vst v63  }
0x2d3: {  	s26 =	sadd.s32 $0x3180, s23  }
0x2d4: {  	[tilespmem:s0], [sflag:$0x1] =	stream.indirect.gather.add.f32 [hbm:s7], $0x10, s26, s21, $0xb8;
	[tilespmem:$0x11A60] =	vst v63  }
0x2d5: {  	s28 =	sadd.s32 $0x3200, s23  }
0x2d6: {  	[tilespmem:s4], [sflag:$0x1] =	stream.indirect.gather.add.f32 [hbm:s7], $0x10, s28, s21, $0xb8;
	[tilespmem:$0x11A60] =	vst v63  }
0x2d7: {  	s29 =	sadd.s32 $0x3280, s23  }
0x2d8: {  	[tilespmem:s14], [sflag:$0x1] =	stream.indirect.gather.add.f32 [hbm:s7], $0x10, s29, s21, $0xb8;
	[tilespmem:$0x11A60] =	vst v63  }
0x2d9: {  	s25 =	sadd.s32 $0x3300, s23  }
0x2da: {  	[tilespmem:s16], [sflag:$0x1] =	stream.indirect.gather.add.f32 [hbm:s7], $0x10, s25, s21, $0xb8;
	[tilespmem:$0x11A60] =	vst v63  }
0x2db: {  	s26 =	sadd.s32 $0x3380, s23  }
0x2dc: {  	[tilespmem:s3], [sflag:$0x1] =	stream.indirect.gather.add.f32 [hbm:s7], $0x10, s26, s21, $0xb8;
	[tilespmem:$0x11A60] =	vst v63  }
0x2dd: {  	s28 =	sadd.s32 $0x3400, s23  }
0x2de: {  	[tilespmem:s6], [sflag:$0x1] =	stream.indirect.gather.add.f32 [hbm:s7], $0x10, s28, s21, $0xb8;
	[tilespmem:$0x11A60] =	vst v63  }
0x2df: {  	s29 =	sadd.s32 $0x3480, s23  }
0x2e0: {  	[tilespmem:s1], [sflag:$0x1] =	stream.indirect.gather.add.f32 [hbm:s7], $0x10, s29, s21, $0xb8;
	[tilespmem:$0x11A60] =	vst v63  }
0x2e1: {  	s25 =	sadd.s32 $0x3500, s23  }
0x2e2: {  	[tilespmem:s18], [sflag:$0x1] =	stream.indirect.gather.add.f32 [hbm:s7], $0x10, s25, s21, $0xb8;
	[tilespmem:$0x11A60] =	vst v63  }
0x2e3: {  	s26 =	sadd.s32 $0x3580, s23  }
0x2e4: {  	[tilespmem:s9], [sflag:$0x1] =	stream.indirect.gather.add.f32 [hbm:s7], $0x10, s26, s21, $0xb8;
	[tilespmem:$0x11A60] =	vst v63  }
0x2e5: {  	s28 =	sadd.s32 $0x3600, s23  }
0x2e6: {  	[tilespmem:s10], [sflag:$0x1] =	stream.indirect.gather.add.f32 [hbm:s7], $0x10, s28, s21, $0xb8;
	[tilespmem:$0x11A60] =	vst v63  }
0x2e7: {  	s29 =	sadd.s32 $0x3680, s23  }
0x2e8: {  	[tilespmem:s11], [sflag:$0x1] =	stream.indirect.gather.add.f32 [hbm:s7], $0x10, s29, s21, $0xb8;
	[tilespmem:$0x11A60] =	vst v63  }
0x2e9: {  	s22 =	sadd.s32 $0x1, s22;
	s25 =	sadd.s32 $0x3700, s23  }
0x2ea: {  	[tilespmem:s12], [sflag:$0x1] =	stream.indirect.gather.add.f32 [hbm:s7], $0x10, s25, s21, $0xb8;
	[tilespmem:$0x11A60] =	vst v63  }
0x2eb: {  	p0 =	sne.s32 s22, $0x1B;
	s26 =	sadd.s32 $0x3780, s23  }
0x2ec: {  	[tilespmem:s13], [sflag:$0x1] =	stream.indirect.gather.add.f32 [hbm:s7], $0x10, s26, s21, $0xb8;
	[tilespmem:$0x11A60] =	vst v63  }
.Ltmp8:
0x2ed: {  	_ = 	snop;
	(pc) =	sbr.rel @!p0 .LBB2_13-.Ltmp8, $4  }
0x2ee: {  	s28 =	sadd.s32 $0x3800, s23  }
0x2ef: {  	[tilespmem:s5], [sflag:$0x1] =	stream.indirect.gather.add.f32 [hbm:s7], $0x10, s28, s21, $0xb8;
	[tilespmem:$0x11A60] =	vst v63  }
0x2f0: {  	s29 =	sadd.s32 $0x3880, s23  }
0x2f1: {  	[tilespmem:s19], [sflag:$0x1] =	stream.indirect.gather.add.f32 [hbm:s7], $0x10, s29, s21, $0xb8;
	[tilespmem:$0x11A60] =	vst v63  }
.LBB2_8:
0x2f2: {  	s23 =	sand.u32 $0x10, s22  }
0x2f3: {  	v5 =	vld [tilespmem:s23+$0x11A40];
	_ =	sdelay $0x1  }
0x2f4: {  	s28 =	sand.u32 $0xF, s22  }
0x2f5: {  	v6 =	vmov s28  }
0x2f6: {  	vm2 =	veq.s32 v6, v0  }
0x2f7: {  	v5 =	vnsel vm2, $0x0, v5  }
0x2f8: {  	(xrf0) =	vadd.scan.msk.s32 $0xffff, v5;
	_ =	sdelay $0x3  }
0x2f9: {  	s24 =	smul.u32 $0x32000, s22;
	s29 =	sand.u32 $0x1, s22  }
0x2fa: {  	p0 =	seq.s32 s29, $0x1;
	s23 =	simm.s32 $0xC80  }
0x2fb: {  	s25 =	sadd.s32 $0x30D40, s24;
	s23 =	simm.s32 @!p0 $0x0;
	v5, _, _ =	vpop (xrf0)  }
0x2fc: {  	s26 =	simm.s32 $0x0;
	v6 =	vadd.s32 s24, v4;
	v7 =	vmov s25;
	s24 =	sadd.s32 $0x2C80, s23;
	s25 =	simm.s32 $0x0;
	v5 =	vbroadcast v5, $0xF  }
.LBB2_9:
0x2fd: {  	s28 =	sshra.s32 s25, $0x2  }
0x2fe: {  	v8 =	vld [tilespmem:s28+$0x2000]  }
0x2ff: {  	v9 =	vld.idx.msk [tilespmem:v1+s2+$0x0], $0xffff;
	_ =	sdelay $0x3  }
0x300: {  	v8 =	vadd.s32 v5, v8  }
0x301: {  	vm2 =	vlt.s32 v9, v8  }
0x302: {  	v9 =	vsel vm2, $0x1800, v3;
	_ =	sdelay $0x4  }
0x303: {  	v10 =	vld.idx.msk [tilespmem:v9+s2+$0x0], $0xffff;
	_ =	sdelay $0x4  }
0x304: {  	v11 =	vsel vm2, $0x2000, v1;
	vm3 =	vlt.s32 v10, v8  }
0x305: {  	v41 =	vsel vm2, $0x1001, v2;
	v12 =	vor.u32 $0x1, v9;
	v9 =	vsel vm3, v11, v9  }
0x306: {  	v10 =	vsel vm3, v12, v41;
	v11 =	vadd.s32 $0xFFFFFFFF, v9  }
0x307: {  	v12 =	vxor.u32 v11, v10  }
0x308: {  	v11 =	vor.u32 v11, v10;
	v12 =	vshrl.u32 v12, $0x1  }
0x309: {  	v11 =	vsub.s32 v11, v12;
	_ =	sdelay $0x4  }
0x30a: {  	v12 =	vld.idx.msk [tilespmem:v11+s2+$0x0], $0xffff;
	_ =	sdelay $0x4  }
0x30b: {  	v42 =	vor.u32 $0x1, v11;
	vm2 =	vlt.s32 v12, v8  }
0x30c: {  	v10 =	vsel vm2, v42, v10;
	v9 =	vsel vm2, v9, v11  }
0x30d: {  	v11 =	vxor.u32 v9, v10  }
0x30e: {  	v12 =	vand.u32 v9, v10;
	v11 =	vshrl.u32 v11, $0x1  }
0x30f: {  	v11 =	vadd.s32 v11, v12;
	_ =	sdelay $0x4  }
0x310: {  	v12 =	vld.idx.msk [tilespmem:v11+s2+$0x0], $0xffff;
	_ =	sdelay $0x4  }
0x311: {  	v43 =	vadd.s32 $0x1, v11;
	vm2 =	vlt.s32 v12, v8  }
0x312: {  	v10 =	vsel vm2, v43, v10;
	v9 =	vsel vm2, v9, v11  }
0x313: {  	v11 =	vadd.s32 v9, v10  }
0x314: {  	v11 =	vshrl.u32 v11, $0x1;
	_ =	sdelay $0x4  }
0x315: {  	v44 =	vld.idx.msk [tilespmem:v11+s2+$0x0], $0xffff;
	_ =	sdelay $0x4  }
0x316: {  	v45 =	vadd.s32 $0x1, v11;
	vm2 =	vlt.s32 v44, v8  }
0x317: {  	v10 =	vsel vm2, v45, v10;
	v9 =	vsel vm2, v9, v11  }
0x318: {  	v11 =	vadd.s32 v9, v10  }
0x319: {  	v11 =	vshrl.u32 v11, $0x1;
	_ =	sdelay $0x4  }
0x31a: {  	v46 =	vld.idx.msk [tilespmem:v11+s2+$0x0], $0xffff;
	_ =	sdelay $0x4  }
0x31b: {  	v47 =	vadd.s32 $0x1, v11;
	vm2 =	vlt.s32 v46, v8  }
0x31c: {  	v10 =	vsel vm2, v47, v10;
	v9 =	vsel vm2, v9, v11  }
0x31d: {  	v11 =	vadd.s32 v9, v10  }
0x31e: {  	v11 =	vshrl.u32 v11, $0x1;
	_ =	sdelay $0x4  }
0x31f: {  	v48 =	vld.idx.msk [tilespmem:v11+s2+$0x0], $0xffff;
	_ =	sdelay $0x4  }
0x320: {  	v49 =	vadd.s32 $0x1, v11;
	vm2 =	vlt.s32 v48, v8  }
0x321: {  	v10 =	vsel vm2, v49, v10;
	v9 =	vsel vm2, v9, v11  }
0x322: {  	v11 =	vadd.s32 v9, v10  }
0x323: {  	v11 =	vshrl.u32 v11, $0x1;
	_ =	sdelay $0x4  }
0x324: {  	v50 =	vld.idx.msk [tilespmem:v11+s2+$0x0], $0xffff;
	_ =	sdelay $0x4  }
0x325: {  	v51 =	vadd.s32 $0x1, v11;
	vm2 =	vlt.s32 v50, v8  }
0x326: {  	v10 =	vsel vm2, v51, v10;
	v9 =	vsel vm2, v9, v11  }
0x327: {  	v11 =	vadd.s32 v9, v10  }
0x328: {  	v11 =	vshrl.u32 v11, $0x1;
	_ =	sdelay $0x4  }
0x329: {  	v52 =	vld.idx.msk [tilespmem:v11+s2+$0x0], $0xffff;
	_ =	sdelay $0x4  }
0x32a: {  	v53 =	vadd.s32 $0x1, v11;
	vm2 =	vlt.s32 v52, v8  }
0x32b: {  	v10 =	vsel vm2, v53, v10;
	v9 =	vsel vm2, v9, v11  }
0x32c: {  	v11 =	vadd.s32 v9, v10  }
0x32d: {  	v11 =	vshrl.u32 v11, $0x1;
	_ =	sdelay $0x4  }
0x32e: {  	v54 =	vld.idx.msk [tilespmem:v11+s2+$0x0], $0xffff;
	_ =	sdelay $0x4  }
0x32f: {  	v55 =	vadd.s32 $0x1, v11;
	vm2 =	vlt.s32 v54, v8  }
0x330: {  	v10 =	vsel vm2, v55, v10;
	v9 =	vsel vm2, v9, v11  }
0x331: {  	v11 =	vadd.s32 v9, v10  }
0x332: {  	v11 =	vshrl.u32 v11, $0x1;
	_ =	sdelay $0x4  }
0x333: {  	v56 =	vld.idx.msk [tilespmem:v11+s2+$0x0], $0xffff;
	_ =	sdelay $0x4  }
0x334: {  	v57 =	vadd.s32 $0x1, v11;
	vm2 =	vlt.s32 v56, v8  }
0x335: {  	v10 =	vsel vm2, v57, v10;
	v9 =	vsel vm2, v9, v11  }
0x336: {  	v11 =	vadd.s32 v9, v10  }
0x337: {  	v11 =	vshrl.u32 v11, $0x1;
	_ =	sdelay $0x4  }
0x338: {  	v58 =	vld.idx.msk [tilespmem:v11+s2+$0x0], $0xffff;
	_ =	sdelay $0x4  }
0x339: {  	v59 =	vadd.s32 $0x1, v11;
	vm2 =	vlt.s32 v58, v8  }
0x33a: {  	v10 =	vsel vm2, v59, v10;
	v9 =	vsel vm2, v9, v11  }
0x33b: {  	v11 =	vadd.s32 v9, v10  }
0x33c: {  	v11 =	vshrl.u32 v11, $0x1;
	_ =	sdelay $0x4  }
0x33d: {  	v60 =	vld.idx.msk [tilespmem:v11+s2+$0x0], $0xffff;
	_ =	sdelay $0x4  }
0x33e: {  	v61 =	vadd.s32 $0x1, v11;
	vm2 =	vlt.s32 v60, v8  }
0x33f: {  	v10 =	vsel vm2, v61, v10;
	v9 =	vsel vm2, v9, v11  }
0x340: {  	v9 =	vadd.s32 v9, v10  }
0x341: {  	v9 =	vshrl.u32 v9, $0x1;
	_ =	sdelay $0x4  }
0x342: {  	v62 =	vld.idx.msk [tilespmem:v9+s2+$0x0], $0xffff;
	_ =	sdelay $0x4  }
0x343: {  	v9 =	vadd.s32 $0x1, v9;
	vm2 =	vlt.s32 v62, v8  }
0x344: {  	v9 =	vsel vm2, v9, v10  }
0x345: {  	v10 =	vmin.u32 v9, $0x1FFF;
	_ =	sdelay $0x4  }
0x346: {  	v63 =	vld.idx.msk [tilespmem:v10+s2+$0x0], $0xffff;
	_ =	sdelay $0x2  }
0x347: {  	p0 =	sne.s32 s26, $0xC70  }
.Ltmp9:
0x348: {  	s29 =	sand.u32 $0x3E00, s25;
	(pc) =	sbr.rel @p0 .LBB2_9-.Ltmp9, $4  }
0x349: {  	s28 =	sshrl.u32 s29, $0x2;
	vm2 =	vlt.u32 v9, $0x2000;
	vm3 =	veq.s32 v63, v8  }
0x34a: {  	s29 =	sand.u32 $0x70, s26;
	s28 =	sadd.s32 s28, s24;
	v8 =	vadd.s32 v10, v6;
	vm2 =	vmand vm3, vm2  }
0x34b: {  	s28 =	sadd.s32 s29, s28;
	v8 =	vsel vm2, v8, v7  }
0x34c: {  	s25 =	sadd.s32 $0x40, s25;
	s26 =	sadd.s32 $0x10, s26;
	[tilespmem:s28+$0x0] =	vst v8  }
0x34d: {  	p0 =	seq.s32 s22, $0x0  }
.Ltmp10:
0x34e: {  	_ = 	snop;
	(pc) =	sbr.rel @p0 .LBB2_12-.Ltmp10, $1  }
0x34f: {  	_ =	sdelay $0x3  }
0x350: {  	_ =	swait.ge [sflag:s17], $0x800  }
0x351: {  	[sflag:s17] =	ssyncset.done $0x0  }
0x352: {  	[sflag:s17] =	ssyncadd.s32 $0xFFFFF800  }
0x353: {  	_ =	swait.ge [sflag:s17], $0x800  }
0x354: {  	[sflag:s17] =	ssyncset.done $0x0  }
0x355: {  	[sflag:s17] =	ssyncadd.s32 $0xFFFFF800  }
0x356: {  	_ =	swait.ge [sflag:s17], $0x800  }
0x357: {  	[sflag:s17] =	ssyncset.done $0x0  }
0x358: {  	[sflag:s17] =	ssyncadd.s32 $0xFFFFF800  }
0x359: {  	_ =	swait.ge [sflag:s17], $0x800  }
0x35a: {  	[sflag:s17] =	ssyncset.done $0x0  }
0x35b: {  	[sflag:s17] =	ssyncadd.s32 $0xFFFFF800  }
0x35c: {  	_ =	swait.ge [sflag:s17], $0x800  }
0x35d: {  	[sflag:s17] =	ssyncset.done $0x0  }
0x35e: {  	[sflag:s17] =	ssyncadd.s32 $0xFFFFF800  }
0x35f: {  	_ =	swait.ge [sflag:s17], $0x800  }
0x360: {  	[sflag:s17] =	ssyncset.done $0x0  }
0x361: {  	[sflag:s17] =	ssyncadd.s32 $0xFFFFF800  }
0x362: {  	_ =	swait.ge [sflag:s17], $0x800  }
0x363: {  	[sflag:s17] =	ssyncset.done $0x0  }
0x364: {  	[sflag:s17] =	ssyncadd.s32 $0xFFFFF800  }
0x365: {  	_ =	swait.ge [sflag:s17], $0x800  }
0x366: {  	[sflag:s17] =	ssyncset.done $0x0  }
0x367: {  	[sflag:s17] =	ssyncadd.s32 $0xFFFFF800  }
0x368: {  	_ =	swait.ge [sflag:s17], $0x800  }
0x369: {  	[sflag:s17] =	ssyncset.done $0x0  }
0x36a: {  	[sflag:s17] =	ssyncadd.s32 $0xFFFFF800  }
0x36b: {  	_ =	swait.ge [sflag:s17], $0x800  }
0x36c: {  	[sflag:s17] =	ssyncset.done $0x0  }
0x36d: {  	[sflag:s17] =	ssyncadd.s32 $0xFFFFF800  }
0x36e: {  	_ =	swait.ge [sflag:s17], $0x800  }
0x36f: {  	[sflag:s17] =	ssyncset.done $0x0  }
0x370: {  	[sflag:s17] =	ssyncadd.s32 $0xFFFFF800  }
0x371: {  	_ =	swait.ge [sflag:s17], $0x800  }
0x372: {  	[sflag:s17] =	ssyncset.done $0x0  }
0x373: {  	[sflag:s17] =	ssyncadd.s32 $0xFFFFF800  }
0x374: {  	_ =	swait.ge [sflag:s17], $0x800  }
0x375: {  	[sflag:s17] =	ssyncset.done $0x0  }
0x376: {  	[sflag:s17] =	ssyncadd.s32 $0xFFFFF800  }
0x377: {  	_ =	swait.ge [sflag:s17], $0x800  }
0x378: {  	[sflag:s17] =	ssyncset.done $0x0  }
0x379: {  	[sflag:s17] =	ssyncadd.s32 $0xFFFFF800  }
0x37a: {  	_ =	swait.ge [sflag:s17], $0x800  }
0x37b: {  	[sflag:s17] =	ssyncset.done $0x0  }
0x37c: {  	[sflag:s17] =	ssyncadd.s32 $0xFFFFF800  }
0x37d: {  	_ =	swait.ge [sflag:s17], $0x800  }
0x37e: {  	[sflag:s17] =	ssyncset.done $0x0  }
0x37f: {  	[sflag:s17] =	ssyncadd.s32 $0xFFFFF800  }
0x380: {  	_ =	swait.ge [sflag:s17], $0x800  }
0x381: {  	[sflag:s17] =	ssyncset.done $0x0  }
0x382: {  	[sflag:s17] =	ssyncadd.s32 $0xFFFFF800  }
0x383: {  	_ =	swait.ge [sflag:s17], $0x800  }
0x384: {  	[sflag:s17] =	ssyncset.done $0x0  }
0x385: {  	[sflag:s17] =	ssyncadd.s32 $0xFFFFF800  }
0x386: {  	_ =	swait.ge [sflag:s17], $0x800  }
0x387: {  	[sflag:s17] =	ssyncset.done $0x0  }
0x388: {  	[sflag:s17] =	ssyncadd.s32 $0xFFFFF800  }
0x389: {  	_ =	swait.ge [sflag:s17], $0x800  }
0x38a: {  	[sflag:s17] =	ssyncset.done $0x0  }
0x38b: {  	[sflag:s17] =	ssyncadd.s32 $0xFFFFF800  }
0x38c: {  	_ =	swait.ge [sflag:s17], $0x800  }
0x38d: {  	[sflag:s17] =	ssyncset.done $0x0  }
0x38e: {  	[sflag:s17] =	ssyncadd.s32 $0xFFFFF800  }
0x38f: {  	_ =	swait.ge [sflag:s17], $0x800  }
0x390: {  	[sflag:s17] =	ssyncset.done $0x0  }
0x391: {  	[sflag:s17] =	ssyncadd.s32 $0xFFFFF800  }
0x392: {  	_ =	swait.ge [sflag:s17], $0x800  }
0x393: {  	[sflag:s17] =	ssyncset.done $0x0  }
0x394: {  	[sflag:s17] =	ssyncadd.s32 $0xFFFFF800  }
0x395: {  	_ =	swait.ge [sflag:s17], $0x800  }
.Ltmp11:
0x396: {  	[sflag:s17] =	ssyncset.done $0x0;
	(pc) =	sbr.rel .LBB2_12-.Ltmp11, $4  }
0x397: {  	[sflag:s17] =	ssyncadd.s32 $0xFFFFF800  }
0x398: {  	_ =	swait.ge [sflag:s17], $0x800  }
0x399: {  	[sflag:s17] =	ssyncset.done $0x0  }
0x39a: {  	[sflag:s17] =	ssyncadd.s32 $0xFFFFF800  }
.LBB2_14:
0x39b: {  	_ =	sfence.sel $0x180000  }
0x39c: {  	[bflag:$0x0] =	sbarrier.arrive $0xFFFF  }
0x39d: {  	_ =	strace $0x9000004D  }
0x39e: {  	s0 =	stileid.u32;
	[bflag:$0x2] =	sbarrier.arrive $0xFFFF  }
0x39f: {  	p0 =	sne.s32 s0, $0x0;
	s0 =	rddreg [dreg:$0x2]  }
0x3a0: {  	s0 =	sadd.s32 @!p0 $0x100000, s0  }
0x3a1: {  	[sflag:s0] =	ssyncadd.tile.s32 @!p0 $0x1;
	_ =	shalt  }
.Lfunc_end2:
_tile_overlayer_lowered:
.L_overlay_start_2:
0x3a2: {  	(tag) =	ssettag $0x2  }
0x3a3: {  	s0 =	rddreg [dreg:$0x0];
	s2 =	stileid.u32  }
0x3a4: {  	s1 =	rddreg [dreg:$0x1];
	p0 =	sne.s32 s2, $0x0  }
0x3a5: {  	s3 =	rddreg [dreg:$0x2];
	[bflag:$0x3] =	sbarrier.arrive $0xFFFF;
	s2 =	simm.s32 @!p0 $0x1C03  }
0x3a6: {  	[timem:s3], [sflag:s2] =	dma.local @!p0 [hbm:s0], s1  }
0x3a7: {  	s0 =	simm.s32 @!p0 $0x3  }
0x3a8: {  	_ =	swait.ge @!p0 [sflag:s0], s1  }
0x3a9: {  	s1 =	ssub.s32 @!p0 $0x0, s1;
	[sflag:s0] =	ssyncset.done @!p0 $0x0  }
0x3aa: {  	[sflag:s0] =	ssyncadd.s32 @!p0 s1  }
0x3ab: {  	[bflag:$0x3] =	sbarrier.arrive $0xFFFF  }
0x3ac: {  	_ =	shalt  }

</sc_bundles>
